<compile_context>
chip_gen: v7x
topology: tpu7x:2x2x1
jax: 0.10.2.dev20260603
libtpu: 0.0.44.dev20260713+nightly
codegen_flags: <defaults>
</compile_context>

<pallas_src>
import jax
import jax.numpy as jnp
from jax import lax
from jax.experimental import pallas as pl
from jax.experimental.pallas import tpu as pltpu
from jax.experimental.pallas import tpu_sc as plsc

N = 10000
D = 128
HD = D // 2
NC = 2
NS = 16
CH = 80
NCHUNK = 250
EPW = CH * NCHUNK
NPAD = 10000
RPT = NPAD // NS
RBLK = [(i * CH, CH) for i in range(RPT // CH)] + [((RPT // CH) * CH, RPT % CH)]
NBG = 10
NBS = 3

def _proj_body(self_ref, neigh_ref, w_ref, as_ref, an_ref,
               fs_ref, fab_ref, sw_ref, aw_ref):
    fs = jnp.dot(self_ref[...], w_ref[...], preferred_element_type=jnp.float32)
    fa = jnp.dot(neigh_ref[...], w_ref[...], preferred_element_type=jnp.float32)
    fs_ref[...] = fs
    fab_ref[...] = fa.astype(jnp.bfloat16)
    sw_ref[...] = jnp.dot(fs, as_ref[...], preferred_element_type=jnp.float32)
    aw_ref[...] = jnp.dot(fa, an_ref[...], preferred_element_type=jnp.float32)


def _final_body(acc_ref, rs_ref, fs_ref, out_ref):
    a = jnp.concatenate([acc_ref[0], acc_ref[1]], axis=1).astype(jnp.float32)
    r = rs_ref[:, 0:1]
    ok = r > 0.0
    agg = jnp.where(ok, a / jnp.where(ok, r, 1.0), 0.0)
    out_ref[...] = jnp.maximum(fs_ref[...] + agg, 0.0)


def _sc_body(sw_hbm, aw_hbm, rows_hbm, cols_hbm, fab_hbm,
             acc_out, rs_out,
             sw_v, aw_v, rows_v, cols_v, gbuf, sbuf, cidx_v, pbuf, p16,
             acc_sh, rs_sh, gsem, ssem, rsem):
    cid = lax.axis_index("c")
    sid = lax.axis_index("s")

    pltpu.sync_copy(cols_hbm.at[pl.ds(sid * NCHUNK, NCHUNK)], cols_v)

    def _zrow(k, c):
        for j in range(HD // 32):
            sbuf[0, k, pl.ds(j * 32, 32)] = jnp.zeros((32,), jnp.bfloat16)
        p16[0, k] = jnp.zeros((16,), jnp.float32)
        return c
    lax.fori_loop(0, CH, _zrow, 0)
    for off, nr in RBLK:
        base = sid * RPT + off
        pltpu.sync_copy(sbuf.at[0, pl.ds(0, nr)], acc_sh.at[pl.ds(base, nr)])

    @pl.when(cid == 0)
    def _():
        for off, nr in RBLK:
            base = sid * RPT + off
            pltpu.sync_copy(p16.at[0, pl.ds(0, nr)], rs_sh.at[pl.ds(base, nr)])

    plsc.subcore_barrier()

    def _prep_gather(j, slot):
        for i in range(CH // 16):
            sl = pl.ds(i * 16, 16)
            cidx_v[slot, sl] = cols_v[j, sl] * 2 + cid
        pltpu.async_copy(fab_hbm.at[cidx_v.at[slot]], gbuf.at[slot], gsem)

    def _wait_gather(slot):
        pltpu.make_async_copy(
            fab_hbm.at[cidx_v.at[slot]], gbuf.at[slot], gsem).wait()

    def _drain_acc():
        pltpu.make_async_copy(sbuf.at[0], acc_sh.at[rows_v.at[0]], ssem).wait()

    def _drain_rs():
        pltpu.make_async_copy(p16.at[0], rs_sh.at[rows_v.at[0]], rsem).wait()

    def _prime(j, c):
        _prep_gather(j, lax.rem(j, NBG))
        return c
    lax.fori_loop(0, NBG - 1, _prime, 0)

    pltpu.sync_copy(rows_hbm.at[pl.ds(sid * NCHUNK, NCHUNK)], rows_v)
    pltpu.sync_copy(sw_hbm, sw_v)
    pltpu.sync_copy(aw_hbm, aw_v)

    def _chunk(j, c):
        b = lax.rem(j, NBG)
        b3 = lax.rem(j, NBS)

        @pl.when(j + (NBG - 1) < NCHUNK)
        def _():
            _prep_gather(j + (NBG - 1), lax.rem(j + (NBG - 1), NBG))

        for i in range(CH // 16):
            sl = pl.ds(i * 16, 16)
            v = plsc.load_gather(sw_v, [rows_v[j, sl]]) \
                + plsc.load_gather(aw_v, [cols_v[j, sl]])
            v = jnp.where(v >= 0.0, v, 0.2 * v)
            pbuf[sl] = jnp.exp(v)

        @pl.when(j >= NBS)
        def _():
            _drain_acc()

        @pl.when((j >= NBS) & (cid == 0))
        def _():
            _drain_rs()

        _wait_gather(b)

        @plsc.parallel_loop(0, CH, step=16, unroll=2)
        def _(k0):
            pv = pbuf[pl.ds(k0, 16)]
            for k16 in range(16):
                pkv = jnp.full((16,), pv[k16], jnp.float32)
                pkb = plsc.pack(pkv, pkv, format=plsc.PackFormat.INTERLEAVED)
                k = k0 + k16
                for h in range(HD // 32):
                    sl = pl.ds(h * 32, 32)
                    sbuf[b3, k, sl] = gbuf[b, k, sl] * pkb
                p16[b3, k] = pkv

        pltpu.async_copy(sbuf.at[b3], acc_sh.at[rows_v.at[j]], ssem, add=True)

        @pl.when(cid == 0)
        def _():
            pltpu.async_copy(p16.at[b3], rs_sh.at[rows_v.at[j]], rsem, add=True)
        return c

    lax.fori_loop(0, NCHUNK, _chunk, 0)

    def _tail(i, c):
        _drain_acc()
        return c
    lax.fori_loop(0, NBS - 1, _tail, 0)

    @pl.when(cid == 0)
    def _():
        def _tail_rs(i, c):
            _drain_rs()
            return c
        lax.fori_loop(0, NBS - 1, _tail_rs, 0)

    plsc.subcore_barrier()

    for off, nr in RBLK:
        base = sid * RPT + off
        pltpu.sync_copy(acc_sh.at[pl.ds(base, nr)],
                        acc_out.at[cid, pl.ds(base, nr)])

    @pl.when(cid == 0)
    def _():
        for off, nr in RBLK:
            base = sid * RPT + off
            pltpu.sync_copy(rs_sh.at[pl.ds(base, nr)],
                            rs_out.at[pl.ds(base, nr)])


def kernel(self_embedding, neigh_embedding, edge_rows, edge_cols, W, a_self, a_neigh):
    f32 = jnp.float32
    BN = 1000
    grid = (N // BN,)

    fs, fab, sw, aw = pl.pallas_call(
        _proj_body,
        grid=grid,
        in_specs=[
            pl.BlockSpec((BN, D), lambda i: (i, 0)),
            pl.BlockSpec((BN, D), lambda i: (i, 0)),
            pl.BlockSpec((D, D), lambda i: (0, 0)),
            pl.BlockSpec((D, 1), lambda i: (0, 0)),
            pl.BlockSpec((D, 1), lambda i: (0, 0)),
        ],
        out_specs=[
            pl.BlockSpec((BN, D), lambda i: (i, 0)),
            pl.BlockSpec((BN, D), lambda i: (i, 0)),
            pl.BlockSpec((BN, 1), lambda i: (i, 0)),
            pl.BlockSpec((BN, 1), lambda i: (i, 0)),
        ],
        out_shape=[
            jax.ShapeDtypeStruct((N, D), f32),
            jax.ShapeDtypeStruct((N, D), jnp.bfloat16),
            jax.ShapeDtypeStruct((N, 1), f32),
            jax.ShapeDtypeStruct((N, 1), f32),
        ],
    )(self_embedding, neigh_embedding, W, a_self, a_neigh)

    sw1 = sw.reshape(N)
    aw1 = aw.reshape(N)
    fab2 = fab.reshape(2 * N, HD)

    rows_2d = edge_rows.astype(jnp.int32).reshape(NS * NCHUNK, CH)
    cols_2d = edge_cols.astype(jnp.int32).reshape(NS * NCHUNK, CH)

    sc = pl.kernel(
        _sc_body,
        out_type=(
            jax.ShapeDtypeStruct((NC, NPAD, HD), jnp.bfloat16),
            jax.ShapeDtypeStruct((NPAD, 16), f32),
        ),
        mesh=plsc.VectorSubcoreMesh(
            core_axis_name="c", subcore_axis_name="s",
            num_cores=NC, num_subcores=NS),
        scratch_types=[
            pltpu.VMEM((N,), f32),
            pltpu.VMEM((N,), f32),
            pltpu.VMEM((NCHUNK, CH), jnp.int32),
            pltpu.VMEM((NCHUNK, CH), jnp.int32),
            pltpu.VMEM((NBG, CH, HD), jnp.bfloat16),
            pltpu.VMEM((NBS, CH, HD), jnp.bfloat16),
            pltpu.VMEM((NBG, CH), jnp.int32),
            pltpu.VMEM((CH,), f32),
            pltpu.VMEM((NBS, CH, 16), f32),
            pltpu.VMEM_SHARED((NPAD, HD), jnp.bfloat16),
            pltpu.VMEM_SHARED((NPAD, 16), f32),
            pltpu.SemaphoreType.DMA,
            pltpu.SemaphoreType.DMA,
            pltpu.SemaphoreType.DMA,
        ],
        compiler_params=pltpu.CompilerParams(
            needs_layout_passes=False, use_tc_tiling_on_sc=False),
    )
    acc, rs = sc(sw1, aw1, rows_2d, cols_2d, fab2)

    out = pl.pallas_call(
        _final_body,
        grid=grid,
        in_specs=[
            pl.BlockSpec((NC, BN, HD), lambda i: (0, i, 0)),
            pl.BlockSpec((BN, 16), lambda i: (i, 0)),
            pl.BlockSpec((BN, D), lambda i: (i, 0)),
        ],
        out_specs=pl.BlockSpec((BN, D), lambda i: (i, 0)),
        out_shape=jax.ShapeDtypeStruct((N, D), f32),
    )(acc, rs, fs)
    return out

# --- scband reference (transcript-rebuilt; emitter-appended) ---
"""Pipeline reference for scband-single-attention-aggregator-72164040508246 (READ-ONLY COPY).

The authoritative reference and input builder live on the scoring server;
editing this copy changes nothing except your own understanding.
"""

import jax, jax.numpy as jnp
import numpy as np

N = 10000
D = 128
DIM = 128
E = 320000


def setup_inputs(seed: int = 0) -> dict:
    key = jax.random.key(seed)
    k1, k2, k3, k4, k5, k6, k7 = jax.random.split(key, 7)
    self_embedding = jax.random.normal(k1, (N, D), dtype=jnp.float32)
    neigh_embedding = jax.random.normal(k2, (N, D), dtype=jnp.float32)
    edge_rows = jnp.sort(jax.random.randint(k3, (E,), 0, N, dtype=jnp.int64))
    edge_cols = jax.random.randint(k4, (E,), 0, N, dtype=jnp.int64)
    W = jax.random.normal(k5, (D, DIM), dtype=jnp.float32) * 0.05
    a_self = jax.random.normal(k6, (DIM, 1), dtype=jnp.float32) * 0.05
    a_neigh = jax.random.normal(k7, (DIM, 1), dtype=jnp.float32) * 0.05
    return {
        "self_embedding": self_embedding,
        "neigh_embedding": neigh_embedding,
        "edge_rows": edge_rows,
        "edge_cols": edge_cols,
        "W": W,
        "a_self": a_self,
        "a_neigh": a_neigh,
    }


def reference(self_embedding, neigh_embedding, edge_rows, edge_cols, W, a_self, a_neigh):
    # renorm=False path of SingleAttentionAggregator
    n = self_embedding.shape[0]
    from_all = neigh_embedding @ W            # dense(neigh)
    from_self = self_embedding @ W            # dense(self), shared weights
    self_weight = (from_self @ a_self)[:, 0]  # [N]
    all_weight = (from_all @ a_neigh)[:, 0]   # [M]
    # adj * self_weight broadcasts rows, adj * all_weight^T broadcasts cols;
    # sparse_add keeps only adj's nnz pattern (adj values are ones)
    vals = self_weight[edge_rows] + all_weight[edge_cols]
    vals = jax.nn.leaky_relu(vals, negative_slope=0.2)  # tf.nn.leaky_relu alpha=0.2
    # tf.sparse.softmax: row-wise softmax over the nnz of each row
    row_max = jax.ops.segment_max(vals, edge_rows, num_segments=n)
    row_max = jnp.where(jnp.isfinite(row_max), row_max, 0.0)
    ev = jnp.exp(vals - row_max[edge_rows])
    row_sum = jax.ops.segment_sum(ev, edge_rows, num_segments=n)
    coeff = ev / row_sum[edge_rows]
    # sparse_tensor_dense_matmul(coefficient, from_all)
    agg = jax.ops.segment_sum(coeff[:, None] * from_all[edge_cols], edge_rows, num_segments=n)
    output = from_self + agg
    return jax.nn.relu(output)


if False:  # reference __main__ guard neutralized (emitter)
    out = reference(**setup_inputs())
    print(out.shape, out.dtype)

if __name__ == "__main__":
    import jax
    _d = setup_inputs()
    print(jax.jit(kernel)(*tuple(_d.values())))

</pallas_src>

<mosaic_0001>
#map = affine_map<(d0, d1) -> (0)>
#map1 = affine_map<(d0, d1) -> (0, 0)>
#map2 = affine_map<(d0, d1) -> (0, 0, 0)>
module attributes {stable_mosaic.version = 14 : i64} {
  func.func @_sc_body(%arg0: i32, %arg1: i32, %arg2: memref<10000xf32, #tpu.memory_space<hbm>>, %arg3: memref<10000xf32, #tpu.memory_space<hbm>>, %arg4: memref<4000x80xi32, #tpu.memory_space<hbm>>, %arg5: memref<4000x80xi32, #tpu.memory_space<hbm>>, %arg6: memref<20000x64xbf16, #tpu.memory_space<hbm>>, %arg7: memref<2x10000x64xbf16, #tpu.memory_space<hbm>>, %arg8: memref<10000x16xf32, #tpu.memory_space<hbm>>, %arg9: memref<10000xf32, #tpu.memory_space<vmem>>, %arg10: memref<10000xf32, #tpu.memory_space<vmem>>, %arg11: memref<250x80xi32, #tpu.memory_space<vmem>>, %arg12: memref<250x80xi32, #tpu.memory_space<vmem>>, %arg13: memref<10x80x64xbf16, #tpu.memory_space<vmem>>, %arg14: memref<3x80x64xbf16, #tpu.memory_space<vmem>>, %arg15: memref<10x80xi32, #tpu.memory_space<vmem>>, %arg16: memref<80xf32, #tpu.memory_space<vmem>>, %arg17: memref<3x80x16xf32, #tpu.memory_space<vmem>>, %arg18: memref<10000x64xbf16, #tpu.memory_space<vmem_shared>>, %arg19: memref<10000x16xf32, #tpu.memory_space<vmem_shared>>, %arg20: memref<!tpu.dma_semaphore, #tpu.memory_space<semaphore_mem>>, %arg21: memref<!tpu.dma_semaphore, #tpu.memory_space<semaphore_mem>>, %arg22: memref<!tpu.dma_semaphore, #tpu.memory_space<semaphore_mem>>) attributes {dimension_semantics = [#tpu.dimension_semantics<core_parallel>, #tpu.dimension_semantics<subcore_parallel>], iteration_bounds = array<i64: 2, 16>, scalar_prefetch = 0 : i64, scratch_operands = 14 : i64, tpu.core_type = #tpu.core_type<sc_vector_subcore>, window_params = [{transform_indices = #map}, {transform_indices = #map}, {transform_indices = #map1}, {transform_indices = #map1}, {transform_indices = #map1}, {transform_indices = #map2}, {transform_indices = #map1}]} {
    %mul3A = arith.constant 250 : i32
    %mul3A_0 = arith.muli %arg1, %mul3A : i32
    "tpu.region"() ({
      %run_scoped3A_109 = tpu.sem_alloc : memref<!tpu.dma_semaphore, #tpu.memory_space<semaphore_mem>>
      %dma_start3A = arith.constant 0 : i32
      %dma_start3A_110 = tpu.memref_slice %arg5[%mul3A_0, %dma_start3A] : memref<4000x80xi32, #tpu.memory_space<hbm>> -> memref<250x80xi32, #tpu.memory_space<hbm>>
      %dma_start3A_111 = arith.constant 0 : i32
      %dma_start3A_112 = tpu.memref_slice %arg5[%mul3A_0, %dma_start3A_111] : memref<4000x80xi32, #tpu.memory_space<hbm>> -> memref<250x80xi32, #tpu.memory_space<hbm>>
      tpu.enqueue_dma source(%dma_start3A_112 : memref<250x80xi32, #tpu.memory_space<hbm>>) target(%arg12 : memref<250x80xi32, #tpu.memory_space<vmem>>) target_semaphore(%run_scoped3A_109 : memref<!tpu.dma_semaphore, #tpu.memory_space<semaphore_mem>>)
      %dma_wait3A = arith.constant 0 : i32
      %dma_wait3A_113 = tpu.memref_slice %arg5[%mul3A_0, %dma_wait3A] : memref<4000x80xi32, #tpu.memory_space<hbm>> -> memref<250x80xi32, #tpu.memory_space<hbm>>
      %dma_wait3A_114 = arith.constant 0 : i32
      %dma_wait3A_115 = tpu.memref_slice %arg5[%mul3A_0, %dma_wait3A_114] : memref<4000x80xi32, #tpu.memory_space<hbm>> -> memref<250x80xi32, #tpu.memory_space<hbm>>
      tpu.wait_dma2 semaphore(%run_scoped3A_109 : memref<!tpu.dma_semaphore, #tpu.memory_space<semaphore_mem>>) src(%dma_wait3A_115 : memref<250x80xi32, #tpu.memory_space<hbm>>) dst(%arg12 : memref<250x80xi32, #tpu.memory_space<vmem>>)
      tpu.yield
    }) : () -> ()
    %scan3A = arith.constant 0 : i32
    %scan3A_1 = arith.constant 0 : i32
    %scan3A_2 = arith.constant 80 : i32
    %scan3A_3 = arith.addi %scan3A_1, %scan3A_2 : i32
    %scan3A_4 = arith.constant 1 : i32
    scf.for %scan3A_109 = %scan3A_1 to %scan3A_3 step %scan3A_4  : i32 {
      %broadcast_in_dim3A = arith.constant 0.000000e+00 : bf16
      %broadcast_in_dim3A_110 = vector.broadcast %broadcast_in_dim3A : bf16 to vector<32xbf16>
      %swap3A = arith.constant 0 : i32
      %swap3A_111 = arith.index_cast %swap3A : i32 to index
      %swap3A_112 = arith.index_cast %scan3A_109 : i32 to index
      %swap3A_113 = arith.constant 0 : index
      %swap3A_114 = tpu.vector_load %arg14[%swap3A_111, %swap3A_112, %swap3A_113] {strides = array<i32>} : memref<3x80x64xbf16, #tpu.memory_space<vmem>>, vector<32xbf16>,
      tpu.vector_store %arg14[%swap3A_111, %swap3A_112, %swap3A_113], %broadcast_in_dim3A_110 {strides = array<i32>} : memref<3x80x64xbf16, #tpu.memory_space<vmem>>, vector<32xbf16>,
      %broadcast_in_dim3A_115 = arith.constant 0.000000e+00 : bf16
      %broadcast_in_dim3A_116 = vector.broadcast %broadcast_in_dim3A_115 : bf16 to vector<32xbf16>
      %swap3A_117 = arith.constant 0 : i32
      %swap3A_118 = arith.index_cast %swap3A_117 : i32 to index
      %swap3A_119 = arith.index_cast %scan3A_109 : i32 to index
      %swap3A_120 = arith.constant 32 : index
      %swap3A_121 = tpu.vector_load %arg14[%swap3A_118, %swap3A_119, %swap3A_120] {strides = array<i32>} : memref<3x80x64xbf16, #tpu.memory_space<vmem>>, vector<32xbf16>,
      tpu.vector_store %arg14[%swap3A_118, %swap3A_119, %swap3A_120], %broadcast_in_dim3A_116 {strides = array<i32>} : memref<3x80x64xbf16, #tpu.memory_space<vmem>>, vector<32xbf16>,
      %broadcast_in_dim3A_122 = arith.constant 0.000000e+00 : f32
      %broadcast_in_dim3A_123 = vector.broadcast %broadcast_in_dim3A_122 : f32 to vector<16xf32>
      %swap3A_124 = arith.constant 0 : i32
      %swap3A_125 = arith.index_cast %swap3A_124 : i32 to index
      %swap3A_126 = arith.index_cast %scan3A_109 : i32 to index
      %swap3A_127 = arith.constant 0 : index
      %swap3A_128 = tpu.vector_load %arg17[%swap3A_125, %swap3A_126, %swap3A_127] {strides = array<i32>} : memref<3x80x16xf32, #tpu.memory_space<vmem>>, vector<16xf32>,
      tpu.vector_store %arg17[%swap3A_125, %swap3A_126, %swap3A_127], %broadcast_in_dim3A_123 {strides = array<i32>} : memref<3x80x16xf32, #tpu.memory_space<vmem>>, vector<16xf32>,
    }
    %scan3A_5 = arith.constant 80 : i32
    %mul3A_6 = arith.constant 625 : i32
    %mul3A_7 = arith.muli %arg1, %mul3A_6 : i32
    %add3A = arith.constant 0 : i32
    %add3A_8 = arith.addi %mul3A_7, %add3A : i32
    %run_scoped3A = arith.constant 0 : i32
    "tpu.region"() ({
      %run_scoped3A_109 = tpu.sem_alloc : memref<!tpu.dma_semaphore, #tpu.memory_space<semaphore_mem>>
      %dma_start3A = arith.constant 0 : i32
      %dma_start3A_110 = arith.constant 0 : i32
      %dma_start3A_111 = tpu.memref_slice %arg14[%run_scoped3A, %dma_start3A, %dma_start3A_110] : memref<3x80x64xbf16, #tpu.memory_space<vmem>> -> memref<1x80x64xbf16, #tpu.memory_space<vmem>>
      %dma_start3A_112 = tpu.memref_squeeze %dma_start3A_111 : memref<1x80x64xbf16, #tpu.memory_space<vmem>> -> memref<80x64xbf16, #tpu.memory_space<vmem>>
      %dma_start3A_113 = arith.constant 0 : i32
      %dma_start3A_114 = tpu.memref_slice %arg18[%add3A_8, %dma_start3A_113] : memref<10000x64xbf16, #tpu.memory_space<vmem_shared>> -> memref<80x64xbf16, #tpu.memory_space<vmem_shared>>
      %dma_start3A_115 = arith.constant 0 : i32
      %dma_start3A_116 = tpu.memref_slice %arg18[%add3A_8, %dma_start3A_115] : memref<10000x64xbf16, #tpu.memory_space<vmem_shared>> -> memref<80x64xbf16, #tpu.memory_space<vmem_shared>>
      %dma_start3A_117 = arith.constant 0 : i32
      %dma_start3A_118 = arith.constant 0 : i32
      %dma_start3A_119 = tpu.memref_slice %arg14[%run_scoped3A, %dma_start3A_117, %dma_start3A_118] : memref<3x80x64xbf16, #tpu.memory_space<vmem>> -> memref<1x80x64xbf16, #tpu.memory_space<vmem>>
      %dma_start3A_120 = tpu.memref_squeeze %dma_start3A_119 : memref<1x80x64xbf16, #tpu.memory_space<vmem>> -> memref<80x64xbf16, #tpu.memory_space<vmem>>
      tpu.enqueue_dma source(%dma_start3A_120 : memref<80x64xbf16, #tpu.memory_space<vmem>>) target(%dma_start3A_116 : memref<80x64xbf16, #tpu.memory_space<vmem_shared>>) target_semaphore(%run_scoped3A_109 : memref<!tpu.dma_semaphore, #tpu.memory_space<semaphore_mem>>)
      %dma_wait3A = arith.constant 0 : i32
      %dma_wait3A_121 = arith.constant 0 : i32
      %dma_wait3A_122 = tpu.memref_slice %arg14[%run_scoped3A, %dma_wait3A, %dma_wait3A_121] : memref<3x80x64xbf16, #tpu.memory_space<vmem>> -> memref<1x80x64xbf16, #tpu.memory_space<vmem>>
      %dma_wait3A_123 = tpu.memref_squeeze %dma_wait3A_122 : memref<1x80x64xbf16, #tpu.memory_space<vmem>> -> memref<80x64xbf16, #tpu.memory_space<vmem>>
      %dma_wait3A_124 = arith.constant 0 : i32
      %dma_wait3A_125 = tpu.memref_slice %arg18[%add3A_8, %dma_wait3A_124] : memref<10000x64xbf16, #tpu.memory_space<vmem_shared>> -> memref<80x64xbf16, #tpu.memory_space<vmem_shared>>
      %dma_wait3A_126 = arith.constant 0 : i32
      %dma_wait3A_127 = tpu.memref_slice %arg18[%add3A_8, %dma_wait3A_126] : memref<10000x64xbf16, #tpu.memory_space<vmem_shared>> -> memref<80x64xbf16, #tpu.memory_space<vmem_shared>>
      %dma_wait3A_128 = arith.constant 0 : i32
      %dma_wait3A_129 = arith.constant 0 : i32
      %dma_wait3A_130 = tpu.memref_slice %arg14[%run_scoped3A, %dma_wait3A_128, %dma_wait3A_129] : memref<3x80x64xbf16, #tpu.memory_space<vmem>> -> memref<1x80x64xbf16, #tpu.memory_space<vmem>>
      %dma_wait3A_131 = tpu.memref_squeeze %dma_wait3A_130 : memref<1x80x64xbf16, #tpu.memory_space<vmem>> -> memref<80x64xbf16, #tpu.memory_space<vmem>>
      tpu.wait_dma2 semaphore(%run_scoped3A_109 : memref<!tpu.dma_semaphore, #tpu.memory_space<semaphore_mem>>) src(%dma_wait3A_131 : memref<80x64xbf16, #tpu.memory_space<vmem>>) dst(%dma_wait3A_127 : memref<80x64xbf16, #tpu.memory_space<vmem_shared>>)
      tpu.yield
    }) : () -> ()
    %mul3A_9 = arith.constant 625 : i32
    %mul3A_10 = arith.muli %arg1, %mul3A_9 : i32
    %add3A_11 = arith.constant 80 : i32
    %add3A_12 = arith.addi %mul3A_10, %add3A_11 : i32
    %run_scoped3A_13 = arith.constant 0 : i32
    "tpu.region"() ({
      %run_scoped3A_109 = tpu.sem_alloc : memref<!tpu.dma_semaphore, #tpu.memory_space<semaphore_mem>>
      %dma_start3A = arith.constant 0 : i32
      %dma_start3A_110 = arith.constant 0 : i32
      %dma_start3A_111 = tpu.memref_slice %arg14[%run_scoped3A_13, %dma_start3A, %dma_start3A_110] : memref<3x80x64xbf16, #tpu.memory_space<vmem>> -> memref<1x80x64xbf16, #tpu.memory_space<vmem>>
      %dma_start3A_112 = tpu.memref_squeeze %dma_start3A_111 : memref<1x80x64xbf16, #tpu.memory_space<vmem>> -> memref<80x64xbf16, #tpu.memory_space<vmem>>
      %dma_start3A_113 = arith.constant 0 : i32
      %dma_start3A_114 = tpu.memref_slice %arg18[%add3A_12, %dma_start3A_113] : memref<10000x64xbf16, #tpu.memory_space<vmem_shared>> -> memref<80x64xbf16, #tpu.memory_space<vmem_shared>>
      %dma_start3A_115 = arith.constant 0 : i32
      %dma_start3A_116 = tpu.memref_slice %arg18[%add3A_12, %dma_start3A_115] : memref<10000x64xbf16, #tpu.memory_space<vmem_shared>> -> memref<80x64xbf16, #tpu.memory_space<vmem_shared>>
      %dma_start3A_117 = arith.constant 0 : i32
      %dma_start3A_118 = arith.constant 0 : i32
      %dma_start3A_119 = tpu.memref_slice %arg14[%run_scoped3A_13, %dma_start3A_117, %dma_start3A_118] : memref<3x80x64xbf16, #tpu.memory_space<vmem>> -> memref<1x80x64xbf16, #tpu.memory_space<vmem>>
      %dma_start3A_120 = tpu.memref_squeeze %dma_start3A_119 : memref<1x80x64xbf16, #tpu.memory_space<vmem>> -> memref<80x64xbf16, #tpu.memory_space<vmem>>
      tpu.enqueue_dma source(%dma_start3A_120 : memref<80x64xbf16, #tpu.memory_space<vmem>>) target(%dma_start3A_116 : memref<80x64xbf16, #tpu.memory_space<vmem_shared>>) target_semaphore(%run_scoped3A_109 : memref<!tpu.dma_semaphore, #tpu.memory_space<semaphore_mem>>)
      %dma_wait3A = arith.constant 0 : i32
      %dma_wait3A_121 = arith.constant 0 : i32
      %dma_wait3A_122 = tpu.memref_slice %arg14[%run_scoped3A_13, %dma_wait3A, %dma_wait3A_121] : memref<3x80x64xbf16, #tpu.memory_space<vmem>> -> memref<1x80x64xbf16, #tpu.memory_space<vmem>>
      %dma_wait3A_123 = tpu.memref_squeeze %dma_wait3A_122 : memref<1x80x64xbf16, #tpu.memory_space<vmem>> -> memref<80x64xbf16, #tpu.memory_space<vmem>>
      %dma_wait3A_124 = arith.constant 0 : i32
      %dma_wait3A_125 = tpu.memref_slice %arg18[%add3A_12, %dma_wait3A_124] : memref<10000x64xbf16, #tpu.memory_space<vmem_shared>> -> memref<80x64xbf16, #tpu.memory_space<vmem_shared>>
      %dma_wait3A_126 = arith.constant 0 : i32
      %dma_wait3A_127 = tpu.memref_slice %arg18[%add3A_12, %dma_wait3A_126] : memref<10000x64xbf16, #tpu.memory_space<vmem_shared>> -> memref<80x64xbf16, #tpu.memory_space<vmem_shared>>
      %dma_wait3A_128 = arith.constant 0 : i32
      %dma_wait3A_129 = arith.constant 0 : i32
      %dma_wait3A_130 = tpu.memref_slice %arg14[%run_scoped3A_13, %dma_wait3A_128, %dma_wait3A_129] : memref<3x80x64xbf16, #tpu.memory_space<vmem>> -> memref<1x80x64xbf16, #tpu.memory_space<vmem>>
      %dma_wait3A_131 = tpu.memref_squeeze %dma_wait3A_130 : memref<1x80x64xbf16, #tpu.memory_space<vmem>> -> memref<80x64xbf16, #tpu.memory_space<vmem>>
      tpu.wait_dma2 semaphore(%run_scoped3A_109 : memref<!tpu.dma_semaphore, #tpu.memory_space<semaphore_mem>>) src(%dma_wait3A_131 : memref<80x64xbf16, #tpu.memory_space<vmem>>) dst(%dma_wait3A_127 : memref<80x64xbf16, #tpu.memory_space<vmem_shared>>)
      tpu.yield
    }) : () -> ()
    %mul3A_14 = arith.constant 625 : i32
    %mul3A_15 = arith.muli %arg1, %mul3A_14 : i32
    %add3A_16 = arith.constant 160 : i32
    %add3A_17 = arith.addi %mul3A_15, %add3A_16 : i32
    %run_scoped3A_18 = arith.constant 0 : i32
    "tpu.region"() ({
      %run_scoped3A_109 = tpu.sem_alloc : memref<!tpu.dma_semaphore, #tpu.memory_space<semaphore_mem>>
      %dma_start3A = arith.constant 0 : i32
      %dma_start3A_110 = arith.constant 0 : i32
      %dma_start3A_111 = tpu.memref_slice %arg14[%run_scoped3A_18, %dma_start3A, %dma_start3A_110] : memref<3x80x64xbf16, #tpu.memory_space<vmem>> -> memref<1x80x64xbf16, #tpu.memory_space<vmem>>
      %dma_start3A_112 = tpu.memref_squeeze %dma_start3A_111 : memref<1x80x64xbf16, #tpu.memory_space<vmem>> -> memref<80x64xbf16, #tpu.memory_space<vmem>>
      %dma_start3A_113 = arith.constant 0 : i32
      %dma_start3A_114 = tpu.memref_slice %arg18[%add3A_17, %dma_start3A_113] : memref<10000x64xbf16, #tpu.memory_space<vmem_shared>> -> memref<80x64xbf16, #tpu.memory_space<vmem_shared>>
      %dma_start3A_115 = arith.constant 0 : i32
      %dma_start3A_116 = tpu.memref_slice %arg18[%add3A_17, %dma_start3A_115] : memref<10000x64xbf16, #tpu.memory_space<vmem_shared>> -> memref<80x64xbf16, #tpu.memory_space<vmem_shared>>
      %dma_start3A_117 = arith.constant 0 : i32
      %dma_start3A_118 = arith.constant 0 : i32
      %dma_start3A_119 = tpu.memref_slice %arg14[%run_scoped3A_18, %dma_start3A_117, %dma_start3A_118] : memref<3x80x64xbf16, #tpu.memory_space<vmem>> -> memref<1x80x64xbf16, #tpu.memory_space<vmem>>
      %dma_start3A_120 = tpu.memref_squeeze %dma_start3A_119 : memref<1x80x64xbf16, #tpu.memory_space<vmem>> -> memref<80x64xbf16, #tpu.memory_space<vmem>>
      tpu.enqueue_dma source(%dma_start3A_120 : memref<80x64xbf16, #tpu.memory_space<vmem>>) target(%dma_start3A_116 : memref<80x64xbf16, #tpu.memory_space<vmem_shared>>) target_semaphore(%run_scoped3A_109 : memref<!tpu.dma_semaphore, #tpu.memory_space<semaphore_mem>>)
      %dma_wait3A = arith.constant 0 : i32
      %dma_wait3A_121 = arith.constant 0 : i32
      %dma_wait3A_122 = tpu.memref_slice %arg14[%run_scoped3A_18, %dma_wait3A, %dma_wait3A_121] : memref<3x80x64xbf16, #tpu.memory_space<vmem>> -> memref<1x80x64xbf16, #tpu.memory_space<vmem>>
      %dma_wait3A_123 = tpu.memref_squeeze %dma_wait3A_122 : memref<1x80x64xbf16, #tpu.memory_space<vmem>> -> memref<80x64xbf16, #tpu.memory_space<vmem>>
      %dma_wait3A_124 = arith.constant 0 : i32
      %dma_wait3A_125 = tpu.memref_slice %arg18[%add3A_17, %dma_wait3A_124] : memref<10000x64xbf16, #tpu.memory_space<vmem_shared>> -> memref<80x64xbf16, #tpu.memory_space<vmem_shared>>
      %dma_wait3A_126 = arith.constant 0 : i32
      %dma_wait3A_127 = tpu.memref_slice %arg18[%add3A_17, %dma_wait3A_126] : memref<10000x64xbf16, #tpu.memory_space<vmem_shared>> -> memref<80x64xbf16, #tpu.memory_space<vmem_shared>>
      %dma_wait3A_128 = arith.constant 0 : i32
      %dma_wait3A_129 = arith.constant 0 : i32
      %dma_wait3A_130 = tpu.memref_slice %arg14[%run_scoped3A_18, %dma_wait3A_128, %dma_wait3A_129] : memref<3x80x64xbf16, #tpu.memory_space<vmem>> -> memref<1x80x64xbf16, #tpu.memory_space<vmem>>
      %dma_wait3A_131 = tpu.memref_squeeze %dma_wait3A_130 : memref<1x80x64xbf16, #tpu.memory_space<vmem>> -> memref<80x64xbf16, #tpu.memory_space<vmem>>
      tpu.wait_dma2 semaphore(%run_scoped3A_109 : memref<!tpu.dma_semaphore, #tpu.memory_space<semaphore_mem>>) src(%dma_wait3A_131 : memref<80x64xbf16, #tpu.memory_space<vmem>>) dst(%dma_wait3A_127 : memref<80x64xbf16, #tpu.memory_space<vmem_shared>>)
      tpu.yield
    }) : () -> ()
    %mul3A_19 = arith.constant 625 : i32
    %mul3A_20 = arith.muli %arg1, %mul3A_19 : i32
    %add3A_21 = arith.constant 240 : i32
    %add3A_22 = arith.addi %mul3A_20, %add3A_21 : i32
    %run_scoped3A_23 = arith.constant 0 : i32
    "tpu.region"() ({
      %run_scoped3A_109 = tpu.sem_alloc : memref<!tpu.dma_semaphore, #tpu.memory_space<semaphore_mem>>
      %dma_start3A = arith.constant 0 : i32
      %dma_start3A_110 = arith.constant 0 : i32
      %dma_start3A_111 = tpu.memref_slice %arg14[%run_scoped3A_23, %dma_start3A, %dma_start3A_110] : memref<3x80x64xbf16, #tpu.memory_space<vmem>> -> memref<1x80x64xbf16, #tpu.memory_space<vmem>>
      %dma_start3A_112 = tpu.memref_squeeze %dma_start3A_111 : memref<1x80x64xbf16, #tpu.memory_space<vmem>> -> memref<80x64xbf16, #tpu.memory_space<vmem>>
      %dma_start3A_113 = arith.constant 0 : i32
      %dma_start3A_114 = tpu.memref_slice %arg18[%add3A_22, %dma_start3A_113] : memref<10000x64xbf16, #tpu.memory_space<vmem_shared>> -> memref<80x64xbf16, #tpu.memory_space<vmem_shared>>
      %dma_start3A_115 = arith.constant 0 : i32
      %dma_start3A_116 = tpu.memref_slice %arg18[%add3A_22, %dma_start3A_115] : memref<10000x64xbf16, #tpu.memory_space<vmem_shared>> -> memref<80x64xbf16, #tpu.memory_space<vmem_shared>>
      %dma_start3A_117 = arith.constant 0 : i32
      %dma_start3A_118 = arith.constant 0 : i32
      %dma_start3A_119 = tpu.memref_slice %arg14[%run_scoped3A_23, %dma_start3A_117, %dma_start3A_118] : memref<3x80x64xbf16, #tpu.memory_space<vmem>> -> memref<1x80x64xbf16, #tpu.memory_space<vmem>>
      %dma_start3A_120 = tpu.memref_squeeze %dma_start3A_119 : memref<1x80x64xbf16, #tpu.memory_space<vmem>> -> memref<80x64xbf16, #tpu.memory_space<vmem>>
      tpu.enqueue_dma source(%dma_start3A_120 : memref<80x64xbf16, #tpu.memory_space<vmem>>) target(%dma_start3A_116 : memref<80x64xbf16, #tpu.memory_space<vmem_shared>>) target_semaphore(%run_scoped3A_109 : memref<!tpu.dma_semaphore, #tpu.memory_space<semaphore_mem>>)
      %dma_wait3A = arith.constant 0 : i32
      %dma_wait3A_121 = arith.constant 0 : i32
      %dma_wait3A_122 = tpu.memref_slice %arg14[%run_scoped3A_23, %dma_wait3A, %dma_wait3A_121] : memref<3x80x64xbf16, #tpu.memory_space<vmem>> -> memref<1x80x64xbf16, #tpu.memory_space<vmem>>
      %dma_wait3A_123 = tpu.memref_squeeze %dma_wait3A_122 : memref<1x80x64xbf16, #tpu.memory_space<vmem>> -> memref<80x64xbf16, #tpu.memory_space<vmem>>
      %dma_wait3A_124 = arith.constant 0 : i32
      %dma_wait3A_125 = tpu.memref_slice %arg18[%add3A_22, %dma_wait3A_124] : memref<10000x64xbf16, #tpu.memory_space<vmem_shared>> -> memref<80x64xbf16, #tpu.memory_space<vmem_shared>>
      %dma_wait3A_126 = arith.constant 0 : i32
      %dma_wait3A_127 = tpu.memref_slice %arg18[%add3A_22, %dma_wait3A_126] : memref<10000x64xbf16, #tpu.memory_space<vmem_shared>> -> memref<80x64xbf16, #tpu.memory_space<vmem_shared>>
      %dma_wait3A_128 = arith.constant 0 : i32
      %dma_wait3A_129 = arith.constant 0 : i32
      %dma_wait3A_130 = tpu.memref_slice %arg14[%run_scoped3A_23, %dma_wait3A_128, %dma_wait3A_129] : memref<3x80x64xbf16, #tpu.memory_space<vmem>> -> memref<1x80x64xbf16, #tpu.memory_space<vmem>>
      %dma_wait3A_131 = tpu.memref_squeeze %dma_wait3A_130 : memref<1x80x64xbf16, #tpu.memory_space<vmem>> -> memref<80x64xbf16, #tpu.memory_space<vmem>>
      tpu.wait_dma2 semaphore(%run_scoped3A_109 : memref<!tpu.dma_semaphore, #tpu.memory_space<semaphore_mem>>) src(%dma_wait3A_131 : memref<80x64xbf16, #tpu.memory_space<vmem>>) dst(%dma_wait3A_127 : memref<80x64xbf16, #tpu.memory_space<vmem_shared>>)
      tpu.yield
    }) : () -> ()
    %mul3A_24 = arith.constant 625 : i32
    %mul3A_25 = arith.muli %arg1, %mul3A_24 : i32
    %add3A_26 = arith.constant 320 : i32
    %add3A_27 = arith.addi %mul3A_25, %add3A_26 : i32
    %run_scoped3A_28 = arith.constant 0 : i32
    "tpu.region"() ({
      %run_scoped3A_109 = tpu.sem_alloc : memref<!tpu.dma_semaphore, #tpu.memory_space<semaphore_mem>>
      %dma_start3A = arith.constant 0 : i32
      %dma_start3A_110 = arith.constant 0 : i32
      %dma_start3A_111 = tpu.memref_slice %arg14[%run_scoped3A_28, %dma_start3A, %dma_start3A_110] : memref<3x80x64xbf16, #tpu.memory_space<vmem>> -> memref<1x80x64xbf16, #tpu.memory_space<vmem>>
      %dma_start3A_112 = tpu.memref_squeeze %dma_start3A_111 : memref<1x80x64xbf16, #tpu.memory_space<vmem>> -> memref<80x64xbf16, #tpu.memory_space<vmem>>
      %dma_start3A_113 = arith.constant 0 : i32
      %dma_start3A_114 = tpu.memref_slice %arg18[%add3A_27, %dma_start3A_113] : memref<10000x64xbf16, #tpu.memory_space<vmem_shared>> -> memref<80x64xbf16, #tpu.memory_space<vmem_shared>>
      %dma_start3A_115 = arith.constant 0 : i32
      %dma_start3A_116 = tpu.memref_slice %arg18[%add3A_27, %dma_start3A_115] : memref<10000x64xbf16, #tpu.memory_space<vmem_shared>> -> memref<80x64xbf16, #tpu.memory_space<vmem_shared>>
      %dma_start3A_117 = arith.constant 0 : i32
      %dma_start3A_118 = arith.constant 0 : i32
      %dma_start3A_119 = tpu.memref_slice %arg14[%run_scoped3A_28, %dma_start3A_117, %dma_start3A_118] : memref<3x80x64xbf16, #tpu.memory_space<vmem>> -> memref<1x80x64xbf16, #tpu.memory_space<vmem>>
      %dma_start3A_120 = tpu.memref_squeeze %dma_start3A_119 : memref<1x80x64xbf16, #tpu.memory_space<vmem>> -> memref<80x64xbf16, #tpu.memory_space<vmem>>
      tpu.enqueue_dma source(%dma_start3A_120 : memref<80x64xbf16, #tpu.memory_space<vmem>>) target(%dma_start3A_116 : memref<80x64xbf16, #tpu.memory_space<vmem_shared>>) target_semaphore(%run_scoped3A_109 : memref<!tpu.dma_semaphore, #tpu.memory_space<semaphore_mem>>)
      %dma_wait3A = arith.constant 0 : i32
      %dma_wait3A_121 = arith.constant 0 : i32
      %dma_wait3A_122 = tpu.memref_slice %arg14[%run_scoped3A_28, %dma_wait3A, %dma_wait3A_121] : memref<3x80x64xbf16, #tpu.memory_space<vmem>> -> memref<1x80x64xbf16, #tpu.memory_space<vmem>>
      %dma_wait3A_123 = tpu.memref_squeeze %dma_wait3A_122 : memref<1x80x64xbf16, #tpu.memory_space<vmem>> -> memref<80x64xbf16, #tpu.memory_space<vmem>>
      %dma_wait3A_124 = arith.constant 0 : i32
      %dma_wait3A_125 = tpu.memref_slice %arg18[%add3A_27, %dma_wait3A_124] : memref<10000x64xbf16, #tpu.memory_space<vmem_shared>> -> memref<80x64xbf16, #tpu.memory_space<vmem_shared>>
      %dma_wait3A_126 = arith.constant 0 : i32
      %dma_wait3A_127 = tpu.memref_slice %arg18[%add3A_27, %dma_wait3A_126] : memref<10000x64xbf16, #tpu.memory_space<vmem_shared>> -> memref<80x64xbf16, #tpu.memory_space<vmem_shared>>
      %dma_wait3A_128 = arith.constant 0 : i32
      %dma_wait3A_129 = arith.constant 0 : i32
      %dma_wait3A_130 = tpu.memref_slice %arg14[%run_scoped3A_28, %dma_wait3A_128, %dma_wait3A_129] : memref<3x80x64xbf16, #tpu.memory_space<vmem>> -> memref<1x80x64xbf16, #tpu.memory_space<vmem>>
      %dma_wait3A_131 = tpu.memref_squeeze %dma_wait3A_130 : memref<1x80x64xbf16, #tpu.memory_space<vmem>> -> memref<80x64xbf16, #tpu.memory_space<vmem>>
      tpu.wait_dma2 semaphore(%run_scoped3A_109 : memref<!tpu.dma_semaphore, #tpu.memory_space<semaphore_mem>>) src(%dma_wait3A_131 : memref<80x64xbf16, #tpu.memory_space<vmem>>) dst(%dma_wait3A_127 : memref<80x64xbf16, #tpu.memory_space<vmem_shared>>)
      tpu.yield
    }) : () -> ()
    %mul3A_29 = arith.constant 625 : i32
    %mul3A_30 = arith.muli %arg1, %mul3A_29 : i32
    %add3A_31 = arith.constant 400 : i32
    %add3A_32 = arith.addi %mul3A_30, %add3A_31 : i32
    %run_scoped3A_33 = arith.constant 0 : i32
    "tpu.region"() ({
      %run_scoped3A_109 = tpu.sem_alloc : memref<!tpu.dma_semaphore, #tpu.memory_space<semaphore_mem>>
      %dma_start3A = arith.constant 0 : i32
      %dma_start3A_110 = arith.constant 0 : i32
      %dma_start3A_111 = tpu.memref_slice %arg14[%run_scoped3A_33, %dma_start3A, %dma_start3A_110] : memref<3x80x64xbf16, #tpu.memory_space<vmem>> -> memref<1x80x64xbf16, #tpu.memory_space<vmem>>
      %dma_start3A_112 = tpu.memref_squeeze %dma_start3A_111 : memref<1x80x64xbf16, #tpu.memory_space<vmem>> -> memref<80x64xbf16, #tpu.memory_space<vmem>>
      %dma_start3A_113 = arith.constant 0 : i32
      %dma_start3A_114 = tpu.memref_slice %arg18[%add3A_32, %dma_start3A_113] : memref<10000x64xbf16, #tpu.memory_space<vmem_shared>> -> memref<80x64xbf16, #tpu.memory_space<vmem_shared>>
      %dma_start3A_115 = arith.constant 0 : i32
      %dma_start3A_116 = tpu.memref_slice %arg18[%add3A_32, %dma_start3A_115] : memref<10000x64xbf16, #tpu.memory_space<vmem_shared>> -> memref<80x64xbf16, #tpu.memory_space<vmem_shared>>
      %dma_start3A_117 = arith.constant 0 : i32
      %dma_start3A_118 = arith.constant 0 : i32
      %dma_start3A_119 = tpu.memref_slice %arg14[%run_scoped3A_33, %dma_start3A_117, %dma_start3A_118] : memref<3x80x64xbf16, #tpu.memory_space<vmem>> -> memref<1x80x64xbf16, #tpu.memory_space<vmem>>
      %dma_start3A_120 = tpu.memref_squeeze %dma_start3A_119 : memref<1x80x64xbf16, #tpu.memory_space<vmem>> -> memref<80x64xbf16, #tpu.memory_space<vmem>>
      tpu.enqueue_dma source(%dma_start3A_120 : memref<80x64xbf16, #tpu.memory_space<vmem>>) target(%dma_start3A_116 : memref<80x64xbf16, #tpu.memory_space<vmem_shared>>) target_semaphore(%run_scoped3A_109 : memref<!tpu.dma_semaphore, #tpu.memory_space<semaphore_mem>>)
      %dma_wait3A = arith.constant 0 : i32
      %dma_wait3A_121 = arith.constant 0 : i32
      %dma_wait3A_122 = tpu.memref_slice %arg14[%run_scoped3A_33, %dma_wait3A, %dma_wait3A_121] : memref<3x80x64xbf16, #tpu.memory_space<vmem>> -> memref<1x80x64xbf16, #tpu.memory_space<vmem>>
      %dma_wait3A_123 = tpu.memref_squeeze %dma_wait3A_122 : memref<1x80x64xbf16, #tpu.memory_space<vmem>> -> memref<80x64xbf16, #tpu.memory_space<vmem>>
      %dma_wait3A_124 = arith.constant 0 : i32
      %dma_wait3A_125 = tpu.memref_slice %arg18[%add3A_32, %dma_wait3A_124] : memref<10000x64xbf16, #tpu.memory_space<vmem_shared>> -> memref<80x64xbf16, #tpu.memory_space<vmem_shared>>
      %dma_wait3A_126 = arith.constant 0 : i32
      %dma_wait3A_127 = tpu.memref_slice %arg18[%add3A_32, %dma_wait3A_126] : memref<10000x64xbf16, #tpu.memory_space<vmem_shared>> -> memref<80x64xbf16, #tpu.memory_space<vmem_shared>>
      %dma_wait3A_128 = arith.constant 0 : i32
      %dma_wait3A_129 = arith.constant 0 : i32
      %dma_wait3A_130 = tpu.memref_slice %arg14[%run_scoped3A_33, %dma_wait3A_128, %dma_wait3A_129] : memref<3x80x64xbf16, #tpu.memory_space<vmem>> -> memref<1x80x64xbf16, #tpu.memory_space<vmem>>
      %dma_wait3A_131 = tpu.memref_squeeze %dma_wait3A_130 : memref<1x80x64xbf16, #tpu.memory_space<vmem>> -> memref<80x64xbf16, #tpu.memory_space<vmem>>
      tpu.wait_dma2 semaphore(%run_scoped3A_109 : memref<!tpu.dma_semaphore, #tpu.memory_space<semaphore_mem>>) src(%dma_wait3A_131 : memref<80x64xbf16, #tpu.memory_space<vmem>>) dst(%dma_wait3A_127 : memref<80x64xbf16, #tpu.memory_space<vmem_shared>>)
      tpu.yield
    }) : () -> ()
    %mul3A_34 = arith.constant 625 : i32
    %mul3A_35 = arith.muli %arg1, %mul3A_34 : i32
    %add3A_36 = arith.constant 480 : i32
    %add3A_37 = arith.addi %mul3A_35, %add3A_36 : i32
    %run_scoped3A_38 = arith.constant 0 : i32
    "tpu.region"() ({
      %run_scoped3A_109 = tpu.sem_alloc : memref<!tpu.dma_semaphore, #tpu.memory_space<semaphore_mem>>
      %dma_start3A = arith.constant 0 : i32
      %dma_start3A_110 = arith.constant 0 : i32
      %dma_start3A_111 = tpu.memref_slice %arg14[%run_scoped3A_38, %dma_start3A, %dma_start3A_110] : memref<3x80x64xbf16, #tpu.memory_space<vmem>> -> memref<1x80x64xbf16, #tpu.memory_space<vmem>>
      %dma_start3A_112 = tpu.memref_squeeze %dma_start3A_111 : memref<1x80x64xbf16, #tpu.memory_space<vmem>> -> memref<80x64xbf16, #tpu.memory_space<vmem>>
      %dma_start3A_113 = arith.constant 0 : i32
      %dma_start3A_114 = tpu.memref_slice %arg18[%add3A_37, %dma_start3A_113] : memref<10000x64xbf16, #tpu.memory_space<vmem_shared>> -> memref<80x64xbf16, #tpu.memory_space<vmem_shared>>
      %dma_start3A_115 = arith.constant 0 : i32
      %dma_start3A_116 = tpu.memref_slice %arg18[%add3A_37, %dma_start3A_115] : memref<10000x64xbf16, #tpu.memory_space<vmem_shared>> -> memref<80x64xbf16, #tpu.memory_space<vmem_shared>>
      %dma_start3A_117 = arith.constant 0 : i32
      %dma_start3A_118 = arith.constant 0 : i32
      %dma_start3A_119 = tpu.memref_slice %arg14[%run_scoped3A_38, %dma_start3A_117, %dma_start3A_118] : memref<3x80x64xbf16, #tpu.memory_space<vmem>> -> memref<1x80x64xbf16, #tpu.memory_space<vmem>>
      %dma_start3A_120 = tpu.memref_squeeze %dma_start3A_119 : memref<1x80x64xbf16, #tpu.memory_space<vmem>> -> memref<80x64xbf16, #tpu.memory_space<vmem>>
      tpu.enqueue_dma source(%dma_start3A_120 : memref<80x64xbf16, #tpu.memory_space<vmem>>) target(%dma_start3A_116 : memref<80x64xbf16, #tpu.memory_space<vmem_shared>>) target_semaphore(%run_scoped3A_109 : memref<!tpu.dma_semaphore, #tpu.memory_space<semaphore_mem>>)
      %dma_wait3A = arith.constant 0 : i32
      %dma_wait3A_121 = arith.constant 0 : i32
      %dma_wait3A_122 = tpu.memref_slice %arg14[%run_scoped3A_38, %dma_wait3A, %dma_wait3A_121] : memref<3x80x64xbf16, #tpu.memory_space<vmem>> -> memref<1x80x64xbf16, #tpu.memory_space<vmem>>
      %dma_wait3A_123 = tpu.memref_squeeze %dma_wait3A_122 : memref<1x80x64xbf16, #tpu.memory_space<vmem>> -> memref<80x64xbf16, #tpu.memory_space<vmem>>
      %dma_wait3A_124 = arith.constant 0 : i32
      %dma_wait3A_125 = tpu.memref_slice %arg18[%add3A_37, %dma_wait3A_124] : memref<10000x64xbf16, #tpu.memory_space<vmem_shared>> -> memref<80x64xbf16, #tpu.memory_space<vmem_shared>>
      %dma_wait3A_126 = arith.constant 0 : i32
      %dma_wait3A_127 = tpu.memref_slice %arg18[%add3A_37, %dma_wait3A_126] : memref<10000x64xbf16, #tpu.memory_space<vmem_shared>> -> memref<80x64xbf16, #tpu.memory_space<vmem_shared>>
      %dma_wait3A_128 = arith.constant 0 : i32
      %dma_wait3A_129 = arith.constant 0 : i32
      %dma_wait3A_130 = tpu.memref_slice %arg14[%run_scoped3A_38, %dma_wait3A_128, %dma_wait3A_129] : memref<3x80x64xbf16, #tpu.memory_space<vmem>> -> memref<1x80x64xbf16, #tpu.memory_space<vmem>>
      %dma_wait3A_131 = tpu.memref_squeeze %dma_wait3A_130 : memref<1x80x64xbf16, #tpu.memory_space<vmem>> -> memref<80x64xbf16, #tpu.memory_space<vmem>>
      tpu.wait_dma2 semaphore(%run_scoped3A_109 : memref<!tpu.dma_semaphore, #tpu.memory_space<semaphore_mem>>) src(%dma_wait3A_131 : memref<80x64xbf16, #tpu.memory_space<vmem>>) dst(%dma_wait3A_127 : memref<80x64xbf16, #tpu.memory_space<vmem_shared>>)
      tpu.yield
    }) : () -> ()
    %mul3A_39 = arith.constant 625 : i32
    %mul3A_40 = arith.muli %arg1, %mul3A_39 : i32
    %add3A_41 = arith.constant 560 : i32
    %add3A_42 = arith.addi %mul3A_40, %add3A_41 : i32
    %run_scoped3A_43 = arith.constant 0 : i32
    "tpu.region"() ({
      %run_scoped3A_109 = tpu.sem_alloc : memref<!tpu.dma_semaphore, #tpu.memory_space<semaphore_mem>>
      %dma_start3A = arith.constant 0 : i32
      %dma_start3A_110 = arith.constant 0 : i32
      %dma_start3A_111 = tpu.memref_slice %arg14[%run_scoped3A_43, %dma_start3A, %dma_start3A_110] : memref<3x80x64xbf16, #tpu.memory_space<vmem>> -> memref<1x65x64xbf16, #tpu.memory_space<vmem>>
      %dma_start3A_112 = tpu.memref_squeeze %dma_start3A_111 : memref<1x65x64xbf16, #tpu.memory_space<vmem>> -> memref<65x64xbf16, #tpu.memory_space<vmem>>
      %dma_start3A_113 = arith.constant 0 : i32
      %dma_start3A_114 = tpu.memref_slice %arg18[%add3A_42, %dma_start3A_113] : memref<10000x64xbf16, #tpu.memory_space<vmem_shared>> -> memref<65x64xbf16, #tpu.memory_space<vmem_shared>>
      %dma_start3A_115 = arith.constant 0 : i32
      %dma_start3A_116 = tpu.memref_slice %arg18[%add3A_42, %dma_start3A_115] : memref<10000x64xbf16, #tpu.memory_space<vmem_shared>> -> memref<65x64xbf16, #tpu.memory_space<vmem_shared>>
      %dma_start3A_117 = arith.constant 0 : i32
      %dma_start3A_118 = arith.constant 0 : i32
      %dma_start3A_119 = tpu.memref_slice %arg14[%run_scoped3A_43, %dma_start3A_117, %dma_start3A_118] : memref<3x80x64xbf16, #tpu.memory_space<vmem>> -> memref<1x65x64xbf16, #tpu.memory_space<vmem>>
      %dma_start3A_120 = tpu.memref_squeeze %dma_start3A_119 : memref<1x65x64xbf16, #tpu.memory_space<vmem>> -> memref<65x64xbf16, #tpu.memory_space<vmem>>
      tpu.enqueue_dma source(%dma_start3A_120 : memref<65x64xbf16, #tpu.memory_space<vmem>>) target(%dma_start3A_116 : memref<65x64xbf16, #tpu.memory_space<vmem_shared>>) target_semaphore(%run_scoped3A_109 : memref<!tpu.dma_semaphore, #tpu.memory_space<semaphore_mem>>)
      %dma_wait3A = arith.constant 0 : i32
      %dma_wait3A_121 = arith.constant 0 : i32
      %dma_wait3A_122 = tpu.memref_slice %arg14[%run_scoped3A_43, %dma_wait3A, %dma_wait3A_121] : memref<3x80x64xbf16, #tpu.memory_space<vmem>> -> memref<1x65x64xbf16, #tpu.memory_space<vmem>>
      %dma_wait3A_123 = tpu.memref_squeeze %dma_wait3A_122 : memref<1x65x64xbf16, #tpu.memory_space<vmem>> -> memref<65x64xbf16, #tpu.memory_space<vmem>>
      %dma_wait3A_124 = arith.constant 0 : i32
      %dma_wait3A_125 = tpu.memref_slice %arg18[%add3A_42, %dma_wait3A_124] : memref<10000x64xbf16, #tpu.memory_space<vmem_shared>> -> memref<65x64xbf16, #tpu.memory_space<vmem_shared>>
      %dma_wait3A_126 = arith.constant 0 : i32
      %dma_wait3A_127 = tpu.memref_slice %arg18[%add3A_42, %dma_wait3A_126] : memref<10000x64xbf16, #tpu.memory_space<vmem_shared>> -> memref<65x64xbf16, #tpu.memory_space<vmem_shared>>
      %dma_wait3A_128 = arith.constant 0 : i32
      %dma_wait3A_129 = arith.constant 0 : i32
      %dma_wait3A_130 = tpu.memref_slice %arg14[%run_scoped3A_43, %dma_wait3A_128, %dma_wait3A_129] : memref<3x80x64xbf16, #tpu.memory_space<vmem>> -> memref<1x65x64xbf16, #tpu.memory_space<vmem>>
      %dma_wait3A_131 = tpu.memref_squeeze %dma_wait3A_130 : memref<1x65x64xbf16, #tpu.memory_space<vmem>> -> memref<65x64xbf16, #tpu.memory_space<vmem>>
      tpu.wait_dma2 semaphore(%run_scoped3A_109 : memref<!tpu.dma_semaphore, #tpu.memory_space<semaphore_mem>>) src(%dma_wait3A_131 : memref<65x64xbf16, #tpu.memory_space<vmem>>) dst(%dma_wait3A_127 : memref<65x64xbf16, #tpu.memory_space<vmem_shared>>)
      tpu.yield
    }) : () -> ()
    %eq3A = arith.constant 0 : i32
    %eq3A_44 = arith.cmpi eq, %arg0, %eq3A : i32
    %convert_element_type3A = arith.extui %eq3A_44 : i1 to i32
    %cond3A = arith.constant 0 : i32
    %cond3A_45 = arith.cmpi ne, %convert_element_type3A, %cond3A : i32
    scf.if %cond3A_45 {
      %mul3A_109 = arith.constant 625 : i32
      %mul3A_110 = arith.muli %arg1, %mul3A_109 : i32
      %add3A_111 = arith.constant 0 : i32
      %add3A_112 = arith.addi %mul3A_110, %add3A_111 : i32
      %run_scoped3A_113 = arith.constant 0 : i32
      "tpu.region"() ({
        %run_scoped3A_149 = tpu.sem_alloc : memref<!tpu.dma_semaphore, #tpu.memory_space<semaphore_mem>>
        %dma_start3A = arith.constant 0 : i32
        %dma_start3A_150 = arith.constant 0 : i32
        %dma_start3A_151 = tpu.memref_slice %arg17[%run_scoped3A_113, %dma_start3A, %dma_start3A_150] : memref<3x80x16xf32, #tpu.memory_space<vmem>> -> memref<1x80x16xf32, #tpu.memory_space<vmem>>
        %dma_start3A_152 = tpu.memref_squeeze %dma_start3A_151 : memref<1x80x16xf32, #tpu.memory_space<vmem>> -> memref<80x16xf32, #tpu.memory_space<vmem>>
        %dma_start3A_153 = arith.constant 0 : i32
        %dma_start3A_154 = tpu.memref_slice %arg19[%add3A_112, %dma_start3A_153] : memref<10000x16xf32, #tpu.memory_space<vmem_shared>> -> memref<80x16xf32, #tpu.memory_space<vmem_shared>>
        %dma_start3A_155 = arith.constant 0 : i32
        %dma_start3A_156 = tpu.memref_slice %arg19[%add3A_112, %dma_start3A_155] : memref<10000x16xf32, #tpu.memory_space<vmem_shared>> -> memref<80x16xf32, #tpu.memory_space<vmem_shared>>
        %dma_start3A_157 = arith.constant 0 : i32
        %dma_start3A_158 = arith.constant 0 : i32
        %dma_start3A_159 = tpu.memref_slice %arg17[%run_scoped3A_113, %dma_start3A_157, %dma_start3A_158] : memref<3x80x16xf32, #tpu.memory_space<vmem>> -> memref<1x80x16xf32, #tpu.memory_space<vmem>>
        %dma_start3A_160 = tpu.memref_squeeze %dma_start3A_159 : memref<1x80x16xf32, #tpu.memory_space<vmem>> -> memref<80x16xf32, #tpu.memory_space<vmem>>
        tpu.enqueue_dma source(%dma_start3A_160 : memref<80x16xf32, #tpu.memory_space<vmem>>) target(%dma_start3A_156 : memref<80x16xf32, #tpu.memory_space<vmem_shared>>) target_semaphore(%run_scoped3A_149 : memref<!tpu.dma_semaphore, #tpu.memory_space<semaphore_mem>>)
        %dma_wait3A = arith.constant 0 : i32
        %dma_wait3A_161 = arith.constant 0 : i32
        %dma_wait3A_162 = tpu.memref_slice %arg17[%run_scoped3A_113, %dma_wait3A, %dma_wait3A_161] : memref<3x80x16xf32, #tpu.memory_space<vmem>> -> memref<1x80x16xf32, #tpu.memory_space<vmem>>
        %dma_wait3A_163 = tpu.memref_squeeze %dma_wait3A_162 : memref<1x80x16xf32, #tpu.memory_space<vmem>> -> memref<80x16xf32, #tpu.memory_space<vmem>>
        %dma_wait3A_164 = arith.constant 0 : i32
        %dma_wait3A_165 = tpu.memref_slice %arg19[%add3A_112, %dma_wait3A_164] : memref<10000x16xf32, #tpu.memory_space<vmem_shared>> -> memref<80x16xf32, #tpu.memory_space<vmem_shared>>
        %dma_wait3A_166 = arith.constant 0 : i32
        %dma_wait3A_167 = tpu.memref_slice %arg19[%add3A_112, %dma_wait3A_166] : memref<10000x16xf32, #tpu.memory_space<vmem_shared>> -> memref<80x16xf32, #tpu.memory_space<vmem_shared>>
        %dma_wait3A_168 = arith.constant 0 : i32
        %dma_wait3A_169 = arith.constant 0 : i32
        %dma_wait3A_170 = tpu.memref_slice %arg17[%run_scoped3A_113, %dma_wait3A_168, %dma_wait3A_169] : memref<3x80x16xf32, #tpu.memory_space<vmem>> -> memref<1x80x16xf32, #tpu.memory_space<vmem>>
        %dma_wait3A_171 = tpu.memref_squeeze %dma_wait3A_170 : memref<1x80x16xf32, #tpu.memory_space<vmem>> -> memref<80x16xf32, #tpu.memory_space<vmem>>
        tpu.wait_dma2 semaphore(%run_scoped3A_149 : memref<!tpu.dma_semaphore, #tpu.memory_space<semaphore_mem>>) src(%dma_wait3A_171 : memref<80x16xf32, #tpu.memory_space<vmem>>) dst(%dma_wait3A_167 : memref<80x16xf32, #tpu.memory_space<vmem_shared>>)
        tpu.yield
      }) : () -> ()
      %mul3A_114 = arith.constant 625 : i32
      %mul3A_115 = arith.muli %arg1, %mul3A_114 : i32
      %add3A_116 = arith.constant 80 : i32
      %add3A_117 = arith.addi %mul3A_115, %add3A_116 : i32
      %run_scoped3A_118 = arith.constant 0 : i32
      "tpu.region"() ({
        %run_scoped3A_149 = tpu.sem_alloc : memref<!tpu.dma_semaphore, #tpu.memory_space<semaphore_mem>>
        %dma_start3A = arith.constant 0 : i32
        %dma_start3A_150 = arith.constant 0 : i32
        %dma_start3A_151 = tpu.memref_slice %arg17[%run_scoped3A_118, %dma_start3A, %dma_start3A_150] : memref<3x80x16xf32, #tpu.memory_space<vmem>> -> memref<1x80x16xf32, #tpu.memory_space<vmem>>
        %dma_start3A_152 = tpu.memref_squeeze %dma_start3A_151 : memref<1x80x16xf32, #tpu.memory_space<vmem>> -> memref<80x16xf32, #tpu.memory_space<vmem>>
        %dma_start3A_153 = arith.constant 0 : i32
        %dma_start3A_154 = tpu.memref_slice %arg19[%add3A_117, %dma_start3A_153] : memref<10000x16xf32, #tpu.memory_space<vmem_shared>> -> memref<80x16xf32, #tpu.memory_space<vmem_shared>>
        %dma_start3A_155 = arith.constant 0 : i32
        %dma_start3A_156 = tpu.memref_slice %arg19[%add3A_117, %dma_start3A_155] : memref<10000x16xf32, #tpu.memory_space<vmem_shared>> -> memref<80x16xf32, #tpu.memory_space<vmem_shared>>
        %dma_start3A_157 = arith.constant 0 : i32
        %dma_start3A_158 = arith.constant 0 : i32
        %dma_start3A_159 = tpu.memref_slice %arg17[%run_scoped3A_118, %dma_start3A_157, %dma_start3A_158] : memref<3x80x16xf32, #tpu.memory_space<vmem>> -> memref<1x80x16xf32, #tpu.memory_space<vmem>>
        %dma_start3A_160 = tpu.memref_squeeze %dma_start3A_159 : memref<1x80x16xf32, #tpu.memory_space<vmem>> -> memref<80x16xf32, #tpu.memory_space<vmem>>
        tpu.enqueue_dma source(%dma_start3A_160 : memref<80x16xf32, #tpu.memory_space<vmem>>) target(%dma_start3A_156 : memref<80x16xf32, #tpu.memory_space<vmem_shared>>) target_semaphore(%run_scoped3A_149 : memref<!tpu.dma_semaphore, #tpu.memory_space<semaphore_mem>>)
        %dma_wait3A = arith.constant 0 : i32
        %dma_wait3A_161 = arith.constant 0 : i32
        %dma_wait3A_162 = tpu.memref_slice %arg17[%run_scoped3A_118, %dma_wait3A, %dma_wait3A_161] : memref<3x80x16xf32, #tpu.memory_space<vmem>> -> memref<1x80x16xf32, #tpu.memory_space<vmem>>
        %dma_wait3A_163 = tpu.memref_squeeze %dma_wait3A_162 : memref<1x80x16xf32, #tpu.memory_space<vmem>> -> memref<80x16xf32, #tpu.memory_space<vmem>>
        %dma_wait3A_164 = arith.constant 0 : i32
        %dma_wait3A_165 = tpu.memref_slice %arg19[%add3A_117, %dma_wait3A_164] : memref<10000x16xf32, #tpu.memory_space<vmem_shared>> -> memref<80x16xf32, #tpu.memory_space<vmem_shared>>
        %dma_wait3A_166 = arith.constant 0 : i32
        %dma_wait3A_167 = tpu.memref_slice %arg19[%add3A_117, %dma_wait3A_166] : memref<10000x16xf32, #tpu.memory_space<vmem_shared>> -> memref<80x16xf32, #tpu.memory_space<vmem_shared>>
        %dma_wait3A_168 = arith.constant 0 : i32
        %dma_wait3A_169 = arith.constant 0 : i32
        %dma_wait3A_170 = tpu.memref_slice %arg17[%run_scoped3A_118, %dma_wait3A_168, %dma_wait3A_169] : memref<3x80x16xf32, #tpu.memory_space<vmem>> -> memref<1x80x16xf32, #tpu.memory_space<vmem>>
        %dma_wait3A_171 = tpu.memref_squeeze %dma_wait3A_170 : memref<1x80x16xf32, #tpu.memory_space<vmem>> -> memref<80x16xf32, #tpu.memory_space<vmem>>
        tpu.wait_dma2 semaphore(%run_scoped3A_149 : memref<!tpu.dma_semaphore, #tpu.memory_space<semaphore_mem>>) src(%dma_wait3A_171 : memref<80x16xf32, #tpu.memory_space<vmem>>) dst(%dma_wait3A_167 : memref<80x16xf32, #tpu.memory_space<vmem_shared>>)
        tpu.yield
      }) : () -> ()
      %mul3A_119 = arith.constant 625 : i32
      %mul3A_120 = arith.muli %arg1, %mul3A_119 : i32
      %add3A_121 = arith.constant 160 : i32
      %add3A_122 = arith.addi %mul3A_120, %add3A_121 : i32
      %run_scoped3A_123 = arith.constant 0 : i32
      "tpu.region"() ({
        %run_scoped3A_149 = tpu.sem_alloc : memref<!tpu.dma_semaphore, #tpu.memory_space<semaphore_mem>>
        %dma_start3A = arith.constant 0 : i32
        %dma_start3A_150 = arith.constant 0 : i32
        %dma_start3A_151 = tpu.memref_slice %arg17[%run_scoped3A_123, %dma_start3A, %dma_start3A_150] : memref<3x80x16xf32, #tpu.memory_space<vmem>> -> memref<1x80x16xf32, #tpu.memory_space<vmem>>
        %dma_start3A_152 = tpu.memref_squeeze %dma_start3A_151 : memref<1x80x16xf32, #tpu.memory_space<vmem>> -> memref<80x16xf32, #tpu.memory_space<vmem>>
        %dma_start3A_153 = arith.constant 0 : i32
        %dma_start3A_154 = tpu.memref_slice %arg19[%add3A_122, %dma_start3A_153] : memref<10000x16xf32, #tpu.memory_space<vmem_shared>> -> memref<80x16xf32, #tpu.memory_space<vmem_shared>>
        %dma_start3A_155 = arith.constant 0 : i32
        %dma_start3A_156 = tpu.memref_slice %arg19[%add3A_122, %dma_start3A_155] : memref<10000x16xf32, #tpu.memory_space<vmem_shared>> -> memref<80x16xf32, #tpu.memory_space<vmem_shared>>
        %dma_start3A_157 = arith.constant 0 : i32
        %dma_start3A_158 = arith.constant 0 : i32
        %dma_start3A_159 = tpu.memref_slice %arg17[%run_scoped3A_123, %dma_start3A_157, %dma_start3A_158] : memref<3x80x16xf32, #tpu.memory_space<vmem>> -> memref<1x80x16xf32, #tpu.memory_space<vmem>>
        %dma_start3A_160 = tpu.memref_squeeze %dma_start3A_159 : memref<1x80x16xf32, #tpu.memory_space<vmem>> -> memref<80x16xf32, #tpu.memory_space<vmem>>
        tpu.enqueue_dma source(%dma_start3A_160 : memref<80x16xf32, #tpu.memory_space<vmem>>) target(%dma_start3A_156 : memref<80x16xf32, #tpu.memory_space<vmem_shared>>) target_semaphore(%run_scoped3A_149 : memref<!tpu.dma_semaphore, #tpu.memory_space<semaphore_mem>>)
        %dma_wait3A = arith.constant 0 : i32
        %dma_wait3A_161 = arith.constant 0 : i32
        %dma_wait3A_162 = tpu.memref_slice %arg17[%run_scoped3A_123, %dma_wait3A, %dma_wait3A_161] : memref<3x80x16xf32, #tpu.memory_space<vmem>> -> memref<1x80x16xf32, #tpu.memory_space<vmem>>
        %dma_wait3A_163 = tpu.memref_squeeze %dma_wait3A_162 : memref<1x80x16xf32, #tpu.memory_space<vmem>> -> memref<80x16xf32, #tpu.memory_space<vmem>>
        %dma_wait3A_164 = arith.constant 0 : i32
        %dma_wait3A_165 = tpu.memref_slice %arg19[%add3A_122, %dma_wait3A_164] : memref<10000x16xf32, #tpu.memory_space<vmem_shared>> -> memref<80x16xf32, #tpu.memory_space<vmem_shared>>
        %dma_wait3A_166 = arith.constant 0 : i32
        %dma_wait3A_167 = tpu.memref_slice %arg19[%add3A_122, %dma_wait3A_166] : memref<10000x16xf32, #tpu.memory_space<vmem_shared>> -> memref<80x16xf32, #tpu.memory_space<vmem_shared>>
        %dma_wait3A_168 = arith.constant 0 : i32
        %dma_wait3A_169 = arith.constant 0 : i32
        %dma_wait3A_170 = tpu.memref_slice %arg17[%run_scoped3A_123, %dma_wait3A_168, %dma_wait3A_169] : memref<3x80x16xf32, #tpu.memory_space<vmem>> -> memref<1x80x16xf32, #tpu.memory_space<vmem>>
        %dma_wait3A_171 = tpu.memref_squeeze %dma_wait3A_170 : memref<1x80x16xf32, #tpu.memory_space<vmem>> -> memref<80x16xf32, #tpu.memory_space<vmem>>
        tpu.wait_dma2 semaphore(%run_scoped3A_149 : memref<!tpu.dma_semaphore, #tpu.memory_space<semaphore_mem>>) src(%dma_wait3A_171 : memref<80x16xf32, #tpu.memory_space<vmem>>) dst(%dma_wait3A_167 : memref<80x16xf32, #tpu.memory_space<vmem_shared>>)
        tpu.yield
      }) : () -> ()
      %mul3A_124 = arith.constant 625 : i32
      %mul3A_125 = arith.muli %arg1, %mul3A_124 : i32
      %add3A_126 = arith.constant 240 : i32
      %add3A_127 = arith.addi %mul3A_125, %add3A_126 : i32
      %run_scoped3A_128 = arith.constant 0 : i32
      "tpu.region"() ({
        %run_scoped3A_149 = tpu.sem_alloc : memref<!tpu.dma_semaphore, #tpu.memory_space<semaphore_mem>>
        %dma_start3A = arith.constant 0 : i32
        %dma_start3A_150 = arith.constant 0 : i32
        %dma_start3A_151 = tpu.memref_slice %arg17[%run_scoped3A_128, %dma_start3A, %dma_start3A_150] : memref<3x80x16xf32, #tpu.memory_space<vmem>> -> memref<1x80x16xf32, #tpu.memory_space<vmem>>
        %dma_start3A_152 = tpu.memref_squeeze %dma_start3A_151 : memref<1x80x16xf32, #tpu.memory_space<vmem>> -> memref<80x16xf32, #tpu.memory_space<vmem>>
        %dma_start3A_153 = arith.constant 0 : i32
        %dma_start3A_154 = tpu.memref_slice %arg19[%add3A_127, %dma_start3A_153] : memref<10000x16xf32, #tpu.memory_space<vmem_shared>> -> memref<80x16xf32, #tpu.memory_space<vmem_shared>>
        %dma_start3A_155 = arith.constant 0 : i32
        %dma_start3A_156 = tpu.memref_slice %arg19[%add3A_127, %dma_start3A_155] : memref<10000x16xf32, #tpu.memory_space<vmem_shared>> -> memref<80x16xf32, #tpu.memory_space<vmem_shared>>
        %dma_start3A_157 = arith.constant 0 : i32
        %dma_start3A_158 = arith.constant 0 : i32
        %dma_start3A_159 = tpu.memref_slice %arg17[%run_scoped3A_128, %dma_start3A_157, %dma_start3A_158] : memref<3x80x16xf32, #tpu.memory_space<vmem>> -> memref<1x80x16xf32, #tpu.memory_space<vmem>>
        %dma_start3A_160 = tpu.memref_squeeze %dma_start3A_159 : memref<1x80x16xf32, #tpu.memory_space<vmem>> -> memref<80x16xf32, #tpu.memory_space<vmem>>
        tpu.enqueue_dma source(%dma_start3A_160 : memref<80x16xf32, #tpu.memory_space<vmem>>) target(%dma_start3A_156 : memref<80x16xf32, #tpu.memory_space<vmem_shared>>) target_semaphore(%run_scoped3A_149 : memref<!tpu.dma_semaphore, #tpu.memory_space<semaphore_mem>>)
        %dma_wait3A = arith.constant 0 : i32
        %dma_wait3A_161 = arith.constant 0 : i32
        %dma_wait3A_162 = tpu.memref_slice %arg17[%run_scoped3A_128, %dma_wait3A, %dma_wait3A_161] : memref<3x80x16xf32, #tpu.memory_space<vmem>> -> memref<1x80x16xf32, #tpu.memory_space<vmem>>
        %dma_wait3A_163 = tpu.memref_squeeze %dma_wait3A_162 : memref<1x80x16xf32, #tpu.memory_space<vmem>> -> memref<80x16xf32, #tpu.memory_space<vmem>>
        %dma_wait3A_164 = arith.constant 0 : i32
        %dma_wait3A_165 = tpu.memref_slice %arg19[%add3A_127, %dma_wait3A_164] : memref<10000x16xf32, #tpu.memory_space<vmem_shared>> -> memref<80x16xf32, #tpu.memory_space<vmem_shared>>
        %dma_wait3A_166 = arith.constant 0 : i32
        %dma_wait3A_167 = tpu.memref_slice %arg19[%add3A_127, %dma_wait3A_166] : memref<10000x16xf32, #tpu.memory_space<vmem_shared>> -> memref<80x16xf32, #tpu.memory_space<vmem_shared>>
        %dma_wait3A_168 = arith.constant 0 : i32
        %dma_wait3A_169 = arith.constant 0 : i32
        %dma_wait3A_170 = tpu.memref_slice %arg17[%run_scoped3A_128, %dma_wait3A_168, %dma_wait3A_169] : memref<3x80x16xf32, #tpu.memory_space<vmem>> -> memref<1x80x16xf32, #tpu.memory_space<vmem>>
        %dma_wait3A_171 = tpu.memref_squeeze %dma_wait3A_170 : memref<1x80x16xf32, #tpu.memory_space<vmem>> -> memref<80x16xf32, #tpu.memory_space<vmem>>
        tpu.wait_dma2 semaphore(%run_scoped3A_149 : memref<!tpu.dma_semaphore, #tpu.memory_space<semaphore_mem>>) src(%dma_wait3A_171 : memref<80x16xf32, #tpu.memory_space<vmem>>) dst(%dma_wait3A_167 : memref<80x16xf32, #tpu.memory_space<vmem_shared>>)
        tpu.yield
      }) : () -> ()
      %mul3A_129 = arith.constant 625 : i32
      %mul3A_130 = arith.muli %arg1, %mul3A_129 : i32
      %add3A_131 = arith.constant 320 : i32
      %add3A_132 = arith.addi %mul3A_130, %add3A_131 : i32
      %run_scoped3A_133 = arith.constant 0 : i32
      "tpu.region"() ({
        %run_scoped3A_149 = tpu.sem_alloc : memref<!tpu.dma_semaphore, #tpu.memory_space<semaphore_mem>>
        %dma_start3A = arith.constant 0 : i32
        %dma_start3A_150 = arith.constant 0 : i32
        %dma_start3A_151 = tpu.memref_slice %arg17[%run_scoped3A_133, %dma_start3A, %dma_start3A_150] : memref<3x80x16xf32, #tpu.memory_space<vmem>> -> memref<1x80x16xf32, #tpu.memory_space<vmem>>
        %dma_start3A_152 = tpu.memref_squeeze %dma_start3A_151 : memref<1x80x16xf32, #tpu.memory_space<vmem>> -> memref<80x16xf32, #tpu.memory_space<vmem>>
        %dma_start3A_153 = arith.constant 0 : i32
        %dma_start3A_154 = tpu.memref_slice %arg19[%add3A_132, %dma_start3A_153] : memref<10000x16xf32, #tpu.memory_space<vmem_shared>> -> memref<80x16xf32, #tpu.memory_space<vmem_shared>>
        %dma_start3A_155 = arith.constant 0 : i32
        %dma_start3A_156 = tpu.memref_slice %arg19[%add3A_132, %dma_start3A_155] : memref<10000x16xf32, #tpu.memory_space<vmem_shared>> -> memref<80x16xf32, #tpu.memory_space<vmem_shared>>
        %dma_start3A_157 = arith.constant 0 : i32
        %dma_start3A_158 = arith.constant 0 : i32
        %dma_start3A_159 = tpu.memref_slice %arg17[%run_scoped3A_133, %dma_start3A_157, %dma_start3A_158] : memref<3x80x16xf32, #tpu.memory_space<vmem>> -> memref<1x80x16xf32, #tpu.memory_space<vmem>>
        %dma_start3A_160 = tpu.memref_squeeze %dma_start3A_159 : memref<1x80x16xf32, #tpu.memory_space<vmem>> -> memref<80x16xf32, #tpu.memory_space<vmem>>
        tpu.enqueue_dma source(%dma_start3A_160 : memref<80x16xf32, #tpu.memory_space<vmem>>) target(%dma_start3A_156 : memref<80x16xf32, #tpu.memory_space<vmem_shared>>) target_semaphore(%run_scoped3A_149 : memref<!tpu.dma_semaphore, #tpu.memory_space<semaphore_mem>>)
        %dma_wait3A = arith.constant 0 : i32
        %dma_wait3A_161 = arith.constant 0 : i32
        %dma_wait3A_162 = tpu.memref_slice %arg17[%run_scoped3A_133, %dma_wait3A, %dma_wait3A_161] : memref<3x80x16xf32, #tpu.memory_space<vmem>> -> memref<1x80x16xf32, #tpu.memory_space<vmem>>
        %dma_wait3A_163 = tpu.memref_squeeze %dma_wait3A_162 : memref<1x80x16xf32, #tpu.memory_space<vmem>> -> memref<80x16xf32, #tpu.memory_space<vmem>>
        %dma_wait3A_164 = arith.constant 0 : i32
        %dma_wait3A_165 = tpu.memref_slice %arg19[%add3A_132, %dma_wait3A_164] : memref<10000x16xf32, #tpu.memory_space<vmem_shared>> -> memref<80x16xf32, #tpu.memory_space<vmem_shared>>
        %dma_wait3A_166 = arith.constant 0 : i32
        %dma_wait3A_167 = tpu.memref_slice %arg19[%add3A_132, %dma_wait3A_166] : memref<10000x16xf32, #tpu.memory_space<vmem_shared>> -> memref<80x16xf32, #tpu.memory_space<vmem_shared>>
        %dma_wait3A_168 = arith.constant 0 : i32
        %dma_wait3A_169 = arith.constant 0 : i32
        %dma_wait3A_170 = tpu.memref_slice %arg17[%run_scoped3A_133, %dma_wait3A_168, %dma_wait3A_169] : memref<3x80x16xf32, #tpu.memory_space<vmem>> -> memref<1x80x16xf32, #tpu.memory_space<vmem>>
        %dma_wait3A_171 = tpu.memref_squeeze %dma_wait3A_170 : memref<1x80x16xf32, #tpu.memory_space<vmem>> -> memref<80x16xf32, #tpu.memory_space<vmem>>
        tpu.wait_dma2 semaphore(%run_scoped3A_149 : memref<!tpu.dma_semaphore, #tpu.memory_space<semaphore_mem>>) src(%dma_wait3A_171 : memref<80x16xf32, #tpu.memory_space<vmem>>) dst(%dma_wait3A_167 : memref<80x16xf32, #tpu.memory_space<vmem_shared>>)
        tpu.yield
      }) : () -> ()
      %mul3A_134 = arith.constant 625 : i32
      %mul3A_135 = arith.muli %arg1, %mul3A_134 : i32
      %add3A_136 = arith.constant 400 : i32
      %add3A_137 = arith.addi %mul3A_135, %add3A_136 : i32
      %run_scoped3A_138 = arith.constant 0 : i32
      "tpu.region"() ({
        %run_scoped3A_149 = tpu.sem_alloc : memref<!tpu.dma_semaphore, #tpu.memory_space<semaphore_mem>>
        %dma_start3A = arith.constant 0 : i32
        %dma_start3A_150 = arith.constant 0 : i32
        %dma_start3A_151 = tpu.memref_slice %arg17[%run_scoped3A_138, %dma_start3A, %dma_start3A_150] : memref<3x80x16xf32, #tpu.memory_space<vmem>> -> memref<1x80x16xf32, #tpu.memory_space<vmem>>
        %dma_start3A_152 = tpu.memref_squeeze %dma_start3A_151 : memref<1x80x16xf32, #tpu.memory_space<vmem>> -> memref<80x16xf32, #tpu.memory_space<vmem>>
        %dma_start3A_153 = arith.constant 0 : i32
        %dma_start3A_154 = tpu.memref_slice %arg19[%add3A_137, %dma_start3A_153] : memref<10000x16xf32, #tpu.memory_space<vmem_shared>> -> memref<80x16xf32, #tpu.memory_space<vmem_shared>>
        %dma_start3A_155 = arith.constant 0 : i32
        %dma_start3A_156 = tpu.memref_slice %arg19[%add3A_137, %dma_start3A_155] : memref<10000x16xf32, #tpu.memory_space<vmem_shared>> -> memref<80x16xf32, #tpu.memory_space<vmem_shared>>
        %dma_start3A_157 = arith.constant 0 : i32
        %dma_start3A_158 = arith.constant 0 : i32
        %dma_start3A_159 = tpu.memref_slice %arg17[%run_scoped3A_138, %dma_start3A_157, %dma_start3A_158] : memref<3x80x16xf32, #tpu.memory_space<vmem>> -> memref<1x80x16xf32, #tpu.memory_space<vmem>>
        %dma_start3A_160 = tpu.memref_squeeze %dma_start3A_159 : memref<1x80x16xf32, #tpu.memory_space<vmem>> -> memref<80x16xf32, #tpu.memory_space<vmem>>
        tpu.enqueue_dma source(%dma_start3A_160 : memref<80x16xf32, #tpu.memory_space<vmem>>) target(%dma_start3A_156 : memref<80x16xf32, #tpu.memory_space<vmem_shared>>) target_semaphore(%run_scoped3A_149 : memref<!tpu.dma_semaphore, #tpu.memory_space<semaphore_mem>>)
        %dma_wait3A = arith.constant 0 : i32
        %dma_wait3A_161 = arith.constant 0 : i32
        %dma_wait3A_162 = tpu.memref_slice %arg17[%run_scoped3A_138, %dma_wait3A, %dma_wait3A_161] : memref<3x80x16xf32, #tpu.memory_space<vmem>> -> memref<1x80x16xf32, #tpu.memory_space<vmem>>
        %dma_wait3A_163 = tpu.memref_squeeze %dma_wait3A_162 : memref<1x80x16xf32, #tpu.memory_space<vmem>> -> memref<80x16xf32, #tpu.memory_space<vmem>>
        %dma_wait3A_164 = arith.constant 0 : i32
        %dma_wait3A_165 = tpu.memref_slice %arg19[%add3A_137, %dma_wait3A_164] : memref<10000x16xf32, #tpu.memory_space<vmem_shared>> -> memref<80x16xf32, #tpu.memory_space<vmem_shared>>
        %dma_wait3A_166 = arith.constant 0 : i32
        %dma_wait3A_167 = tpu.memref_slice %arg19[%add3A_137, %dma_wait3A_166] : memref<10000x16xf32, #tpu.memory_space<vmem_shared>> -> memref<80x16xf32, #tpu.memory_space<vmem_shared>>
        %dma_wait3A_168 = arith.constant 0 : i32
        %dma_wait3A_169 = arith.constant 0 : i32
        %dma_wait3A_170 = tpu.memref_slice %arg17[%run_scoped3A_138, %dma_wait3A_168, %dma_wait3A_169] : memref<3x80x16xf32, #tpu.memory_space<vmem>> -> memref<1x80x16xf32, #tpu.memory_space<vmem>>
        %dma_wait3A_171 = tpu.memref_squeeze %dma_wait3A_170 : memref<1x80x16xf32, #tpu.memory_space<vmem>> -> memref<80x16xf32, #tpu.memory_space<vmem>>
        tpu.wait_dma2 semaphore(%run_scoped3A_149 : memref<!tpu.dma_semaphore, #tpu.memory_space<semaphore_mem>>) src(%dma_wait3A_171 : memref<80x16xf32, #tpu.memory_space<vmem>>) dst(%dma_wait3A_167 : memref<80x16xf32, #tpu.memory_space<vmem_shared>>)
        tpu.yield
      }) : () -> ()
      %mul3A_139 = arith.constant 625 : i32
      %mul3A_140 = arith.muli %arg1, %mul3A_139 : i32
      %add3A_141 = arith.constant 480 : i32
      %add3A_142 = arith.addi %mul3A_140, %add3A_141 : i32
      %run_scoped3A_143 = arith.constant 0 : i32
      "tpu.region"() ({
        %run_scoped3A_149 = tpu.sem_alloc : memref<!tpu.dma_semaphore, #tpu.memory_space<semaphore_mem>>
        %dma_start3A = arith.constant 0 : i32
        %dma_start3A_150 = arith.constant 0 : i32
        %dma_start3A_151 = tpu.memref_slice %arg17[%run_scoped3A_143, %dma_start3A, %dma_start3A_150] : memref<3x80x16xf32, #tpu.memory_space<vmem>> -> memref<1x80x16xf32, #tpu.memory_space<vmem>>
        %dma_start3A_152 = tpu.memref_squeeze %dma_start3A_151 : memref<1x80x16xf32, #tpu.memory_space<vmem>> -> memref<80x16xf32, #tpu.memory_space<vmem>>
        %dma_start3A_153 = arith.constant 0 : i32
        %dma_start3A_154 = tpu.memref_slice %arg19[%add3A_142, %dma_start3A_153] : memref<10000x16xf32, #tpu.memory_space<vmem_shared>> -> memref<80x16xf32, #tpu.memory_space<vmem_shared>>
        %dma_start3A_155 = arith.constant 0 : i32
        %dma_start3A_156 = tpu.memref_slice %arg19[%add3A_142, %dma_start3A_155] : memref<10000x16xf32, #tpu.memory_space<vmem_shared>> -> memref<80x16xf32, #tpu.memory_space<vmem_shared>>
        %dma_start3A_157 = arith.constant 0 : i32
        %dma_start3A_158 = arith.constant 0 : i32
        %dma_start3A_159 = tpu.memref_slice %arg17[%run_scoped3A_143, %dma_start3A_157, %dma_start3A_158] : memref<3x80x16xf32, #tpu.memory_space<vmem>> -> memref<1x80x16xf32, #tpu.memory_space<vmem>>
        %dma_start3A_160 = tpu.memref_squeeze %dma_start3A_159 : memref<1x80x16xf32, #tpu.memory_space<vmem>> -> memref<80x16xf32, #tpu.memory_space<vmem>>
        tpu.enqueue_dma source(%dma_start3A_160 : memref<80x16xf32, #tpu.memory_space<vmem>>) target(%dma_start3A_156 : memref<80x16xf32, #tpu.memory_space<vmem_shared>>) target_semaphore(%run_scoped3A_149 : memref<!tpu.dma_semaphore, #tpu.memory_space<semaphore_mem>>)
        %dma_wait3A = arith.constant 0 : i32
        %dma_wait3A_161 = arith.constant 0 : i32
        %dma_wait3A_162 = tpu.memref_slice %arg17[%run_scoped3A_143, %dma_wait3A, %dma_wait3A_161] : memref<3x80x16xf32, #tpu.memory_space<vmem>> -> memref<1x80x16xf32, #tpu.memory_space<vmem>>
        %dma_wait3A_163 = tpu.memref_squeeze %dma_wait3A_162 : memref<1x80x16xf32, #tpu.memory_space<vmem>> -> memref<80x16xf32, #tpu.memory_space<vmem>>
        %dma_wait3A_164 = arith.constant 0 : i32
        %dma_wait3A_165 = tpu.memref_slice %arg19[%add3A_142, %dma_wait3A_164] : memref<10000x16xf32, #tpu.memory_space<vmem_shared>> -> memref<80x16xf32, #tpu.memory_space<vmem_shared>>
        %dma_wait3A_166 = arith.constant 0 : i32
        %dma_wait3A_167 = tpu.memref_slice %arg19[%add3A_142, %dma_wait3A_166] : memref<10000x16xf32, #tpu.memory_space<vmem_shared>> -> memref<80x16xf32, #tpu.memory_space<vmem_shared>>
        %dma_wait3A_168 = arith.constant 0 : i32
        %dma_wait3A_169 = arith.constant 0 : i32
        %dma_wait3A_170 = tpu.memref_slice %arg17[%run_scoped3A_143, %dma_wait3A_168, %dma_wait3A_169] : memref<3x80x16xf32, #tpu.memory_space<vmem>> -> memref<1x80x16xf32, #tpu.memory_space<vmem>>
        %dma_wait3A_171 = tpu.memref_squeeze %dma_wait3A_170 : memref<1x80x16xf32, #tpu.memory_space<vmem>> -> memref<80x16xf32, #tpu.memory_space<vmem>>
        tpu.wait_dma2 semaphore(%run_scoped3A_149 : memref<!tpu.dma_semaphore, #tpu.memory_space<semaphore_mem>>) src(%dma_wait3A_171 : memref<80x16xf32, #tpu.memory_space<vmem>>) dst(%dma_wait3A_167 : memref<80x16xf32, #tpu.memory_space<vmem_shared>>)
        tpu.yield
      }) : () -> ()
      %mul3A_144 = arith.constant 625 : i32
      %mul3A_145 = arith.muli %arg1, %mul3A_144 : i32
      %add3A_146 = arith.constant 560 : i32
      %add3A_147 = arith.addi %mul3A_145, %add3A_146 : i32
      %run_scoped3A_148 = arith.constant 0 : i32
      "tpu.region"() ({
        %run_scoped3A_149 = tpu.sem_alloc : memref<!tpu.dma_semaphore, #tpu.memory_space<semaphore_mem>>
        %dma_start3A = arith.constant 0 : i32
        %dma_start3A_150 = arith.constant 0 : i32
        %dma_start3A_151 = tpu.memref_slice %arg17[%run_scoped3A_148, %dma_start3A, %dma_start3A_150] : memref<3x80x16xf32, #tpu.memory_space<vmem>> -> memref<1x65x16xf32, #tpu.memory_space<vmem>>
        %dma_start3A_152 = tpu.memref_squeeze %dma_start3A_151 : memref<1x65x16xf32, #tpu.memory_space<vmem>> -> memref<65x16xf32, #tpu.memory_space<vmem>>
        %dma_start3A_153 = arith.constant 0 : i32
        %dma_start3A_154 = tpu.memref_slice %arg19[%add3A_147, %dma_start3A_153] : memref<10000x16xf32, #tpu.memory_space<vmem_shared>> -> memref<65x16xf32, #tpu.memory_space<vmem_shared>>
        %dma_start3A_155 = arith.constant 0 : i32
        %dma_start3A_156 = tpu.memref_slice %arg19[%add3A_147, %dma_start3A_155] : memref<10000x16xf32, #tpu.memory_space<vmem_shared>> -> memref<65x16xf32, #tpu.memory_space<vmem_shared>>
        %dma_start3A_157 = arith.constant 0 : i32
        %dma_start3A_158 = arith.constant 0 : i32
        %dma_start3A_159 = tpu.memref_slice %arg17[%run_scoped3A_148, %dma_start3A_157, %dma_start3A_158] : memref<3x80x16xf32, #tpu.memory_space<vmem>> -> memref<1x65x16xf32, #tpu.memory_space<vmem>>
        %dma_start3A_160 = tpu.memref_squeeze %dma_start3A_159 : memref<1x65x16xf32, #tpu.memory_space<vmem>> -> memref<65x16xf32, #tpu.memory_space<vmem>>
        tpu.enqueue_dma source(%dma_start3A_160 : memref<65x16xf32, #tpu.memory_space<vmem>>) target(%dma_start3A_156 : memref<65x16xf32, #tpu.memory_space<vmem_shared>>) target_semaphore(%run_scoped3A_149 : memref<!tpu.dma_semaphore, #tpu.memory_space<semaphore_mem>>)
        %dma_wait3A = arith.constant 0 : i32
        %dma_wait3A_161 = arith.constant 0 : i32
        %dma_wait3A_162 = tpu.memref_slice %arg17[%run_scoped3A_148, %dma_wait3A, %dma_wait3A_161] : memref<3x80x16xf32, #tpu.memory_space<vmem>> -> memref<1x65x16xf32, #tpu.memory_space<vmem>>
        %dma_wait3A_163 = tpu.memref_squeeze %dma_wait3A_162 : memref<1x65x16xf32, #tpu.memory_space<vmem>> -> memref<65x16xf32, #tpu.memory_space<vmem>>
        %dma_wait3A_164 = arith.constant 0 : i32
        %dma_wait3A_165 = tpu.memref_slice %arg19[%add3A_147, %dma_wait3A_164] : memref<10000x16xf32, #tpu.memory_space<vmem_shared>> -> memref<65x16xf32, #tpu.memory_space<vmem_shared>>
        %dma_wait3A_166 = arith.constant 0 : i32
        %dma_wait3A_167 = tpu.memref_slice %arg19[%add3A_147, %dma_wait3A_166] : memref<10000x16xf32, #tpu.memory_space<vmem_shared>> -> memref<65x16xf32, #tpu.memory_space<vmem_shared>>
        %dma_wait3A_168 = arith.constant 0 : i32
        %dma_wait3A_169 = arith.constant 0 : i32
        %dma_wait3A_170 = tpu.memref_slice %arg17[%run_scoped3A_148, %dma_wait3A_168, %dma_wait3A_169] : memref<3x80x16xf32, #tpu.memory_space<vmem>> -> memref<1x65x16xf32, #tpu.memory_space<vmem>>
        %dma_wait3A_171 = tpu.memref_squeeze %dma_wait3A_170 : memref<1x65x16xf32, #tpu.memory_space<vmem>> -> memref<65x16xf32, #tpu.memory_space<vmem>>
        tpu.wait_dma2 semaphore(%run_scoped3A_149 : memref<!tpu.dma_semaphore, #tpu.memory_space<semaphore_mem>>) src(%dma_wait3A_171 : memref<65x16xf32, #tpu.memory_space<vmem>>) dst(%dma_wait3A_167 : memref<65x16xf32, #tpu.memory_space<vmem_shared>>)
        tpu.yield
      }) : () -> ()
    } else {
    }
    %barrier3A = arith.constant 0 : index
    tpu.barrier barrier_id(%barrier3A)
    %scan3A_46 = arith.constant 0 : i32
    %scan3A_47 = arith.constant 0 : i32
    %scan3A_48 = arith.constant 9 : i32
    %scan3A_49 = arith.addi %scan3A_47, %scan3A_48 : i32
    %scan3A_50 = arith.constant 1 : i32
    scf.for %scan3A_109 = %scan3A_47 to %scan3A_49 step %scan3A_50  : i32 {
      %rem3A = arith.constant 10 : i32
      %rem3A_110 = arith.remsi %scan3A_109, %rem3A : i32
      %get3A = arith.index_cast %scan3A_109 : i32 to index
      %get3A_111 = arith.constant 0 : index
      %get3A_112 = tpu.vector_load %arg12[%get3A, %get3A_111] {strides = array<i32>} : memref<250x80xi32, #tpu.memory_space<vmem>>, vector<16xi32>,
      %mul3A_113 = arith.constant 2 : i32
      %mul3A_114 = vector.broadcast %mul3A_113 : i32 to vector<16xi32>
      %mul3A_115 = arith.muli %get3A_112, %mul3A_114 : vector<16xi32>
      %add3A_116 = vector.broadcast %arg0 : i32 to vector<16xi32>
      %add3A_117 = arith.addi %mul3A_115, %add3A_116 : vector<16xi32>
      %swap3A = arith.index_cast %rem3A_110 : i32 to index
      %swap3A_118 = arith.constant 0 : index
      %swap3A_119 = tpu.vector_load %arg15[%swap3A, %swap3A_118] {strides = array<i32>} : memref<10x80xi32, #tpu.memory_space<vmem>>, vector<16xi32>,
      tpu.vector_store %arg15[%swap3A, %swap3A_118], %add3A_117 {strides = array<i32>} : memref<10x80xi32, #tpu.memory_space<vmem>>, vector<16xi32>,
      %get3A_120 = arith.index_cast %scan3A_109 : i32 to index
      %get3A_121 = arith.constant 16 : index
      %get3A_122 = tpu.vector_load %arg12[%get3A_120, %get3A_121] {strides = array<i32>} : memref<250x80xi32, #tpu.memory_space<vmem>>, vector<16xi32>,
      %mul3A_123 = arith.constant 2 : i32
      %mul3A_124 = vector.broadcast %mul3A_123 : i32 to vector<16xi32>
      %mul3A_125 = arith.muli %get3A_122, %mul3A_124 : vector<16xi32>
      %add3A_126 = vector.broadcast %arg0 : i32 to vector<16xi32>
      %add3A_127 = arith.addi %mul3A_125, %add3A_126 : vector<16xi32>
      %swap3A_128 = arith.index_cast %rem3A_110 : i32 to index
      %swap3A_129 = arith.constant 16 : index
      %swap3A_130 = tpu.vector_load %arg15[%swap3A_128, %swap3A_129] {strides = array<i32>} : memref<10x80xi32, #tpu.memory_space<vmem>>, vector<16xi32>,
      tpu.vector_store %arg15[%swap3A_128, %swap3A_129], %add3A_127 {strides = array<i32>} : memref<10x80xi32, #tpu.memory_space<vmem>>, vector<16xi32>,
      %get3A_131 = arith.index_cast %scan3A_109 : i32 to index
      %get3A_132 = arith.constant 32 : index
      %get3A_133 = tpu.vector_load %arg12[%get3A_131, %get3A_132] {strides = array<i32>} : memref<250x80xi32, #tpu.memory_space<vmem>>, vector<16xi32>,
      %mul3A_134 = arith.constant 2 : i32
      %mul3A_135 = vector.broadcast %mul3A_134 : i32 to vector<16xi32>
      %mul3A_136 = arith.muli %get3A_133, %mul3A_135 : vector<16xi32>
      %add3A_137 = vector.broadcast %arg0 : i32 to vector<16xi32>
      %add3A_138 = arith.addi %mul3A_136, %add3A_137 : vector<16xi32>
      %swap3A_139 = arith.index_cast %rem3A_110 : i32 to index
      %swap3A_140 = arith.constant 32 : index
      %swap3A_141 = tpu.vector_load %arg15[%swap3A_139, %swap3A_140] {strides = array<i32>} : memref<10x80xi32, #tpu.memory_space<vmem>>, vector<16xi32>,
      tpu.vector_store %arg15[%swap3A_139, %swap3A_140], %add3A_138 {strides = array<i32>} : memref<10x80xi32, #tpu.memory_space<vmem>>, vector<16xi32>,
      %get3A_142 = arith.index_cast %scan3A_109 : i32 to index
      %get3A_143 = arith.constant 48 : index
      %get3A_144 = tpu.vector_load %arg12[%get3A_142, %get3A_143] {strides = array<i32>} : memref<250x80xi32, #tpu.memory_space<vmem>>, vector<16xi32>,
      %mul3A_145 = arith.constant 2 : i32
      %mul3A_146 = vector.broadcast %mul3A_145 : i32 to vector<16xi32>
      %mul3A_147 = arith.muli %get3A_144, %mul3A_146 : vector<16xi32>
      %add3A_148 = vector.broadcast %arg0 : i32 to vector<16xi32>
      %add3A_149 = arith.addi %mul3A_147, %add3A_148 : vector<16xi32>
      %swap3A_150 = arith.index_cast %rem3A_110 : i32 to index
      %swap3A_151 = arith.constant 48 : index
      %swap3A_152 = tpu.vector_load %arg15[%swap3A_150, %swap3A_151] {strides = array<i32>} : memref<10x80xi32, #tpu.memory_space<vmem>>, vector<16xi32>,
      tpu.vector_store %arg15[%swap3A_150, %swap3A_151], %add3A_149 {strides = array<i32>} : memref<10x80xi32, #tpu.memory_space<vmem>>, vector<16xi32>,
      %get3A_153 = arith.index_cast %scan3A_109 : i32 to index
      %get3A_154 = arith.constant 64 : index
      %get3A_155 = tpu.vector_load %arg12[%get3A_153, %get3A_154] {strides = array<i32>} : memref<250x80xi32, #tpu.memory_space<vmem>>, vector<16xi32>,
      %mul3A_156 = arith.constant 2 : i32
      %mul3A_157 = vector.broadcast %mul3A_156 : i32 to vector<16xi32>
      %mul3A_158 = arith.muli %get3A_155, %mul3A_157 : vector<16xi32>
      %add3A_159 = vector.broadcast %arg0 : i32 to vector<16xi32>
      %add3A_160 = arith.addi %mul3A_158, %add3A_159 : vector<16xi32>
      %swap3A_161 = arith.index_cast %rem3A_110 : i32 to index
      %swap3A_162 = arith.constant 64 : index
      %swap3A_163 = tpu.vector_load %arg15[%swap3A_161, %swap3A_162] {strides = array<i32>} : memref<10x80xi32, #tpu.memory_space<vmem>>, vector<16xi32>,
      tpu.vector_store %arg15[%swap3A_161, %swap3A_162], %add3A_160 {strides = array<i32>} : memref<10x80xi32, #tpu.memory_space<vmem>>, vector<16xi32>,
      %dma_start3A = arith.constant 0 : i32
      %dma_start3A_164 = arith.constant 0 : i32
      %dma_start3A_165 = tpu.memref_slice %arg13[%rem3A_110, %dma_start3A, %dma_start3A_164] : memref<10x80x64xbf16, #tpu.memory_space<vmem>> -> memref<1x80x64xbf16, #tpu.memory_space<vmem>>
      %dma_start3A_166 = tpu.memref_squeeze %dma_start3A_165 : memref<1x80x64xbf16, #tpu.memory_space<vmem>> -> memref<80x64xbf16, #tpu.memory_space<vmem>>
      %dma_start3A_167 = arith.constant 0 : i32
      %dma_start3A_168 = tpu.memref_slice %arg15[%rem3A_110, %dma_start3A_167] : memref<10x80xi32, #tpu.memory_space<vmem>> -> memref<1x80xi32, #tpu.memory_space<vmem>>
      %dma_start3A_169 = tpu.memref_squeeze %dma_start3A_168 : memref<1x80xi32, #tpu.memory_space<vmem>> -> memref<80xi32, #tpu.memory_space<vmem>>
      %dma_start3A_170 = arith.constant 0 : i32
      %dma_start3A_171 = arith.constant 0 : i32
      %dma_start3A_172 = tpu.memref_slice %arg6[%dma_start3A_170, %dma_start3A_171] : memref<20000x64xbf16, #tpu.memory_space<hbm>> -> memref<20000x64xbf16, #tpu.memory_space<hbm>>
      tpu.enqueue_indirect_dma source(%dma_start3A_172 : memref<20000x64xbf16, #tpu.memory_space<hbm>>) target(%dma_start3A_166 : memref<80x64xbf16, #tpu.memory_space<vmem>>) offsets(%dma_start3A_169 : memref<80xi32, #tpu.memory_space<vmem>>) semaphore(%arg20 : memref<!tpu.dma_semaphore, #tpu.memory_space<semaphore_mem>>)
    }
    %scan3A_51 = arith.constant 9 : i32
    %mul3A_52 = arith.constant 250 : i32
    %mul3A_53 = arith.muli %arg1, %mul3A_52 : i32
    "tpu.region"() ({
      %run_scoped3A_109 = tpu.sem_alloc : memref<!tpu.dma_semaphore, #tpu.memory_space<semaphore_mem>>
      %dma_start3A = arith.constant 0 : i32
      %dma_start3A_110 = tpu.memref_slice %arg4[%mul3A_53, %dma_start3A] : memref<4000x80xi32, #tpu.memory_space<hbm>> -> memref<250x80xi32, #tpu.memory_space<hbm>>
      %dma_start3A_111 = arith.constant 0 : i32
      %dma_start3A_112 = tpu.memref_slice %arg4[%mul3A_53, %dma_start3A_111] : memref<4000x80xi32, #tpu.memory_space<hbm>> -> memref<250x80xi32, #tpu.memory_space<hbm>>
      tpu.enqueue_dma source(%dma_start3A_112 : memref<250x80xi32, #tpu.memory_space<hbm>>) target(%arg11 : memref<250x80xi32, #tpu.memory_space<vmem>>) target_semaphore(%run_scoped3A_109 : memref<!tpu.dma_semaphore, #tpu.memory_space<semaphore_mem>>)
      %dma_wait3A = arith.constant 0 : i32
      %dma_wait3A_113 = tpu.memref_slice %arg4[%mul3A_53, %dma_wait3A] : memref<4000x80xi32, #tpu.memory_space<hbm>> -> memref<250x80xi32, #tpu.memory_space<hbm>>
      %dma_wait3A_114 = arith.constant 0 : i32
      %dma_wait3A_115 = tpu.memref_slice %arg4[%mul3A_53, %dma_wait3A_114] : memref<4000x80xi32, #tpu.memory_space<hbm>> -> memref<250x80xi32, #tpu.memory_space<hbm>>
      tpu.wait_dma2 semaphore(%run_scoped3A_109 : memref<!tpu.dma_semaphore, #tpu.memory_space<semaphore_mem>>) src(%dma_wait3A_115 : memref<250x80xi32, #tpu.memory_space<hbm>>) dst(%arg11 : memref<250x80xi32, #tpu.memory_space<vmem>>)
      tpu.yield
    }) : () -> ()
    "tpu.region"() ({
      %run_scoped3A_109 = tpu.sem_alloc : memref<!tpu.dma_semaphore, #tpu.memory_space<semaphore_mem>>
      tpu.enqueue_dma source(%arg2 : memref<10000xf32, #tpu.memory_space<hbm>>) target(%arg9 : memref<10000xf32, #tpu.memory_space<vmem>>) target_semaphore(%run_scoped3A_109 : memref<!tpu.dma_semaphore, #tpu.memory_space<semaphore_mem>>)
      tpu.wait_dma2 semaphore(%run_scoped3A_109 : memref<!tpu.dma_semaphore, #tpu.memory_space<semaphore_mem>>) src(%arg2 : memref<10000xf32, #tpu.memory_space<hbm>>) dst(%arg9 : memref<10000xf32, #tpu.memory_space<vmem>>)
      tpu.yield
    }) : () -> ()
    "tpu.region"() ({
      %run_scoped3A_109 = tpu.sem_alloc : memref<!tpu.dma_semaphore, #tpu.memory_space<semaphore_mem>>
      tpu.enqueue_dma source(%arg3 : memref<10000xf32, #tpu.memory_space<hbm>>) target(%arg10 : memref<10000xf32, #tpu.memory_space<vmem>>) target_semaphore(%run_scoped3A_109 : memref<!tpu.dma_semaphore, #tpu.memory_space<semaphore_mem>>)
      tpu.wait_dma2 semaphore(%run_scoped3A_109 : memref<!tpu.dma_semaphore, #tpu.memory_space<semaphore_mem>>) src(%arg3 : memref<10000xf32, #tpu.memory_space<hbm>>) dst(%arg10 : memref<10000xf32, #tpu.memory_space<vmem>>)
      tpu.yield
    }) : () -> ()
    %scan3A_54 = arith.constant 0 : i32
    %scan3A_55 = arith.constant 0 : i32
    %scan3A_56 = arith.constant 250 : i32
    %scan3A_57 = arith.addi %scan3A_55, %scan3A_56 : i32
    %scan3A_58 = arith.constant 1 : i32
    scf.for %scan3A_109 = %scan3A_55 to %scan3A_57 step %scan3A_58  : i32 {
      %rem3A = arith.constant 10 : i32
      %rem3A_110 = arith.remsi %scan3A_109, %rem3A : i32
      %rem3A_111 = arith.constant 3 : i32
      %rem3A_112 = arith.remsi %scan3A_109, %rem3A_111 : i32
      %add3A_113 = arith.constant 9 : i32
      %add3A_114 = arith.addi %scan3A_109, %add3A_113 : i32
      %lt3A = arith.constant 250 : i32
      %lt3A_115 = arith.cmpi slt, %add3A_114, %lt3A : i32
      %convert_element_type3A_116 = arith.extui %lt3A_115 : i1 to i32
      %cond3A_117 = arith.constant 0 : i32
      %cond3A_118 = arith.cmpi ne, %convert_element_type3A_116, %cond3A_117 : i32
      scf.if %cond3A_118 {
        %add3A_245 = arith.constant 9 : i32
        %add3A_246 = arith.addi %scan3A_109, %add3A_245 : i32
        %add3A_247 = arith.constant 9 : i32
        %add3A_248 = arith.addi %scan3A_109, %add3A_247 : i32
        %rem3A_249 = arith.constant 10 : i32
        %rem3A_250 = arith.remsi %add3A_248, %rem3A_249 : i32
        %get3A_251 = arith.index_cast %add3A_246 : i32 to index
        %get3A_252 = arith.constant 0 : index
        %get3A_253 = tpu.vector_load %arg12[%get3A_251, %get3A_252] {strides = array<i32>} : memref<250x80xi32, #tpu.memory_space<vmem>>, vector<16xi32>,
        %mul3A_254 = arith.constant 2 : i32
        %mul3A_255 = vector.broadcast %mul3A_254 : i32 to vector<16xi32>
        %mul3A_256 = arith.muli %get3A_253, %mul3A_255 : vector<16xi32>
        %add3A_257 = vector.broadcast %arg0 : i32 to vector<16xi32>
        %add3A_258 = arith.addi %mul3A_256, %add3A_257 : vector<16xi32>
        %swap3A_259 = arith.index_cast %rem3A_250 : i32 to index
        %swap3A_260 = arith.constant 0 : index
        %swap3A_261 = tpu.vector_load %arg15[%swap3A_259, %swap3A_260] {strides = array<i32>} : memref<10x80xi32, #tpu.memory_space<vmem>>, vector<16xi32>,
        tpu.vector_store %arg15[%swap3A_259, %swap3A_260], %add3A_258 {strides = array<i32>} : memref<10x80xi32, #tpu.memory_space<vmem>>, vector<16xi32>,
        %get3A_262 = arith.index_cast %add3A_246 : i32 to index
        %get3A_263 = arith.constant 16 : index
        %get3A_264 = tpu.vector_load %arg12[%get3A_262, %get3A_263] {strides = array<i32>} : memref<250x80xi32, #tpu.memory_space<vmem>>, vector<16xi32>,
        %mul3A_265 = arith.constant 2 : i32
        %mul3A_266 = vector.broadcast %mul3A_265 : i32 to vector<16xi32>
        %mul3A_267 = arith.muli %get3A_264, %mul3A_266 : vector<16xi32>
        %add3A_268 = vector.broadcast %arg0 : i32 to vector<16xi32>
        %add3A_269 = arith.addi %mul3A_267, %add3A_268 : vector<16xi32>
        %swap3A_270 = arith.index_cast %rem3A_250 : i32 to index
        %swap3A_271 = arith.constant 16 : index
        %swap3A_272 = tpu.vector_load %arg15[%swap3A_270, %swap3A_271] {strides = array<i32>} : memref<10x80xi32, #tpu.memory_space<vmem>>, vector<16xi32>,
        tpu.vector_store %arg15[%swap3A_270, %swap3A_271], %add3A_269 {strides = array<i32>} : memref<10x80xi32, #tpu.memory_space<vmem>>, vector<16xi32>,
        %get3A_273 = arith.index_cast %add3A_246 : i32 to index
        %get3A_274 = arith.constant 32 : index
        %get3A_275 = tpu.vector_load %arg12[%get3A_273, %get3A_274] {strides = array<i32>} : memref<250x80xi32, #tpu.memory_space<vmem>>, vector<16xi32>,
        %mul3A_276 = arith.constant 2 : i32
        %mul3A_277 = vector.broadcast %mul3A_276 : i32 to vector<16xi32>
        %mul3A_278 = arith.muli %get3A_275, %mul3A_277 : vector<16xi32>
        %add3A_279 = vector.broadcast %arg0 : i32 to vector<16xi32>
        %add3A_280 = arith.addi %mul3A_278, %add3A_279 : vector<16xi32>
        %swap3A_281 = arith.index_cast %rem3A_250 : i32 to index
        %swap3A_282 = arith.constant 32 : index
        %swap3A_283 = tpu.vector_load %arg15[%swap3A_281, %swap3A_282] {strides = array<i32>} : memref<10x80xi32, #tpu.memory_space<vmem>>, vector<16xi32>,
        tpu.vector_store %arg15[%swap3A_281, %swap3A_282], %add3A_280 {strides = array<i32>} : memref<10x80xi32, #tpu.memory_space<vmem>>, vector<16xi32>,
        %get3A_284 = arith.index_cast %add3A_246 : i32 to index
        %get3A_285 = arith.constant 48 : index
        %get3A_286 = tpu.vector_load %arg12[%get3A_284, %get3A_285] {strides = array<i32>} : memref<250x80xi32, #tpu.memory_space<vmem>>, vector<16xi32>,
        %mul3A_287 = arith.constant 2 : i32
        %mul3A_288 = vector.broadcast %mul3A_287 : i32 to vector<16xi32>
        %mul3A_289 = arith.muli %get3A_286, %mul3A_288 : vector<16xi32>
        %add3A_290 = vector.broadcast %arg0 : i32 to vector<16xi32>
        %add3A_291 = arith.addi %mul3A_289, %add3A_290 : vector<16xi32>
        %swap3A_292 = arith.index_cast %rem3A_250 : i32 to index
        %swap3A_293 = arith.constant 48 : index
        %swap3A_294 = tpu.vector_load %arg15[%swap3A_292, %swap3A_293] {strides = array<i32>} : memref<10x80xi32, #tpu.memory_space<vmem>>, vector<16xi32>,
        tpu.vector_store %arg15[%swap3A_292, %swap3A_293], %add3A_291 {strides = array<i32>} : memref<10x80xi32, #tpu.memory_space<vmem>>, vector<16xi32>,
        %get3A_295 = arith.index_cast %add3A_246 : i32 to index
        %get3A_296 = arith.constant 64 : index
        %get3A_297 = tpu.vector_load %arg12[%get3A_295, %get3A_296] {strides = array<i32>} : memref<250x80xi32, #tpu.memory_space<vmem>>, vector<16xi32>,
        %mul3A_298 = arith.constant 2 : i32
        %mul3A_299 = vector.broadcast %mul3A_298 : i32 to vector<16xi32>
        %mul3A_300 = arith.muli %get3A_297, %mul3A_299 : vector<16xi32>
        %add3A_301 = vector.broadcast %arg0 : i32 to vector<16xi32>
        %add3A_302 = arith.addi %mul3A_300, %add3A_301 : vector<16xi32>
        %swap3A_303 = arith.index_cast %rem3A_250 : i32 to index
        %swap3A_304 = arith.constant 64 : index
        %swap3A_305 = tpu.vector_load %arg15[%swap3A_303, %swap3A_304] {strides = array<i32>} : memref<10x80xi32, #tpu.memory_space<vmem>>, vector<16xi32>,
        tpu.vector_store %arg15[%swap3A_303, %swap3A_304], %add3A_302 {strides = array<i32>} : memref<10x80xi32, #tpu.memory_space<vmem>>, vector<16xi32>,
        %dma_start3A_306 = arith.constant 0 : i32
        %dma_start3A_307 = arith.constant 0 : i32
        %dma_start3A_308 = tpu.memref_slice %arg13[%rem3A_250, %dma_start3A_306, %dma_start3A_307] : memref<10x80x64xbf16, #tpu.memory_space<vmem>> -> memref<1x80x64xbf16, #tpu.memory_space<vmem>>
        %dma_start3A_309 = tpu.memref_squeeze %dma_start3A_308 : memref<1x80x64xbf16, #tpu.memory_space<vmem>> -> memref<80x64xbf16, #tpu.memory_space<vmem>>
        %dma_start3A_310 = arith.constant 0 : i32
        %dma_start3A_311 = tpu.memref_slice %arg15[%rem3A_250, %dma_start3A_310] : memref<10x80xi32, #tpu.memory_space<vmem>> -> memref<1x80xi32, #tpu.memory_space<vmem>>
        %dma_start3A_312 = tpu.memref_squeeze %dma_start3A_311 : memref<1x80xi32, #tpu.memory_space<vmem>> -> memref<80xi32, #tpu.memory_space<vmem>>
        %dma_start3A_313 = arith.constant 0 : i32
        %dma_start3A_314 = arith.constant 0 : i32
        %dma_start3A_315 = tpu.memref_slice %arg6[%dma_start3A_313, %dma_start3A_314] : memref<20000x64xbf16, #tpu.memory_space<hbm>> -> memref<20000x64xbf16, #tpu.memory_space<hbm>>
        tpu.enqueue_indirect_dma source(%dma_start3A_315 : memref<20000x64xbf16, #tpu.memory_space<hbm>>) target(%dma_start3A_309 : memref<80x64xbf16, #tpu.memory_space<vmem>>) offsets(%dma_start3A_312 : memref<80xi32, #tpu.memory_space<vmem>>) semaphore(%arg20 : memref<!tpu.dma_semaphore, #tpu.memory_space<semaphore_mem>>)
      } else {
      }
      %get3A = arith.index_cast %scan3A_109 : i32 to index
      %get3A_119 = arith.constant 0 : index
      %get3A_120 = tpu.vector_load %arg11[%get3A, %get3A_119] {strides = array<i32>} : memref<250x80xi32, #tpu.memory_space<vmem>>, vector<16xi32>,
      %gather3A = tpu.vector_load_idx %arg9[%get3A_120] : memref<10000xf32, #tpu.memory_space<vmem>>[vector<16xi32>], vector<16xf32>,
      %get3A_121 = arith.index_cast %scan3A_109 : i32 to index
      %get3A_122 = arith.constant 0 : index
      %get3A_123 = tpu.vector_load %arg12[%get3A_121, %get3A_122] {strides = array<i32>} : memref<250x80xi32, #tpu.memory_space<vmem>>, vector<16xi32>,
      %gather3A_124 = tpu.vector_load_idx %arg10[%get3A_123] : memref<10000xf32, #tpu.memory_space<vmem>>[vector<16xi32>], vector<16xf32>,
      %add3A_125 = arith.addf %gather3A, %gather3A_124 : vector<16xf32>
      %ge3A = arith.constant 0.000000e+00 : f32
      %ge3A_126 = vector.broadcast %ge3A : f32 to vector<16xf32>
      %ge3A_127 = arith.cmpf oge, %add3A_125, %ge3A_126 : vector<16xf32>
      %mul3A_128 = arith.constant 2.000000e-01 : f32
      %mul3A_129 = vector.broadcast %mul3A_128 : f32 to vector<16xf32>
      %mul3A_130 = arith.mulf %mul3A_129, %add3A_125 : vector<16xf32>
      %select_n3A = arith.select %ge3A_127, %add3A_125, %mul3A_130 : vector<16xi1>, vector<16xf32>
      %exp3A = math.exp %select_n3A : vector<16xf32>
      %swap3A = arith.constant 0 : index
      %swap3A_131 = tpu.vector_load %arg16[%swap3A] {strides = array<i32>} : memref<80xf32, #tpu.memory_space<vmem>>, vector<16xf32>,
      tpu.vector_store %arg16[%swap3A], %exp3A {strides = array<i32>} : memref<80xf32, #tpu.memory_space<vmem>>, vector<16xf32>,
      %get3A_132 = arith.index_cast %scan3A_109 : i32 to index
      %get3A_133 = arith.constant 16 : index
      %get3A_134 = tpu.vector_load %arg11[%get3A_132, %get3A_133] {strides = array<i32>} : memref<250x80xi32, #tpu.memory_space<vmem>>, vector<16xi32>,
      %gather3A_135 = tpu.vector_load_idx %arg9[%get3A_134] : memref<10000xf32, #tpu.memory_space<vmem>>[vector<16xi32>], vector<16xf32>,
      %get3A_136 = arith.index_cast %scan3A_109 : i32 to index
      %get3A_137 = arith.constant 16 : index
      %get3A_138 = tpu.vector_load %arg12[%get3A_136, %get3A_137] {strides = array<i32>} : memref<250x80xi32, #tpu.memory_space<vmem>>, vector<16xi32>,
      %gather3A_139 = tpu.vector_load_idx %arg10[%get3A_138] : memref<10000xf32, #tpu.memory_space<vmem>>[vector<16xi32>], vector<16xf32>,
      %add3A_140 = arith.addf %gather3A_135, %gather3A_139 : vector<16xf32>
      %ge3A_141 = arith.constant 0.000000e+00 : f32
      %ge3A_142 = vector.broadcast %ge3A_141 : f32 to vector<16xf32>
      %ge3A_143 = arith.cmpf oge, %add3A_140, %ge3A_142 : vector<16xf32>
      %mul3A_144 = arith.constant 2.000000e-01 : f32
      %mul3A_145 = vector.broadcast %mul3A_144 : f32 to vector<16xf32>
      %mul3A_146 = arith.mulf %mul3A_145, %add3A_140 : vector<16xf32>
      %select_n3A_147 = arith.select %ge3A_143, %add3A_140, %mul3A_146 : vector<16xi1>, vector<16xf32>
      %exp3A_148 = math.exp %select_n3A_147 : vector<16xf32>
      %swap3A_149 = arith.constant 16 : index
      %swap3A_150 = tpu.vector_load %arg16[%swap3A_149] {strides = array<i32>} : memref<80xf32, #tpu.memory_space<vmem>>, vector<16xf32>,
      tpu.vector_store %arg16[%swap3A_149], %exp3A_148 {strides = array<i32>} : memref<80xf32, #tpu.memory_space<vmem>>, vector<16xf32>,
      %get3A_151 = arith.index_cast %scan3A_109 : i32 to index
      %get3A_152 = arith.constant 32 : index
      %get3A_153 = tpu.vector_load %arg11[%get3A_151, %get3A_152] {strides = array<i32>} : memref<250x80xi32, #tpu.memory_space<vmem>>, vector<16xi32>,
      %gather3A_154 = tpu.vector_load_idx %arg9[%get3A_153] : memref<10000xf32, #tpu.memory_space<vmem>>[vector<16xi32>], vector<16xf32>,
      %get3A_155 = arith.index_cast %scan3A_109 : i32 to index
      %get3A_156 = arith.constant 32 : index
      %get3A_157 = tpu.vector_load %arg12[%get3A_155, %get3A_156] {strides = array<i32>} : memref<250x80xi32, #tpu.memory_space<vmem>>, vector<16xi32>,
      %gather3A_158 = tpu.vector_load_idx %arg10[%get3A_157] : memref<10000xf32, #tpu.memory_space<vmem>>[vector<16xi32>], vector<16xf32>,
      %add3A_159 = arith.addf %gather3A_154, %gather3A_158 : vector<16xf32>
      %ge3A_160 = arith.constant 0.000000e+00 : f32
      %ge3A_161 = vector.broadcast %ge3A_160 : f32 to vector<16xf32>
      %ge3A_162 = arith.cmpf oge, %add3A_159, %ge3A_161 : vector<16xf32>
      %mul3A_163 = arith.constant 2.000000e-01 : f32
      %mul3A_164 = vector.broadcast %mul3A_163 : f32 to vector<16xf32>
      %mul3A_165 = arith.mulf %mul3A_164, %add3A_159 : vector<16xf32>
      %select_n3A_166 = arith.select %ge3A_162, %add3A_159, %mul3A_165 : vector<16xi1>, vector<16xf32>
      %exp3A_167 = math.exp %select_n3A_166 : vector<16xf32>
      %swap3A_168 = arith.constant 32 : index
      %swap3A_169 = tpu.vector_load %arg16[%swap3A_168] {strides = array<i32>} : memref<80xf32, #tpu.memory_space<vmem>>, vector<16xf32>,
      tpu.vector_store %arg16[%swap3A_168], %exp3A_167 {strides = array<i32>} : memref<80xf32, #tpu.memory_space<vmem>>, vector<16xf32>,
      %get3A_170 = arith.index_cast %scan3A_109 : i32 to index
      %get3A_171 = arith.constant 48 : index
      %get3A_172 = tpu.vector_load %arg11[%get3A_170, %get3A_171] {strides = array<i32>} : memref<250x80xi32, #tpu.memory_space<vmem>>, vector<16xi32>,
      %gather3A_173 = tpu.vector_load_idx %arg9[%get3A_172] : memref<10000xf32, #tpu.memory_space<vmem>>[vector<16xi32>], vector<16xf32>,
      %get3A_174 = arith.index_cast %scan3A_109 : i32 to index
      %get3A_175 = arith.constant 48 : index
      %get3A_176 = tpu.vector_load %arg12[%get3A_174, %get3A_175] {strides = array<i32>} : memref<250x80xi32, #tpu.memory_space<vmem>>, vector<16xi32>,
      %gather3A_177 = tpu.vector_load_idx %arg10[%get3A_176] : memref<10000xf32, #tpu.memory_space<vmem>>[vector<16xi32>], vector<16xf32>,
      %add3A_178 = arith.addf %gather3A_173, %gather3A_177 : vector<16xf32>
      %ge3A_179 = arith.constant 0.000000e+00 : f32
      %ge3A_180 = vector.broadcast %ge3A_179 : f32 to vector<16xf32>
      %ge3A_181 = arith.cmpf oge, %add3A_178, %ge3A_180 : vector<16xf32>
      %mul3A_182 = arith.constant 2.000000e-01 : f32
      %mul3A_183 = vector.broadcast %mul3A_182 : f32 to vector<16xf32>
      %mul3A_184 = arith.mulf %mul3A_183, %add3A_178 : vector<16xf32>
      %select_n3A_185 = arith.select %ge3A_181, %add3A_178, %mul3A_184 : vector<16xi1>, vector<16xf32>
      %exp3A_186 = math.exp %select_n3A_185 : vector<16xf32>
      %swap3A_187 = arith.constant 48 : index
      %swap3A_188 = tpu.vector_load %arg16[%swap3A_187] {strides = array<i32>} : memref<80xf32, #tpu.memory_space<vmem>>, vector<16xf32>,
      tpu.vector_store %arg16[%swap3A_187], %exp3A_186 {strides = array<i32>} : memref<80xf32, #tpu.memory_space<vmem>>, vector<16xf32>,
      %get3A_189 = arith.index_cast %scan3A_109 : i32 to index
      %get3A_190 = arith.constant 64 : index
      %get3A_191 = tpu.vector_load %arg11[%get3A_189, %get3A_190] {strides = array<i32>} : memref<250x80xi32, #tpu.memory_space<vmem>>, vector<16xi32>,
      %gather3A_192 = tpu.vector_load_idx %arg9[%get3A_191] : memref<10000xf32, #tpu.memory_space<vmem>>[vector<16xi32>], vector<16xf32>,
      %get3A_193 = arith.index_cast %scan3A_109 : i32 to index
      %get3A_194 = arith.constant 64 : index
      %get3A_195 = tpu.vector_load %arg12[%get3A_193, %get3A_194] {strides = array<i32>} : memref<250x80xi32, #tpu.memory_space<vmem>>, vector<16xi32>,
      %gather3A_196 = tpu.vector_load_idx %arg10[%get3A_195] : memref<10000xf32, #tpu.memory_space<vmem>>[vector<16xi32>], vector<16xf32>,
      %add3A_197 = arith.addf %gather3A_192, %gather3A_196 : vector<16xf32>
      %ge3A_198 = arith.constant 0.000000e+00 : f32
      %ge3A_199 = vector.broadcast %ge3A_198 : f32 to vector<16xf32>
      %ge3A_200 = arith.cmpf oge, %add3A_197, %ge3A_199 : vector<16xf32>
      %mul3A_201 = arith.constant 2.000000e-01 : f32
      %mul3A_202 = vector.broadcast %mul3A_201 : f32 to vector<16xf32>
      %mul3A_203 = arith.mulf %mul3A_202, %add3A_197 : vector<16xf32>
      %select_n3A_204 = arith.select %ge3A_200, %add3A_197, %mul3A_203 : vector<16xi1>, vector<16xf32>
      %exp3A_205 = math.exp %select_n3A_204 : vector<16xf32>
      %swap3A_206 = arith.constant 64 : index
      %swap3A_207 = tpu.vector_load %arg16[%swap3A_206] {strides = array<i32>} : memref<80xf32, #tpu.memory_space<vmem>>, vector<16xf32>,
      tpu.vector_store %arg16[%swap3A_206], %exp3A_205 {strides = array<i32>} : memref<80xf32, #tpu.memory_space<vmem>>, vector<16xf32>,
      %ge3A_208 = arith.constant 3 : i32
      %ge3A_209 = arith.cmpi sge, %scan3A_109, %ge3A_208 : i32
      %convert_element_type3A_210 = arith.extui %ge3A_209 : i1 to i32
      %cond3A_211 = arith.constant 0 : i32
      %cond3A_212 = arith.cmpi ne, %convert_element_type3A_210, %cond3A_211 : i32
      scf.if %cond3A_212 {
        %dma_wait3A_245 = arith.constant 0 : i32
        %dma_wait3A_246 = arith.constant 0 : i32
        %dma_wait3A_247 = arith.constant 0 : i32
        %dma_wait3A_248 = arith.constant 0 : i32
        %dma_wait3A_249 = tpu.memref_slice %arg14[%dma_wait3A_245, %dma_wait3A_247, %dma_wait3A_248] : memref<3x80x64xbf16, #tpu.memory_space<vmem>> -> memref<1x80x64xbf16, #tpu.memory_space<vmem>>
        %dma_wait3A_250 = tpu.memref_squeeze %dma_wait3A_249 : memref<1x80x64xbf16, #tpu.memory_space<vmem>> -> memref<80x64xbf16, #tpu.memory_space<vmem>>
        %dma_wait3A_251 = arith.constant 0 : i32
        %dma_wait3A_252 = tpu.memref_slice %arg11[%dma_wait3A_246, %dma_wait3A_251] : memref<250x80xi32, #tpu.memory_space<vmem>> -> memref<1x80xi32, #tpu.memory_space<vmem>>
        %dma_wait3A_253 = tpu.memref_squeeze %dma_wait3A_252 : memref<1x80xi32, #tpu.memory_space<vmem>> -> memref<80xi32, #tpu.memory_space<vmem>>
        %dma_wait3A_254 = arith.constant 0 : i32
        %dma_wait3A_255 = arith.constant 0 : i32
        %dma_wait3A_256 = tpu.memref_slice %arg18[%dma_wait3A_254, %dma_wait3A_255] : memref<10000x64xbf16, #tpu.memory_space<vmem_shared>> -> memref<10000x64xbf16, #tpu.memory_space<vmem_shared>>
        tpu.wait_indirect_dma semaphore(%arg21 : memref<!tpu.dma_semaphore, #tpu.memory_space<semaphore_mem>>) src(%dma_wait3A_250 : memref<80x64xbf16, #tpu.memory_space<vmem>>) dst(%dma_wait3A_256 : memref<10000x64xbf16, #tpu.memory_space<vmem_shared>>)
      } else {
      }
      %ge3A_213 = arith.constant 3 : i32
      %ge3A_214 = arith.cmpi sge, %scan3A_109, %ge3A_213 : i32
      %eq3A_215 = arith.constant 0 : i32
      %eq3A_216 = arith.cmpi eq, %arg0, %eq3A_215 : i32
      %and3A = arith.andi %ge3A_214, %eq3A_216 : i1
      %convert_element_type3A_217 = arith.extui %and3A : i1 to i32
      %cond3A_218 = arith.constant 0 : i32
      %cond3A_219 = arith.cmpi ne, %convert_element_type3A_217, %cond3A_218 : i32
      scf.if %cond3A_219 {
        %dma_wait3A_245 = arith.constant 0 : i32
        %dma_wait3A_246 = arith.constant 0 : i32
        %dma_wait3A_247 = arith.constant 0 : i32
        %dma_wait3A_248 = arith.constant 0 : i32
        %dma_wait3A_249 = tpu.memref_slice %arg17[%dma_wait3A_245, %dma_wait3A_247, %dma_wait3A_248] : memref<3x80x16xf32, #tpu.memory_space<vmem>> -> memref<1x80x16xf32, #tpu.memory_space<vmem>>
        %dma_wait3A_250 = tpu.memref_squeeze %dma_wait3A_249 : memref<1x80x16xf32, #tpu.memory_space<vmem>> -> memref<80x16xf32, #tpu.memory_space<vmem>>
        %dma_wait3A_251 = arith.constant 0 : i32
        %dma_wait3A_252 = tpu.memref_slice %arg11[%dma_wait3A_246, %dma_wait3A_251] : memref<250x80xi32, #tpu.memory_space<vmem>> -> memref<1x80xi32, #tpu.memory_space<vmem>>
        %dma_wait3A_253 = tpu.memref_squeeze %dma_wait3A_252 : memref<1x80xi32, #tpu.memory_space<vmem>> -> memref<80xi32, #tpu.memory_space<vmem>>
        %dma_wait3A_254 = arith.constant 0 : i32
        %dma_wait3A_255 = arith.constant 0 : i32
        %dma_wait3A_256 = tpu.memref_slice %arg19[%dma_wait3A_254, %dma_wait3A_255] : memref<10000x16xf32, #tpu.memory_space<vmem_shared>> -> memref<10000x16xf32, #tpu.memory_space<vmem_shared>>
        tpu.wait_indirect_dma semaphore(%arg22 : memref<!tpu.dma_semaphore, #tpu.memory_space<semaphore_mem>>) src(%dma_wait3A_250 : memref<80x16xf32, #tpu.memory_space<vmem>>) dst(%dma_wait3A_256 : memref<10000x16xf32, #tpu.memory_space<vmem_shared>>)
      } else {
      }
      %dma_wait3A = arith.constant 0 : i32
      %dma_wait3A_220 = arith.constant 0 : i32
      %dma_wait3A_221 = tpu.memref_slice %arg13[%rem3A_110, %dma_wait3A, %dma_wait3A_220] : memref<10x80x64xbf16, #tpu.memory_space<vmem>> -> memref<1x80x64xbf16, #tpu.memory_space<vmem>>
      %dma_wait3A_222 = tpu.memref_squeeze %dma_wait3A_221 : memref<1x80x64xbf16, #tpu.memory_space<vmem>> -> memref<80x64xbf16, #tpu.memory_space<vmem>>
      %dma_wait3A_223 = arith.constant 0 : i32
      %dma_wait3A_224 = tpu.memref_slice %arg15[%rem3A_110, %dma_wait3A_223] : memref<10x80xi32, #tpu.memory_space<vmem>> -> memref<1x80xi32, #tpu.memory_space<vmem>>
      %dma_wait3A_225 = tpu.memref_squeeze %dma_wait3A_224 : memref<1x80xi32, #tpu.memory_space<vmem>> -> memref<80xi32, #tpu.memory_space<vmem>>
      %dma_wait3A_226 = arith.constant 0 : i32
      %dma_wait3A_227 = arith.constant 0 : i32
      %dma_wait3A_228 = tpu.memref_slice %arg6[%dma_wait3A_226, %dma_wait3A_227] : memref<20000x64xbf16, #tpu.memory_space<hbm>> -> memref<20000x64xbf16, #tpu.memory_space<hbm>>
      tpu.wait_indirect_dma semaphore(%arg20 : memref<!tpu.dma_semaphore, #tpu.memory_space<semaphore_mem>>) src(%dma_wait3A_228 : memref<20000x64xbf16, #tpu.memory_space<hbm>>) dst(%dma_wait3A_222 : memref<80x64xbf16, #tpu.memory_space<vmem>>)
      %parallel_loop3A = arith.constant 0 : i32
      %parallel_loop3A_229 = arith.constant 80 : i32
      %parallel_loop3A_230 = arith.constant 16 : i32
      scf.for %parallel_loop3A_245 = %parallel_loop3A to %parallel_loop3A_229 step %parallel_loop3A_230  : i32 {
        %parallel_loop3A_246 = arith.index_cast %parallel_loop3A_245 : i32 to index
        %parallel_loop3A_247 = tpu.vector_load %arg16[%parallel_loop3A_246] {strides = array<i32>} : memref<80xf32, #tpu.memory_space<vmem>>, vector<16xf32>,
        %parallel_loop3A_248 = vector.extract_strided_slice %parallel_loop3A_247 {offsets = [0], sizes = [1], strides = [1]} : vector<16xf32> to vector<1xf32>
        %parallel_loop3A_249 = vector.extract %parallel_loop3A_248[0] : f32 from vector<1xf32>
        %parallel_loop3A_250 = vector.broadcast %parallel_loop3A_249 : f32 to vector<16xf32>
        %parallel_loop3A_251 = tpu.pack_subelements %parallel_loop3A_250, %parallel_loop3A_250 {pack_format = #tpu.pack_format<interleaved>, positions = array<i32: 0, 1>} : vector<16xf32>, vector<16xf32> -> vector<32xbf16>
        %parallel_loop3A_252 = arith.constant 0 : i32
        %parallel_loop3A_253 = arith.addi %parallel_loop3A_245, %parallel_loop3A_252 : i32
        %parallel_loop3A_254 = arith.index_cast %rem3A_110 : i32 to index
        %parallel_loop3A_255 = arith.index_cast %parallel_loop3A_253 : i32 to index
        %parallel_loop3A_256 = arith.constant 0 : index
        %parallel_loop3A_257 = tpu.vector_load %arg13[%parallel_loop3A_254, %parallel_loop3A_255, %parallel_loop3A_256] {strides = array<i32>} : memref<10x80x64xbf16, #tpu.memory_space<vmem>>, vector<32xbf16>,
        %parallel_loop3A_258 = arith.mulf %parallel_loop3A_257, %parallel_loop3A_251 : vector<32xbf16>
        %parallel_loop3A_259 = arith.index_cast %rem3A_112 : i32 to index
        %parallel_loop3A_260 = arith.index_cast %parallel_loop3A_253 : i32 to index
        %parallel_loop3A_261 = arith.constant 0 : index
        %parallel_loop3A_262 = tpu.vector_load %arg14[%parallel_loop3A_259, %parallel_loop3A_260, %parallel_loop3A_261] {strides = array<i32>} : memref<3x80x64xbf16, #tpu.memory_space<vmem>>, vector<32xbf16>,
        tpu.vector_store %arg14[%parallel_loop3A_259, %parallel_loop3A_260, %parallel_loop3A_261], %parallel_loop3A_258 {strides = array<i32>} : memref<3x80x64xbf16, #tpu.memory_space<vmem>>, vector<32xbf16>,
        %parallel_loop3A_263 = arith.index_cast %rem3A_110 : i32 to index
        %parallel_loop3A_264 = arith.index_cast %parallel_loop3A_253 : i32 to index
        %parallel_loop3A_265 = arith.constant 32 : index
        %parallel_loop3A_266 = tpu.vector_load %arg13[%parallel_loop3A_263, %parallel_loop3A_264, %parallel_loop3A_265] {strides = array<i32>} : memref<10x80x64xbf16, #tpu.memory_space<vmem>>, vector<32xbf16>,
        %parallel_loop3A_267 = arith.mulf %parallel_loop3A_266, %parallel_loop3A_251 : vector<32xbf16>
        %parallel_loop3A_268 = arith.index_cast %rem3A_112 : i32 to index
        %parallel_loop3A_269 = arith.index_cast %parallel_loop3A_253 : i32 to index
        %parallel_loop3A_270 = arith.constant 32 : index
        %parallel_loop3A_271 = tpu.vector_load %arg14[%parallel_loop3A_268, %parallel_loop3A_269, %parallel_loop3A_270] {strides = array<i32>} : memref<3x80x64xbf16, #tpu.memory_space<vmem>>, vector<32xbf16>,
        tpu.vector_store %arg14[%parallel_loop3A_268, %parallel_loop3A_269, %parallel_loop3A_270], %parallel_loop3A_267 {strides = array<i32>} : memref<3x80x64xbf16, #tpu.memory_space<vmem>>, vector<32xbf16>,
        %parallel_loop3A_272 = arith.index_cast %rem3A_112 : i32 to index
        %parallel_loop3A_273 = arith.index_cast %parallel_loop3A_253 : i32 to index
        %parallel_loop3A_274 = arith.constant 0 : index
        %parallel_loop3A_275 = tpu.vector_load %arg17[%parallel_loop3A_272, %parallel_loop3A_273, %parallel_loop3A_274] {strides = array<i32>} : memref<3x80x16xf32, #tpu.memory_space<vmem>>, vector<16xf32>,
        tpu.vector_store %arg17[%parallel_loop3A_272, %parallel_loop3A_273, %parallel_loop3A_274], %parallel_loop3A_250 {strides = array<i32>} : memref<3x80x16xf32, #tpu.memory_space<vmem>>, vector<16xf32>,
        %parallel_loop3A_276 = vector.extract_strided_slice %parallel_loop3A_247 {offsets = [1], sizes = [1], strides = [1]} : vector<16xf32> to vector<1xf32>
        %parallel_loop3A_277 = vector.extract %parallel_loop3A_276[0] : f32 from vector<1xf32>
        %parallel_loop3A_278 = vector.broadcast %parallel_loop3A_277 : f32 to vector<16xf32>
        %parallel_loop3A_279 = tpu.pack_subelements %parallel_loop3A_278, %parallel_loop3A_278 {pack_format = #tpu.pack_format<interleaved>, positions = array<i32: 0, 1>} : vector<16xf32>, vector<16xf32> -> vector<32xbf16>
        %parallel_loop3A_280 = arith.constant 1 : i32
        %parallel_loop3A_281 = arith.addi %parallel_loop3A_245, %parallel_loop3A_280 : i32
        %parallel_loop3A_282 = arith.index_cast %rem3A_110 : i32 to index
        %parallel_loop3A_283 = arith.index_cast %parallel_loop3A_281 : i32 to index
        %parallel_loop3A_284 = arith.constant 0 : index
        %parallel_loop3A_285 = tpu.vector_load %arg13[%parallel_loop3A_282, %parallel_loop3A_283, %parallel_loop3A_284] {strides = array<i32>} : memref<10x80x64xbf16, #tpu.memory_space<vmem>>, vector<32xbf16>,
        %parallel_loop3A_286 = arith.mulf %parallel_loop3A_285, %parallel_loop3A_279 : vector<32xbf16>
        %parallel_loop3A_287 = arith.index_cast %rem3A_112 : i32 to index
        %parallel_loop3A_288 = arith.index_cast %parallel_loop3A_281 : i32 to index
        %parallel_loop3A_289 = arith.constant 0 : index
        %parallel_loop3A_290 = tpu.vector_load %arg14[%parallel_loop3A_287, %parallel_loop3A_288, %parallel_loop3A_289] {strides = array<i32>} : memref<3x80x64xbf16, #tpu.memory_space<vmem>>, vector<32xbf16>,
        tpu.vector_store %arg14[%parallel_loop3A_287, %parallel_loop3A_288, %parallel_loop3A_289], %parallel_loop3A_286 {strides = array<i32>} : memref<3x80x64xbf16, #tpu.memory_space<vmem>>, vector<32xbf16>,
        %parallel_loop3A_291 = arith.index_cast %rem3A_110 : i32 to index
        %parallel_loop3A_292 = arith.index_cast %parallel_loop3A_281 : i32 to index
        %parallel_loop3A_293 = arith.constant 32 : index
        %parallel_loop3A_294 = tpu.vector_load %arg13[%parallel_loop3A_291, %parallel_loop3A_292, %parallel_loop3A_293] {strides = array<i32>} : memref<10x80x64xbf16, #tpu.memory_space<vmem>>, vector<32xbf16>,
        %parallel_loop3A_295 = arith.mulf %parallel_loop3A_294, %parallel_loop3A_279 : vector<32xbf16>
        %parallel_loop3A_296 = arith.index_cast %rem3A_112 : i32 to index
        %parallel_loop3A_297 = arith.index_cast %parallel_loop3A_281 : i32 to index
        %parallel_loop3A_298 = arith.constant 32 : index
        %parallel_loop3A_299 = tpu.vector_load %arg14[%parallel_loop3A_296, %parallel_loop3A_297, %parallel_loop3A_298] {strides = array<i32>} : memref<3x80x64xbf16, #tpu.memory_space<vmem>>, vector<32xbf16>,
        tpu.vector_store %arg14[%parallel_loop3A_296, %parallel_loop3A_297, %parallel_loop3A_298], %parallel_loop3A_295 {strides = array<i32>} : memref<3x80x64xbf16, #tpu.memory_space<vmem>>, vector<32xbf16>,
        %parallel_loop3A_300 = arith.index_cast %rem3A_112 : i32 to index
        %parallel_loop3A_301 = arith.index_cast %parallel_loop3A_281 : i32 to index
        %parallel_loop3A_302 = arith.constant 0 : index
        %parallel_loop3A_303 = tpu.vector_load %arg17[%parallel_loop3A_300, %parallel_loop3A_301, %parallel_loop3A_302] {strides = array<i32>} : memref<3x80x16xf32, #tpu.memory_space<vmem>>, vector<16xf32>,
        tpu.vector_store %arg17[%parallel_loop3A_300, %parallel_loop3A_301, %parallel_loop3A_302], %parallel_loop3A_278 {strides = array<i32>} : memref<3x80x16xf32, #tpu.memory_space<vmem>>, vector<16xf32>,
        %parallel_loop3A_304 = vector.extract_strided_slice %parallel_loop3A_247 {offsets = [2], sizes = [1], strides = [1]} : vector<16xf32> to vector<1xf32>
        %parallel_loop3A_305 = vector.extract %parallel_loop3A_304[0] : f32 from vector<1xf32>
        %parallel_loop3A_306 = vector.broadcast %parallel_loop3A_305 : f32 to vector<16xf32>
        %parallel_loop3A_307 = tpu.pack_subelements %parallel_loop3A_306, %parallel_loop3A_306 {pack_format = #tpu.pack_format<interleaved>, positions = array<i32: 0, 1>} : vector<16xf32>, vector<16xf32> -> vector<32xbf16>
        %parallel_loop3A_308 = arith.constant 2 : i32
        %parallel_loop3A_309 = arith.addi %parallel_loop3A_245, %parallel_loop3A_308 : i32
        %parallel_loop3A_310 = arith.index_cast %rem3A_110 : i32 to index
        %parallel_loop3A_311 = arith.index_cast %parallel_loop3A_309 : i32 to index
        %parallel_loop3A_312 = arith.constant 0 : index
        %parallel_loop3A_313 = tpu.vector_load %arg13[%parallel_loop3A_310, %parallel_loop3A_311, %parallel_loop3A_312] {strides = array<i32>} : memref<10x80x64xbf16, #tpu.memory_space<vmem>>, vector<32xbf16>,
        %parallel_loop3A_314 = arith.mulf %parallel_loop3A_313, %parallel_loop3A_307 : vector<32xbf16>
        %parallel_loop3A_315 = arith.index_cast %rem3A_112 : i32 to index
        %parallel_loop3A_316 = arith.index_cast %parallel_loop3A_309 : i32 to index
        %parallel_loop3A_317 = arith.constant 0 : index
        %parallel_loop3A_318 = tpu.vector_load %arg14[%parallel_loop3A_315, %parallel_loop3A_316, %parallel_loop3A_317] {strides = array<i32>} : memref<3x80x64xbf16, #tpu.memory_space<vmem>>, vector<32xbf16>,
        tpu.vector_store %arg14[%parallel_loop3A_315, %parallel_loop3A_316, %parallel_loop3A_317], %parallel_loop3A_314 {strides = array<i32>} : memref<3x80x64xbf16, #tpu.memory_space<vmem>>, vector<32xbf16>,
        %parallel_loop3A_319 = arith.index_cast %rem3A_110 : i32 to index
        %parallel_loop3A_320 = arith.index_cast %parallel_loop3A_309 : i32 to index
        %parallel_loop3A_321 = arith.constant 32 : index
        %parallel_loop3A_322 = tpu.vector_load %arg13[%parallel_loop3A_319, %parallel_loop3A_320, %parallel_loop3A_321] {strides = array<i32>} : memref<10x80x64xbf16, #tpu.memory_space<vmem>>, vector<32xbf16>,
        %parallel_loop3A_323 = arith.mulf %parallel_loop3A_322, %parallel_loop3A_307 : vector<32xbf16>
        %parallel_loop3A_324 = arith.index_cast %rem3A_112 : i32 to index
        %parallel_loop3A_325 = arith.index_cast %parallel_loop3A_309 : i32 to index
        %parallel_loop3A_326 = arith.constant 32 : index
        %parallel_loop3A_327 = tpu.vector_load %arg14[%parallel_loop3A_324, %parallel_loop3A_325, %parallel_loop3A_326] {strides = array<i32>} : memref<3x80x64xbf16, #tpu.memory_space<vmem>>, vector<32xbf16>,
        tpu.vector_store %arg14[%parallel_loop3A_324, %parallel_loop3A_325, %parallel_loop3A_326], %parallel_loop3A_323 {strides = array<i32>} : memref<3x80x64xbf16, #tpu.memory_space<vmem>>, vector<32xbf16>,
        %parallel_loop3A_328 = arith.index_cast %rem3A_112 : i32 to index
        %parallel_loop3A_329 = arith.index_cast %parallel_loop3A_309 : i32 to index
        %parallel_loop3A_330 = arith.constant 0 : index
        %parallel_loop3A_331 = tpu.vector_load %arg17[%parallel_loop3A_328, %parallel_loop3A_329, %parallel_loop3A_330] {strides = array<i32>} : memref<3x80x16xf32, #tpu.memory_space<vmem>>, vector<16xf32>,
        tpu.vector_store %arg17[%parallel_loop3A_328, %parallel_loop3A_329, %parallel_loop3A_330], %parallel_loop3A_306 {strides = array<i32>} : memref<3x80x16xf32, #tpu.memory_space<vmem>>, vector<16xf32>,
        %parallel_loop3A_332 = vector.extract_strided_slice %parallel_loop3A_247 {offsets = [3], sizes = [1], strides = [1]} : vector<16xf32> to vector<1xf32>
        %parallel_loop3A_333 = vector.extract %parallel_loop3A_332[0] : f32 from vector<1xf32>
        %parallel_loop3A_334 = vector.broadcast %parallel_loop3A_333 : f32 to vector<16xf32>
        %parallel_loop3A_335 = tpu.pack_subelements %parallel_loop3A_334, %parallel_loop3A_334 {pack_format = #tpu.pack_format<interleaved>, positions = array<i32: 0, 1>} : vector<16xf32>, vector<16xf32> -> vector<32xbf16>
        %parallel_loop3A_336 = arith.constant 3 : i32
        %parallel_loop3A_337 = arith.addi %parallel_loop3A_245, %parallel_loop3A_336 : i32
        %parallel_loop3A_338 = arith.index_cast %rem3A_110 : i32 to index
        %parallel_loop3A_339 = arith.index_cast %parallel_loop3A_337 : i32 to index
        %parallel_loop3A_340 = arith.constant 0 : index
        %parallel_loop3A_341 = tpu.vector_load %arg13[%parallel_loop3A_338, %parallel_loop3A_339, %parallel_loop3A_340] {strides = array<i32>} : memref<10x80x64xbf16, #tpu.memory_space<vmem>>, vector<32xbf16>,
        %parallel_loop3A_342 = arith.mulf %parallel_loop3A_341, %parallel_loop3A_335 : vector<32xbf16>
        %parallel_loop3A_343 = arith.index_cast %rem3A_112 : i32 to index
        %parallel_loop3A_344 = arith.index_cast %parallel_loop3A_337 : i32 to index
        %parallel_loop3A_345 = arith.constant 0 : index
        %parallel_loop3A_346 = tpu.vector_load %arg14[%parallel_loop3A_343, %parallel_loop3A_344, %parallel_loop3A_345] {strides = array<i32>} : memref<3x80x64xbf16, #tpu.memory_space<vmem>>, vector<32xbf16>,
        tpu.vector_store %arg14[%parallel_loop3A_343, %parallel_loop3A_344, %parallel_loop3A_345], %parallel_loop3A_342 {strides = array<i32>} : memref<3x80x64xbf16, #tpu.memory_space<vmem>>, vector<32xbf16>,
        %parallel_loop3A_347 = arith.index_cast %rem3A_110 : i32 to index
        %parallel_loop3A_348 = arith.index_cast %parallel_loop3A_337 : i32 to index
        %parallel_loop3A_349 = arith.constant 32 : index
        %parallel_loop3A_350 = tpu.vector_load %arg13[%parallel_loop3A_347, %parallel_loop3A_348, %parallel_loop3A_349] {strides = array<i32>} : memref<10x80x64xbf16, #tpu.memory_space<vmem>>, vector<32xbf16>,
        %parallel_loop3A_351 = arith.mulf %parallel_loop3A_350, %parallel_loop3A_335 : vector<32xbf16>
        %parallel_loop3A_352 = arith.index_cast %rem3A_112 : i32 to index
        %parallel_loop3A_353 = arith.index_cast %parallel_loop3A_337 : i32 to index
        %parallel_loop3A_354 = arith.constant 32 : index
        %parallel_loop3A_355 = tpu.vector_load %arg14[%parallel_loop3A_352, %parallel_loop3A_353, %parallel_loop3A_354] {strides = array<i32>} : memref<3x80x64xbf16, #tpu.memory_space<vmem>>, vector<32xbf16>,
        tpu.vector_store %arg14[%parallel_loop3A_352, %parallel_loop3A_353, %parallel_loop3A_354], %parallel_loop3A_351 {strides = array<i32>} : memref<3x80x64xbf16, #tpu.memory_space<vmem>>, vector<32xbf16>,
        %parallel_loop3A_356 = arith.index_cast %rem3A_112 : i32 to index
        %parallel_loop3A_357 = arith.index_cast %parallel_loop3A_337 : i32 to index
        %parallel_loop3A_358 = arith.constant 0 : index
        %parallel_loop3A_359 = tpu.vector_load %arg17[%parallel_loop3A_356, %parallel_loop3A_357, %parallel_loop3A_358] {strides = array<i32>} : memref<3x80x16xf32, #tpu.memory_space<vmem>>, vector<16xf32>,
        tpu.vector_store %arg17[%parallel_loop3A_356, %parallel_loop3A_357, %parallel_loop3A_358], %parallel_loop3A_334 {strides = array<i32>} : memref<3x80x16xf32, #tpu.memory_space<vmem>>, vector<16xf32>,
        %parallel_loop3A_360 = vector.extract_strided_slice %parallel_loop3A_247 {offsets = [4], sizes = [1], strides = [1]} : vector<16xf32> to vector<1xf32>
        %parallel_loop3A_361 = vector.extract %parallel_loop3A_360[0] : f32 from vector<1xf32>
        %parallel_loop3A_362 = vector.broadcast %parallel_loop3A_361 : f32 to vector<16xf32>
        %parallel_loop3A_363 = tpu.pack_subelements %parallel_loop3A_362, %parallel_loop3A_362 {pack_format = #tpu.pack_format<interleaved>, positions = array<i32: 0, 1>} : vector<16xf32>, vector<16xf32> -> vector<32xbf16>
        %parallel_loop3A_364 = arith.constant 4 : i32
        %parallel_loop3A_365 = arith.addi %parallel_loop3A_245, %parallel_loop3A_364 : i32
        %parallel_loop3A_366 = arith.index_cast %rem3A_110 : i32 to index
        %parallel_loop3A_367 = arith.index_cast %parallel_loop3A_365 : i32 to index
        %parallel_loop3A_368 = arith.constant 0 : index
        %parallel_loop3A_369 = tpu.vector_load %arg13[%parallel_loop3A_366, %parallel_loop3A_367, %parallel_loop3A_368] {strides = array<i32>} : memref<10x80x64xbf16, #tpu.memory_space<vmem>>, vector<32xbf16>,
        %parallel_loop3A_370 = arith.mulf %parallel_loop3A_369, %parallel_loop3A_363 : vector<32xbf16>
        %parallel_loop3A_371 = arith.index_cast %rem3A_112 : i32 to index
        %parallel_loop3A_372 = arith.index_cast %parallel_loop3A_365 : i32 to index
        %parallel_loop3A_373 = arith.constant 0 : index
        %parallel_loop3A_374 = tpu.vector_load %arg14[%parallel_loop3A_371, %parallel_loop3A_372, %parallel_loop3A_373] {strides = array<i32>} : memref<3x80x64xbf16, #tpu.memory_space<vmem>>, vector<32xbf16>,
        tpu.vector_store %arg14[%parallel_loop3A_371, %parallel_loop3A_372, %parallel_loop3A_373], %parallel_loop3A_370 {strides = array<i32>} : memref<3x80x64xbf16, #tpu.memory_space<vmem>>, vector<32xbf16>,
        %parallel_loop3A_375 = arith.index_cast %rem3A_110 : i32 to index
        %parallel_loop3A_376 = arith.index_cast %parallel_loop3A_365 : i32 to index
        %parallel_loop3A_377 = arith.constant 32 : index
        %parallel_loop3A_378 = tpu.vector_load %arg13[%parallel_loop3A_375, %parallel_loop3A_376, %parallel_loop3A_377] {strides = array<i32>} : memref<10x80x64xbf16, #tpu.memory_space<vmem>>, vector<32xbf16>,
        %parallel_loop3A_379 = arith.mulf %parallel_loop3A_378, %parallel_loop3A_363 : vector<32xbf16>
        %parallel_loop3A_380 = arith.index_cast %rem3A_112 : i32 to index
        %parallel_loop3A_381 = arith.index_cast %parallel_loop3A_365 : i32 to index
        %parallel_loop3A_382 = arith.constant 32 : index
        %parallel_loop3A_383 = tpu.vector_load %arg14[%parallel_loop3A_380, %parallel_loop3A_381, %parallel_loop3A_382] {strides = array<i32>} : memref<3x80x64xbf16, #tpu.memory_space<vmem>>, vector<32xbf16>,
        tpu.vector_store %arg14[%parallel_loop3A_380, %parallel_loop3A_381, %parallel_loop3A_382], %parallel_loop3A_379 {strides = array<i32>} : memref<3x80x64xbf16, #tpu.memory_space<vmem>>, vector<32xbf16>,
        %parallel_loop3A_384 = arith.index_cast %rem3A_112 : i32 to index
        %parallel_loop3A_385 = arith.index_cast %parallel_loop3A_365 : i32 to index
        %parallel_loop3A_386 = arith.constant 0 : index
        %parallel_loop3A_387 = tpu.vector_load %arg17[%parallel_loop3A_384, %parallel_loop3A_385, %parallel_loop3A_386] {strides = array<i32>} : memref<3x80x16xf32, #tpu.memory_space<vmem>>, vector<16xf32>,
        tpu.vector_store %arg17[%parallel_loop3A_384, %parallel_loop3A_385, %parallel_loop3A_386], %parallel_loop3A_362 {strides = array<i32>} : memref<3x80x16xf32, #tpu.memory_space<vmem>>, vector<16xf32>,
        %parallel_loop3A_388 = vector.extract_strided_slice %parallel_loop3A_247 {offsets = [5], sizes = [1], strides = [1]} : vector<16xf32> to vector<1xf32>
        %parallel_loop3A_389 = vector.extract %parallel_loop3A_388[0] : f32 from vector<1xf32>
        %parallel_loop3A_390 = vector.broadcast %parallel_loop3A_389 : f32 to vector<16xf32>
        %parallel_loop3A_391 = tpu.pack_subelements %parallel_loop3A_390, %parallel_loop3A_390 {pack_format = #tpu.pack_format<interleaved>, positions = array<i32: 0, 1>} : vector<16xf32>, vector<16xf32> -> vector<32xbf16>
        %parallel_loop3A_392 = arith.constant 5 : i32
        %parallel_loop3A_393 = arith.addi %parallel_loop3A_245, %parallel_loop3A_392 : i32
        %parallel_loop3A_394 = arith.index_cast %rem3A_110 : i32 to index
        %parallel_loop3A_395 = arith.index_cast %parallel_loop3A_393 : i32 to index
        %parallel_loop3A_396 = arith.constant 0 : index
        %parallel_loop3A_397 = tpu.vector_load %arg13[%parallel_loop3A_394, %parallel_loop3A_395, %parallel_loop3A_396] {strides = array<i32>} : memref<10x80x64xbf16, #tpu.memory_space<vmem>>, vector<32xbf16>,
        %parallel_loop3A_398 = arith.mulf %parallel_loop3A_397, %parallel_loop3A_391 : vector<32xbf16>
        %parallel_loop3A_399 = arith.index_cast %rem3A_112 : i32 to index
        %parallel_loop3A_400 = arith.index_cast %parallel_loop3A_393 : i32 to index
        %parallel_loop3A_401 = arith.constant 0 : index
        %parallel_loop3A_402 = tpu.vector_load %arg14[%parallel_loop3A_399, %parallel_loop3A_400, %parallel_loop3A_401] {strides = array<i32>} : memref<3x80x64xbf16, #tpu.memory_space<vmem>>, vector<32xbf16>,
        tpu.vector_store %arg14[%parallel_loop3A_399, %parallel_loop3A_400, %parallel_loop3A_401], %parallel_loop3A_398 {strides = array<i32>} : memref<3x80x64xbf16, #tpu.memory_space<vmem>>, vector<32xbf16>,
        %parallel_loop3A_403 = arith.index_cast %rem3A_110 : i32 to index
        %parallel_loop3A_404 = arith.index_cast %parallel_loop3A_393 : i32 to index
        %parallel_loop3A_405 = arith.constant 32 : index
        %parallel_loop3A_406 = tpu.vector_load %arg13[%parallel_loop3A_403, %parallel_loop3A_404, %parallel_loop3A_405] {strides = array<i32>} : memref<10x80x64xbf16, #tpu.memory_space<vmem>>, vector<32xbf16>,
        %parallel_loop3A_407 = arith.mulf %parallel_loop3A_406, %parallel_loop3A_391 : vector<32xbf16>
        %parallel_loop3A_408 = arith.index_cast %rem3A_112 : i32 to index
        %parallel_loop3A_409 = arith.index_cast %parallel_loop3A_393 : i32 to index
        %parallel_loop3A_410 = arith.constant 32 : index
        %parallel_loop3A_411 = tpu.vector_load %arg14[%parallel_loop3A_408, %parallel_loop3A_409, %parallel_loop3A_410] {strides = array<i32>} : memref<3x80x64xbf16, #tpu.memory_space<vmem>>, vector<32xbf16>,
        tpu.vector_store %arg14[%parallel_loop3A_408, %parallel_loop3A_409, %parallel_loop3A_410], %parallel_loop3A_407 {strides = array<i32>} : memref<3x80x64xbf16, #tpu.memory_space<vmem>>, vector<32xbf16>,
        %parallel_loop3A_412 = arith.index_cast %rem3A_112 : i32 to index
        %parallel_loop3A_413 = arith.index_cast %parallel_loop3A_393 : i32 to index
        %parallel_loop3A_414 = arith.constant 0 : index
        %parallel_loop3A_415 = tpu.vector_load %arg17[%parallel_loop3A_412, %parallel_loop3A_413, %parallel_loop3A_414] {strides = array<i32>} : memref<3x80x16xf32, #tpu.memory_space<vmem>>, vector<16xf32>,
        tpu.vector_store %arg17[%parallel_loop3A_412, %parallel_loop3A_413, %parallel_loop3A_414], %parallel_loop3A_390 {strides = array<i32>} : memref<3x80x16xf32, #tpu.memory_space<vmem>>, vector<16xf32>,
        %parallel_loop3A_416 = vector.extract_strided_slice %parallel_loop3A_247 {offsets = [6], sizes = [1], strides = [1]} : vector<16xf32> to vector<1xf32>
        %parallel_loop3A_417 = vector.extract %parallel_loop3A_416[0] : f32 from vector<1xf32>
        %parallel_loop3A_418 = vector.broadcast %parallel_loop3A_417 : f32 to vector<16xf32>
        %parallel_loop3A_419 = tpu.pack_subelements %parallel_loop3A_418, %parallel_loop3A_418 {pack_format = #tpu.pack_format<interleaved>, positions = array<i32: 0, 1>} : vector<16xf32>, vector<16xf32> -> vector<32xbf16>
        %parallel_loop3A_420 = arith.constant 6 : i32
        %parallel_loop3A_421 = arith.addi %parallel_loop3A_245, %parallel_loop3A_420 : i32
        %parallel_loop3A_422 = arith.index_cast %rem3A_110 : i32 to index
        %parallel_loop3A_423 = arith.index_cast %parallel_loop3A_421 : i32 to index
        %parallel_loop3A_424 = arith.constant 0 : index
        %parallel_loop3A_425 = tpu.vector_load %arg13[%parallel_loop3A_422, %parallel_loop3A_423, %parallel_loop3A_424] {strides = array<i32>} : memref<10x80x64xbf16, #tpu.memory_space<vmem>>, vector<32xbf16>,
        %parallel_loop3A_426 = arith.mulf %parallel_loop3A_425, %parallel_loop3A_419 : vector<32xbf16>
        %parallel_loop3A_427 = arith.index_cast %rem3A_112 : i32 to index
        %parallel_loop3A_428 = arith.index_cast %parallel_loop3A_421 : i32 to index
        %parallel_loop3A_429 = arith.constant 0 : index
        %parallel_loop3A_430 = tpu.vector_load %arg14[%parallel_loop3A_427, %parallel_loop3A_428, %parallel_loop3A_429] {strides = array<i32>} : memref<3x80x64xbf16, #tpu.memory_space<vmem>>, vector<32xbf16>,
        tpu.vector_store %arg14[%parallel_loop3A_427, %parallel_loop3A_428, %parallel_loop3A_429], %parallel_loop3A_426 {strides = array<i32>} : memref<3x80x64xbf16, #tpu.memory_space<vmem>>, vector<32xbf16>,
        %parallel_loop3A_431 = arith.index_cast %rem3A_110 : i32 to index
        %parallel_loop3A_432 = arith.index_cast %parallel_loop3A_421 : i32 to index
        %parallel_loop3A_433 = arith.constant 32 : index
        %parallel_loop3A_434 = tpu.vector_load %arg13[%parallel_loop3A_431, %parallel_loop3A_432, %parallel_loop3A_433] {strides = array<i32>} : memref<10x80x64xbf16, #tpu.memory_space<vmem>>, vector<32xbf16>,
        %parallel_loop3A_435 = arith.mulf %parallel_loop3A_434, %parallel_loop3A_419 : vector<32xbf16>
        %parallel_loop3A_436 = arith.index_cast %rem3A_112 : i32 to index
        %parallel_loop3A_437 = arith.index_cast %parallel_loop3A_421 : i32 to index
        %parallel_loop3A_438 = arith.constant 32 : index
        %parallel_loop3A_439 = tpu.vector_load %arg14[%parallel_loop3A_436, %parallel_loop3A_437, %parallel_loop3A_438] {strides = array<i32>} : memref<3x80x64xbf16, #tpu.memory_space<vmem>>, vector<32xbf16>,
        tpu.vector_store %arg14[%parallel_loop3A_436, %parallel_loop3A_437, %parallel_loop3A_438], %parallel_loop3A_435 {strides = array<i32>} : memref<3x80x64xbf16, #tpu.memory_space<vmem>>, vector<32xbf16>,
        %parallel_loop3A_440 = arith.index_cast %rem3A_112 : i32 to index
        %parallel_loop3A_441 = arith.index_cast %parallel_loop3A_421 : i32 to index
        %parallel_loop3A_442 = arith.constant 0 : index
        %parallel_loop3A_443 = tpu.vector_load %arg17[%parallel_loop3A_440, %parallel_loop3A_441, %parallel_loop3A_442] {strides = array<i32>} : memref<3x80x16xf32, #tpu.memory_space<vmem>>, vector<16xf32>,
        tpu.vector_store %arg17[%parallel_loop3A_440, %parallel_loop3A_441, %parallel_loop3A_442], %parallel_loop3A_418 {strides = array<i32>} : memref<3x80x16xf32, #tpu.memory_space<vmem>>, vector<16xf32>,
        %parallel_loop3A_444 = vector.extract_strided_slice %parallel_loop3A_247 {offsets = [7], sizes = [1], strides = [1]} : vector<16xf32> to vector<1xf32>
        %parallel_loop3A_445 = vector.extract %parallel_loop3A_444[0] : f32 from vector<1xf32>
        %parallel_loop3A_446 = vector.broadcast %parallel_loop3A_445 : f32 to vector<16xf32>
        %parallel_loop3A_447 = tpu.pack_subelements %parallel_loop3A_446, %parallel_loop3A_446 {pack_format = #tpu.pack_format<interleaved>, positions = array<i32: 0, 1>} : vector<16xf32>, vector<16xf32> -> vector<32xbf16>
        %parallel_loop3A_448 = arith.constant 7 : i32
        %parallel_loop3A_449 = arith.addi %parallel_loop3A_245, %parallel_loop3A_448 : i32
        %parallel_loop3A_450 = arith.index_cast %rem3A_110 : i32 to index
        %parallel_loop3A_451 = arith.index_cast %parallel_loop3A_449 : i32 to index
        %parallel_loop3A_452 = arith.constant 0 : index
        %parallel_loop3A_453 = tpu.vector_load %arg13[%parallel_loop3A_450, %parallel_loop3A_451, %parallel_loop3A_452] {strides = array<i32>} : memref<10x80x64xbf16, #tpu.memory_space<vmem>>, vector<32xbf16>,
        %parallel_loop3A_454 = arith.mulf %parallel_loop3A_453, %parallel_loop3A_447 : vector<32xbf16>
        %parallel_loop3A_455 = arith.index_cast %rem3A_112 : i32 to index
        %parallel_loop3A_456 = arith.index_cast %parallel_loop3A_449 : i32 to index
        %parallel_loop3A_457 = arith.constant 0 : index
        %parallel_loop3A_458 = tpu.vector_load %arg14[%parallel_loop3A_455, %parallel_loop3A_456, %parallel_loop3A_457] {strides = array<i32>} : memref<3x80x64xbf16, #tpu.memory_space<vmem>>, vector<32xbf16>,
        tpu.vector_store %arg14[%parallel_loop3A_455, %parallel_loop3A_456, %parallel_loop3A_457], %parallel_loop3A_454 {strides = array<i32>} : memref<3x80x64xbf16, #tpu.memory_space<vmem>>, vector<32xbf16>,
        %parallel_loop3A_459 = arith.index_cast %rem3A_110 : i32 to index
        %parallel_loop3A_460 = arith.index_cast %parallel_loop3A_449 : i32 to index
        %parallel_loop3A_461 = arith.constant 32 : index
        %parallel_loop3A_462 = tpu.vector_load %arg13[%parallel_loop3A_459, %parallel_loop3A_460, %parallel_loop3A_461] {strides = array<i32>} : memref<10x80x64xbf16, #tpu.memory_space<vmem>>, vector<32xbf16>,
        %parallel_loop3A_463 = arith.mulf %parallel_loop3A_462, %parallel_loop3A_447 : vector<32xbf16>
        %parallel_loop3A_464 = arith.index_cast %rem3A_112 : i32 to index
        %parallel_loop3A_465 = arith.index_cast %parallel_loop3A_449 : i32 to index
        %parallel_loop3A_466 = arith.constant 32 : index
        %parallel_loop3A_467 = tpu.vector_load %arg14[%parallel_loop3A_464, %parallel_loop3A_465, %parallel_loop3A_466] {strides = array<i32>} : memref<3x80x64xbf16, #tpu.memory_space<vmem>>, vector<32xbf16>,
        tpu.vector_store %arg14[%parallel_loop3A_464, %parallel_loop3A_465, %parallel_loop3A_466], %parallel_loop3A_463 {strides = array<i32>} : memref<3x80x64xbf16, #tpu.memory_space<vmem>>, vector<32xbf16>,
        %parallel_loop3A_468 = arith.index_cast %rem3A_112 : i32 to index
        %parallel_loop3A_469 = arith.index_cast %parallel_loop3A_449 : i32 to index
        %parallel_loop3A_470 = arith.constant 0 : index
        %parallel_loop3A_471 = tpu.vector_load %arg17[%parallel_loop3A_468, %parallel_loop3A_469, %parallel_loop3A_470] {strides = array<i32>} : memref<3x80x16xf32, #tpu.memory_space<vmem>>, vector<16xf32>,
        tpu.vector_store %arg17[%parallel_loop3A_468, %parallel_loop3A_469, %parallel_loop3A_470], %parallel_loop3A_446 {strides = array<i32>} : memref<3x80x16xf32, #tpu.memory_space<vmem>>, vector<16xf32>,
        %parallel_loop3A_472 = vector.extract_strided_slice %parallel_loop3A_247 {offsets = [8], sizes = [1], strides = [1]} : vector<16xf32> to vector<1xf32>
        %parallel_loop3A_473 = vector.extract %parallel_loop3A_472[0] : f32 from vector<1xf32>
        %parallel_loop3A_474 = vector.broadcast %parallel_loop3A_473 : f32 to vector<16xf32>
        %parallel_loop3A_475 = tpu.pack_subelements %parallel_loop3A_474, %parallel_loop3A_474 {pack_format = #tpu.pack_format<interleaved>, positions = array<i32: 0, 1>} : vector<16xf32>, vector<16xf32> -> vector<32xbf16>
        %parallel_loop3A_476 = arith.constant 8 : i32
        %parallel_loop3A_477 = arith.addi %parallel_loop3A_245, %parallel_loop3A_476 : i32
        %parallel_loop3A_478 = arith.index_cast %rem3A_110 : i32 to index
        %parallel_loop3A_479 = arith.index_cast %parallel_loop3A_477 : i32 to index
        %parallel_loop3A_480 = arith.constant 0 : index
        %parallel_loop3A_481 = tpu.vector_load %arg13[%parallel_loop3A_478, %parallel_loop3A_479, %parallel_loop3A_480] {strides = array<i32>} : memref<10x80x64xbf16, #tpu.memory_space<vmem>>, vector<32xbf16>,
        %parallel_loop3A_482 = arith.mulf %parallel_loop3A_481, %parallel_loop3A_475 : vector<32xbf16>
        %parallel_loop3A_483 = arith.index_cast %rem3A_112 : i32 to index
        %parallel_loop3A_484 = arith.index_cast %parallel_loop3A_477 : i32 to index
        %parallel_loop3A_485 = arith.constant 0 : index
        %parallel_loop3A_486 = tpu.vector_load %arg14[%parallel_loop3A_483, %parallel_loop3A_484, %parallel_loop3A_485] {strides = array<i32>} : memref<3x80x64xbf16, #tpu.memory_space<vmem>>, vector<32xbf16>,
        tpu.vector_store %arg14[%parallel_loop3A_483, %parallel_loop3A_484, %parallel_loop3A_485], %parallel_loop3A_482 {strides = array<i32>} : memref<3x80x64xbf16, #tpu.memory_space<vmem>>, vector<32xbf16>,
        %parallel_loop3A_487 = arith.index_cast %rem3A_110 : i32 to index
        %parallel_loop3A_488 = arith.index_cast %parallel_loop3A_477 : i32 to index
        %parallel_loop3A_489 = arith.constant 32 : index
        %parallel_loop3A_490 = tpu.vector_load %arg13[%parallel_loop3A_487, %parallel_loop3A_488, %parallel_loop3A_489] {strides = array<i32>} : memref<10x80x64xbf16, #tpu.memory_space<vmem>>, vector<32xbf16>,
        %parallel_loop3A_491 = arith.mulf %parallel_loop3A_490, %parallel_loop3A_475 : vector<32xbf16>
        %parallel_loop3A_492 = arith.index_cast %rem3A_112 : i32 to index
        %parallel_loop3A_493 = arith.index_cast %parallel_loop3A_477 : i32 to index
        %parallel_loop3A_494 = arith.constant 32 : index
        %parallel_loop3A_495 = tpu.vector_load %arg14[%parallel_loop3A_492, %parallel_loop3A_493, %parallel_loop3A_494] {strides = array<i32>} : memref<3x80x64xbf16, #tpu.memory_space<vmem>>, vector<32xbf16>,
        tpu.vector_store %arg14[%parallel_loop3A_492, %parallel_loop3A_493, %parallel_loop3A_494], %parallel_loop3A_491 {strides = array<i32>} : memref<3x80x64xbf16, #tpu.memory_space<vmem>>, vector<32xbf16>,
        %parallel_loop3A_496 = arith.index_cast %rem3A_112 : i32 to index
        %parallel_loop3A_497 = arith.index_cast %parallel_loop3A_477 : i32 to index
        %parallel_loop3A_498 = arith.constant 0 : index
        %parallel_loop3A_499 = tpu.vector_load %arg17[%parallel_loop3A_496, %parallel_loop3A_497, %parallel_loop3A_498] {strides = array<i32>} : memref<3x80x16xf32, #tpu.memory_space<vmem>>, vector<16xf32>,
        tpu.vector_store %arg17[%parallel_loop3A_496, %parallel_loop3A_497, %parallel_loop3A_498], %parallel_loop3A_474 {strides = array<i32>} : memref<3x80x16xf32, #tpu.memory_space<vmem>>, vector<16xf32>,
        %parallel_loop3A_500 = vector.extract_strided_slice %parallel_loop3A_247 {offsets = [9], sizes = [1], strides = [1]} : vector<16xf32> to vector<1xf32>
        %parallel_loop3A_501 = vector.extract %parallel_loop3A_500[0] : f32 from vector<1xf32>
        %parallel_loop3A_502 = vector.broadcast %parallel_loop3A_501 : f32 to vector<16xf32>
        %parallel_loop3A_503 = tpu.pack_subelements %parallel_loop3A_502, %parallel_loop3A_502 {pack_format = #tpu.pack_format<interleaved>, positions = array<i32: 0, 1>} : vector<16xf32>, vector<16xf32> -> vector<32xbf16>
        %parallel_loop3A_504 = arith.constant 9 : i32
        %parallel_loop3A_505 = arith.addi %parallel_loop3A_245, %parallel_loop3A_504 : i32
        %parallel_loop3A_506 = arith.index_cast %rem3A_110 : i32 to index
        %parallel_loop3A_507 = arith.index_cast %parallel_loop3A_505 : i32 to index
        %parallel_loop3A_508 = arith.constant 0 : index
        %parallel_loop3A_509 = tpu.vector_load %arg13[%parallel_loop3A_506, %parallel_loop3A_507, %parallel_loop3A_508] {strides = array<i32>} : memref<10x80x64xbf16, #tpu.memory_space<vmem>>, vector<32xbf16>,
        %parallel_loop3A_510 = arith.mulf %parallel_loop3A_509, %parallel_loop3A_503 : vector<32xbf16>
        %parallel_loop3A_511 = arith.index_cast %rem3A_112 : i32 to index
        %parallel_loop3A_512 = arith.index_cast %parallel_loop3A_505 : i32 to index
        %parallel_loop3A_513 = arith.constant 0 : index
        %parallel_loop3A_514 = tpu.vector_load %arg14[%parallel_loop3A_511, %parallel_loop3A_512, %parallel_loop3A_513] {strides = array<i32>} : memref<3x80x64xbf16, #tpu.memory_space<vmem>>, vector<32xbf16>,
        tpu.vector_store %arg14[%parallel_loop3A_511, %parallel_loop3A_512, %parallel_loop3A_513], %parallel_loop3A_510 {strides = array<i32>} : memref<3x80x64xbf16, #tpu.memory_space<vmem>>, vector<32xbf16>,
        %parallel_loop3A_515 = arith.index_cast %rem3A_110 : i32 to index
        %parallel_loop3A_516 = arith.index_cast %parallel_loop3A_505 : i32 to index
        %parallel_loop3A_517 = arith.constant 32 : index
        %parallel_loop3A_518 = tpu.vector_load %arg13[%parallel_loop3A_515, %parallel_loop3A_516, %parallel_loop3A_517] {strides = array<i32>} : memref<10x80x64xbf16, #tpu.memory_space<vmem>>, vector<32xbf16>,
        %parallel_loop3A_519 = arith.mulf %parallel_loop3A_518, %parallel_loop3A_503 : vector<32xbf16>
        %parallel_loop3A_520 = arith.index_cast %rem3A_112 : i32 to index
        %parallel_loop3A_521 = arith.index_cast %parallel_loop3A_505 : i32 to index
        %parallel_loop3A_522 = arith.constant 32 : index
        %parallel_loop3A_523 = tpu.vector_load %arg14[%parallel_loop3A_520, %parallel_loop3A_521, %parallel_loop3A_522] {strides = array<i32>} : memref<3x80x64xbf16, #tpu.memory_space<vmem>>, vector<32xbf16>,
        tpu.vector_store %arg14[%parallel_loop3A_520, %parallel_loop3A_521, %parallel_loop3A_522], %parallel_loop3A_519 {strides = array<i32>} : memref<3x80x64xbf16, #tpu.memory_space<vmem>>, vector<32xbf16>,
        %parallel_loop3A_524 = arith.index_cast %rem3A_112 : i32 to index
        %parallel_loop3A_525 = arith.index_cast %parallel_loop3A_505 : i32 to index
        %parallel_loop3A_526 = arith.constant 0 : index
        %parallel_loop3A_527 = tpu.vector_load %arg17[%parallel_loop3A_524, %parallel_loop3A_525, %parallel_loop3A_526] {strides = array<i32>} : memref<3x80x16xf32, #tpu.memory_space<vmem>>, vector<16xf32>,
        tpu.vector_store %arg17[%parallel_loop3A_524, %parallel_loop3A_525, %parallel_loop3A_526], %parallel_loop3A_502 {strides = array<i32>} : memref<3x80x16xf32, #tpu.memory_space<vmem>>, vector<16xf32>,
        %parallel_loop3A_528 = vector.extract_strided_slice %parallel_loop3A_247 {offsets = [10], sizes = [1], strides = [1]} : vector<16xf32> to vector<1xf32>
        %parallel_loop3A_529 = vector.extract %parallel_loop3A_528[0] : f32 from vector<1xf32>
        %parallel_loop3A_530 = vector.broadcast %parallel_loop3A_529 : f32 to vector<16xf32>
        %parallel_loop3A_531 = tpu.pack_subelements %parallel_loop3A_530, %parallel_loop3A_530 {pack_format = #tpu.pack_format<interleaved>, positions = array<i32: 0, 1>} : vector<16xf32>, vector<16xf32> -> vector<32xbf16>
        %parallel_loop3A_532 = arith.constant 10 : i32
        %parallel_loop3A_533 = arith.addi %parallel_loop3A_245, %parallel_loop3A_532 : i32
        %parallel_loop3A_534 = arith.index_cast %rem3A_110 : i32 to index
        %parallel_loop3A_535 = arith.index_cast %parallel_loop3A_533 : i32 to index
        %parallel_loop3A_536 = arith.constant 0 : index
        %parallel_loop3A_537 = tpu.vector_load %arg13[%parallel_loop3A_534, %parallel_loop3A_535, %parallel_loop3A_536] {strides = array<i32>} : memref<10x80x64xbf16, #tpu.memory_space<vmem>>, vector<32xbf16>,
        %parallel_loop3A_538 = arith.mulf %parallel_loop3A_537, %parallel_loop3A_531 : vector<32xbf16>
        %parallel_loop3A_539 = arith.index_cast %rem3A_112 : i32 to index
        %parallel_loop3A_540 = arith.index_cast %parallel_loop3A_533 : i32 to index
        %parallel_loop3A_541 = arith.constant 0 : index
        %parallel_loop3A_542 = tpu.vector_load %arg14[%parallel_loop3A_539, %parallel_loop3A_540, %parallel_loop3A_541] {strides = array<i32>} : memref<3x80x64xbf16, #tpu.memory_space<vmem>>, vector<32xbf16>,
        tpu.vector_store %arg14[%parallel_loop3A_539, %parallel_loop3A_540, %parallel_loop3A_541], %parallel_loop3A_538 {strides = array<i32>} : memref<3x80x64xbf16, #tpu.memory_space<vmem>>, vector<32xbf16>,
        %parallel_loop3A_543 = arith.index_cast %rem3A_110 : i32 to index
        %parallel_loop3A_544 = arith.index_cast %parallel_loop3A_533 : i32 to index
        %parallel_loop3A_545 = arith.constant 32 : index
        %parallel_loop3A_546 = tpu.vector_load %arg13[%parallel_loop3A_543, %parallel_loop3A_544, %parallel_loop3A_545] {strides = array<i32>} : memref<10x80x64xbf16, #tpu.memory_space<vmem>>, vector<32xbf16>,
        %parallel_loop3A_547 = arith.mulf %parallel_loop3A_546, %parallel_loop3A_531 : vector<32xbf16>
        %parallel_loop3A_548 = arith.index_cast %rem3A_112 : i32 to index
        %parallel_loop3A_549 = arith.index_cast %parallel_loop3A_533 : i32 to index
        %parallel_loop3A_550 = arith.constant 32 : index
        %parallel_loop3A_551 = tpu.vector_load %arg14[%parallel_loop3A_548, %parallel_loop3A_549, %parallel_loop3A_550] {strides = array<i32>} : memref<3x80x64xbf16, #tpu.memory_space<vmem>>, vector<32xbf16>,
        tpu.vector_store %arg14[%parallel_loop3A_548, %parallel_loop3A_549, %parallel_loop3A_550], %parallel_loop3A_547 {strides = array<i32>} : memref<3x80x64xbf16, #tpu.memory_space<vmem>>, vector<32xbf16>,
        %parallel_loop3A_552 = arith.index_cast %rem3A_112 : i32 to index
        %parallel_loop3A_553 = arith.index_cast %parallel_loop3A_533 : i32 to index
        %parallel_loop3A_554 = arith.constant 0 : index
        %parallel_loop3A_555 = tpu.vector_load %arg17[%parallel_loop3A_552, %parallel_loop3A_553, %parallel_loop3A_554] {strides = array<i32>} : memref<3x80x16xf32, #tpu.memory_space<vmem>>, vector<16xf32>,
        tpu.vector_store %arg17[%parallel_loop3A_552, %parallel_loop3A_553, %parallel_loop3A_554], %parallel_loop3A_530 {strides = array<i32>} : memref<3x80x16xf32, #tpu.memory_space<vmem>>, vector<16xf32>,
        %parallel_loop3A_556 = vector.extract_strided_slice %parallel_loop3A_247 {offsets = [11], sizes = [1], strides = [1]} : vector<16xf32> to vector<1xf32>
        %parallel_loop3A_557 = vector.extract %parallel_loop3A_556[0] : f32 from vector<1xf32>
        %parallel_loop3A_558 = vector.broadcast %parallel_loop3A_557 : f32 to vector<16xf32>
        %parallel_loop3A_559 = tpu.pack_subelements %parallel_loop3A_558, %parallel_loop3A_558 {pack_format = #tpu.pack_format<interleaved>, positions = array<i32: 0, 1>} : vector<16xf32>, vector<16xf32> -> vector<32xbf16>
        %parallel_loop3A_560 = arith.constant 11 : i32
        %parallel_loop3A_561 = arith.addi %parallel_loop3A_245, %parallel_loop3A_560 : i32
        %parallel_loop3A_562 = arith.index_cast %rem3A_110 : i32 to index
        %parallel_loop3A_563 = arith.index_cast %parallel_loop3A_561 : i32 to index
        %parallel_loop3A_564 = arith.constant 0 : index
        %parallel_loop3A_565 = tpu.vector_load %arg13[%parallel_loop3A_562, %parallel_loop3A_563, %parallel_loop3A_564] {strides = array<i32>} : memref<10x80x64xbf16, #tpu.memory_space<vmem>>, vector<32xbf16>,
        %parallel_loop3A_566 = arith.mulf %parallel_loop3A_565, %parallel_loop3A_559 : vector<32xbf16>
        %parallel_loop3A_567 = arith.index_cast %rem3A_112 : i32 to index
        %parallel_loop3A_568 = arith.index_cast %parallel_loop3A_561 : i32 to index
        %parallel_loop3A_569 = arith.constant 0 : index
        %parallel_loop3A_570 = tpu.vector_load %arg14[%parallel_loop3A_567, %parallel_loop3A_568, %parallel_loop3A_569] {strides = array<i32>} : memref<3x80x64xbf16, #tpu.memory_space<vmem>>, vector<32xbf16>,
        tpu.vector_store %arg14[%parallel_loop3A_567, %parallel_loop3A_568, %parallel_loop3A_569], %parallel_loop3A_566 {strides = array<i32>} : memref<3x80x64xbf16, #tpu.memory_space<vmem>>, vector<32xbf16>,
        %parallel_loop3A_571 = arith.index_cast %rem3A_110 : i32 to index
        %parallel_loop3A_572 = arith.index_cast %parallel_loop3A_561 : i32 to index
        %parallel_loop3A_573 = arith.constant 32 : index
        %parallel_loop3A_574 = tpu.vector_load %arg13[%parallel_loop3A_571, %parallel_loop3A_572, %parallel_loop3A_573] {strides = array<i32>} : memref<10x80x64xbf16, #tpu.memory_space<vmem>>, vector<32xbf16>,
        %parallel_loop3A_575 = arith.mulf %parallel_loop3A_574, %parallel_loop3A_559 : vector<32xbf16>
        %parallel_loop3A_576 = arith.index_cast %rem3A_112 : i32 to index
        %parallel_loop3A_577 = arith.index_cast %parallel_loop3A_561 : i32 to index
        %parallel_loop3A_578 = arith.constant 32 : index
        %parallel_loop3A_579 = tpu.vector_load %arg14[%parallel_loop3A_576, %parallel_loop3A_577, %parallel_loop3A_578] {strides = array<i32>} : memref<3x80x64xbf16, #tpu.memory_space<vmem>>, vector<32xbf16>,
        tpu.vector_store %arg14[%parallel_loop3A_576, %parallel_loop3A_577, %parallel_loop3A_578], %parallel_loop3A_575 {strides = array<i32>} : memref<3x80x64xbf16, #tpu.memory_space<vmem>>, vector<32xbf16>,
        %parallel_loop3A_580 = arith.index_cast %rem3A_112 : i32 to index
        %parallel_loop3A_581 = arith.index_cast %parallel_loop3A_561 : i32 to index
        %parallel_loop3A_582 = arith.constant 0 : index
        %parallel_loop3A_583 = tpu.vector_load %arg17[%parallel_loop3A_580, %parallel_loop3A_581, %parallel_loop3A_582] {strides = array<i32>} : memref<3x80x16xf32, #tpu.memory_space<vmem>>, vector<16xf32>,
        tpu.vector_store %arg17[%parallel_loop3A_580, %parallel_loop3A_581, %parallel_loop3A_582], %parallel_loop3A_558 {strides = array<i32>} : memref<3x80x16xf32, #tpu.memory_space<vmem>>, vector<16xf32>,
        %parallel_loop3A_584 = vector.extract_strided_slice %parallel_loop3A_247 {offsets = [12], sizes = [1], strides = [1]} : vector<16xf32> to vector<1xf32>
        %parallel_loop3A_585 = vector.extract %parallel_loop3A_584[0] : f32 from vector<1xf32>
        %parallel_loop3A_586 = vector.broadcast %parallel_loop3A_585 : f32 to vector<16xf32>
        %parallel_loop3A_587 = tpu.pack_subelements %parallel_loop3A_586, %parallel_loop3A_586 {pack_format = #tpu.pack_format<interleaved>, positions = array<i32: 0, 1>} : vector<16xf32>, vector<16xf32> -> vector<32xbf16>
        %parallel_loop3A_588 = arith.constant 12 : i32
        %parallel_loop3A_589 = arith.addi %parallel_loop3A_245, %parallel_loop3A_588 : i32
        %parallel_loop3A_590 = arith.index_cast %rem3A_110 : i32 to index
        %parallel_loop3A_591 = arith.index_cast %parallel_loop3A_589 : i32 to index
        %parallel_loop3A_592 = arith.constant 0 : index
        %parallel_loop3A_593 = tpu.vector_load %arg13[%parallel_loop3A_590, %parallel_loop3A_591, %parallel_loop3A_592] {strides = array<i32>} : memref<10x80x64xbf16, #tpu.memory_space<vmem>>, vector<32xbf16>,
        %parallel_loop3A_594 = arith.mulf %parallel_loop3A_593, %parallel_loop3A_587 : vector<32xbf16>
        %parallel_loop3A_595 = arith.index_cast %rem3A_112 : i32 to index
        %parallel_loop3A_596 = arith.index_cast %parallel_loop3A_589 : i32 to index
        %parallel_loop3A_597 = arith.constant 0 : index
        %parallel_loop3A_598 = tpu.vector_load %arg14[%parallel_loop3A_595, %parallel_loop3A_596, %parallel_loop3A_597] {strides = array<i32>} : memref<3x80x64xbf16, #tpu.memory_space<vmem>>, vector<32xbf16>,
        tpu.vector_store %arg14[%parallel_loop3A_595, %parallel_loop3A_596, %parallel_loop3A_597], %parallel_loop3A_594 {strides = array<i32>} : memref<3x80x64xbf16, #tpu.memory_space<vmem>>, vector<32xbf16>,
        %parallel_loop3A_599 = arith.index_cast %rem3A_110 : i32 to index
        %parallel_loop3A_600 = arith.index_cast %parallel_loop3A_589 : i32 to index
        %parallel_loop3A_601 = arith.constant 32 : index
        %parallel_loop3A_602 = tpu.vector_load %arg13[%parallel_loop3A_599, %parallel_loop3A_600, %parallel_loop3A_601] {strides = array<i32>} : memref<10x80x64xbf16, #tpu.memory_space<vmem>>, vector<32xbf16>,
        %parallel_loop3A_603 = arith.mulf %parallel_loop3A_602, %parallel_loop3A_587 : vector<32xbf16>
        %parallel_loop3A_604 = arith.index_cast %rem3A_112 : i32 to index
        %parallel_loop3A_605 = arith.index_cast %parallel_loop3A_589 : i32 to index
        %parallel_loop3A_606 = arith.constant 32 : index
        %parallel_loop3A_607 = tpu.vector_load %arg14[%parallel_loop3A_604, %parallel_loop3A_605, %parallel_loop3A_606] {strides = array<i32>} : memref<3x80x64xbf16, #tpu.memory_space<vmem>>, vector<32xbf16>,
        tpu.vector_store %arg14[%parallel_loop3A_604, %parallel_loop3A_605, %parallel_loop3A_606], %parallel_loop3A_603 {strides = array<i32>} : memref<3x80x64xbf16, #tpu.memory_space<vmem>>, vector<32xbf16>,
        %parallel_loop3A_608 = arith.index_cast %rem3A_112 : i32 to index
        %parallel_loop3A_609 = arith.index_cast %parallel_loop3A_589 : i32 to index
        %parallel_loop3A_610 = arith.constant 0 : index
        %parallel_loop3A_611 = tpu.vector_load %arg17[%parallel_loop3A_608, %parallel_loop3A_609, %parallel_loop3A_610] {strides = array<i32>} : memref<3x80x16xf32, #tpu.memory_space<vmem>>, vector<16xf32>,
        tpu.vector_store %arg17[%parallel_loop3A_608, %parallel_loop3A_609, %parallel_loop3A_610], %parallel_loop3A_586 {strides = array<i32>} : memref<3x80x16xf32, #tpu.memory_space<vmem>>, vector<16xf32>,
        %parallel_loop3A_612 = vector.extract_strided_slice %parallel_loop3A_247 {offsets = [13], sizes = [1], strides = [1]} : vector<16xf32> to vector<1xf32>
        %parallel_loop3A_613 = vector.extract %parallel_loop3A_612[0] : f32 from vector<1xf32>
        %parallel_loop3A_614 = vector.broadcast %parallel_loop3A_613 : f32 to vector<16xf32>
        %parallel_loop3A_615 = tpu.pack_subelements %parallel_loop3A_614, %parallel_loop3A_614 {pack_format = #tpu.pack_format<interleaved>, positions = array<i32: 0, 1>} : vector<16xf32>, vector<16xf32> -> vector<32xbf16>
        %parallel_loop3A_616 = arith.constant 13 : i32
        %parallel_loop3A_617 = arith.addi %parallel_loop3A_245, %parallel_loop3A_616 : i32
        %parallel_loop3A_618 = arith.index_cast %rem3A_110 : i32 to index
        %parallel_loop3A_619 = arith.index_cast %parallel_loop3A_617 : i32 to index
        %parallel_loop3A_620 = arith.constant 0 : index
        %parallel_loop3A_621 = tpu.vector_load %arg13[%parallel_loop3A_618, %parallel_loop3A_619, %parallel_loop3A_620] {strides = array<i32>} : memref<10x80x64xbf16, #tpu.memory_space<vmem>>, vector<32xbf16>,
        %parallel_loop3A_622 = arith.mulf %parallel_loop3A_621, %parallel_loop3A_615 : vector<32xbf16>
        %parallel_loop3A_623 = arith.index_cast %rem3A_112 : i32 to index
        %parallel_loop3A_624 = arith.index_cast %parallel_loop3A_617 : i32 to index
        %parallel_loop3A_625 = arith.constant 0 : index
        %parallel_loop3A_626 = tpu.vector_load %arg14[%parallel_loop3A_623, %parallel_loop3A_624, %parallel_loop3A_625] {strides = array<i32>} : memref<3x80x64xbf16, #tpu.memory_space<vmem>>, vector<32xbf16>,
        tpu.vector_store %arg14[%parallel_loop3A_623, %parallel_loop3A_624, %parallel_loop3A_625], %parallel_loop3A_622 {strides = array<i32>} : memref<3x80x64xbf16, #tpu.memory_space<vmem>>, vector<32xbf16>,
        %parallel_loop3A_627 = arith.index_cast %rem3A_110 : i32 to index
        %parallel_loop3A_628 = arith.index_cast %parallel_loop3A_617 : i32 to index
        %parallel_loop3A_629 = arith.constant 32 : index
        %parallel_loop3A_630 = tpu.vector_load %arg13[%parallel_loop3A_627, %parallel_loop3A_628, %parallel_loop3A_629] {strides = array<i32>} : memref<10x80x64xbf16, #tpu.memory_space<vmem>>, vector<32xbf16>,
        %parallel_loop3A_631 = arith.mulf %parallel_loop3A_630, %parallel_loop3A_615 : vector<32xbf16>
        %parallel_loop3A_632 = arith.index_cast %rem3A_112 : i32 to index
        %parallel_loop3A_633 = arith.index_cast %parallel_loop3A_617 : i32 to index
        %parallel_loop3A_634 = arith.constant 32 : index
        %parallel_loop3A_635 = tpu.vector_load %arg14[%parallel_loop3A_632, %parallel_loop3A_633, %parallel_loop3A_634] {strides = array<i32>} : memref<3x80x64xbf16, #tpu.memory_space<vmem>>, vector<32xbf16>,
        tpu.vector_store %arg14[%parallel_loop3A_632, %parallel_loop3A_633, %parallel_loop3A_634], %parallel_loop3A_631 {strides = array<i32>} : memref<3x80x64xbf16, #tpu.memory_space<vmem>>, vector<32xbf16>,
        %parallel_loop3A_636 = arith.index_cast %rem3A_112 : i32 to index
        %parallel_loop3A_637 = arith.index_cast %parallel_loop3A_617 : i32 to index
        %parallel_loop3A_638 = arith.constant 0 : index
        %parallel_loop3A_639 = tpu.vector_load %arg17[%parallel_loop3A_636, %parallel_loop3A_637, %parallel_loop3A_638] {strides = array<i32>} : memref<3x80x16xf32, #tpu.memory_space<vmem>>, vector<16xf32>,
        tpu.vector_store %arg17[%parallel_loop3A_636, %parallel_loop3A_637, %parallel_loop3A_638], %parallel_loop3A_614 {strides = array<i32>} : memref<3x80x16xf32, #tpu.memory_space<vmem>>, vector<16xf32>,
        %parallel_loop3A_640 = vector.extract_strided_slice %parallel_loop3A_247 {offsets = [14], sizes = [1], strides = [1]} : vector<16xf32> to vector<1xf32>
        %parallel_loop3A_641 = vector.extract %parallel_loop3A_640[0] : f32 from vector<1xf32>
        %parallel_loop3A_642 = vector.broadcast %parallel_loop3A_641 : f32 to vector<16xf32>
        %parallel_loop3A_643 = tpu.pack_subelements %parallel_loop3A_642, %parallel_loop3A_642 {pack_format = #tpu.pack_format<interleaved>, positions = array<i32: 0, 1>} : vector<16xf32>, vector<16xf32> -> vector<32xbf16>
        %parallel_loop3A_644 = arith.constant 14 : i32
        %parallel_loop3A_645 = arith.addi %parallel_loop3A_245, %parallel_loop3A_644 : i32
        %parallel_loop3A_646 = arith.index_cast %rem3A_110 : i32 to index
        %parallel_loop3A_647 = arith.index_cast %parallel_loop3A_645 : i32 to index
        %parallel_loop3A_648 = arith.constant 0 : index
        %parallel_loop3A_649 = tpu.vector_load %arg13[%parallel_loop3A_646, %parallel_loop3A_647, %parallel_loop3A_648] {strides = array<i32>} : memref<10x80x64xbf16, #tpu.memory_space<vmem>>, vector<32xbf16>,
        %parallel_loop3A_650 = arith.mulf %parallel_loop3A_649, %parallel_loop3A_643 : vector<32xbf16>
        %parallel_loop3A_651 = arith.index_cast %rem3A_112 : i32 to index
        %parallel_loop3A_652 = arith.index_cast %parallel_loop3A_645 : i32 to index
        %parallel_loop3A_653 = arith.constant 0 : index
        %parallel_loop3A_654 = tpu.vector_load %arg14[%parallel_loop3A_651, %parallel_loop3A_652, %parallel_loop3A_653] {strides = array<i32>} : memref<3x80x64xbf16, #tpu.memory_space<vmem>>, vector<32xbf16>,
        tpu.vector_store %arg14[%parallel_loop3A_651, %parallel_loop3A_652, %parallel_loop3A_653], %parallel_loop3A_650 {strides = array<i32>} : memref<3x80x64xbf16, #tpu.memory_space<vmem>>, vector<32xbf16>,
        %parallel_loop3A_655 = arith.index_cast %rem3A_110 : i32 to index
        %parallel_loop3A_656 = arith.index_cast %parallel_loop3A_645 : i32 to index
        %parallel_loop3A_657 = arith.constant 32 : index
        %parallel_loop3A_658 = tpu.vector_load %arg13[%parallel_loop3A_655, %parallel_loop3A_656, %parallel_loop3A_657] {strides = array<i32>} : memref<10x80x64xbf16, #tpu.memory_space<vmem>>, vector<32xbf16>,
        %parallel_loop3A_659 = arith.mulf %parallel_loop3A_658, %parallel_loop3A_643 : vector<32xbf16>
        %parallel_loop3A_660 = arith.index_cast %rem3A_112 : i32 to index
        %parallel_loop3A_661 = arith.index_cast %parallel_loop3A_645 : i32 to index
        %parallel_loop3A_662 = arith.constant 32 : index
        %parallel_loop3A_663 = tpu.vector_load %arg14[%parallel_loop3A_660, %parallel_loop3A_661, %parallel_loop3A_662] {strides = array<i32>} : memref<3x80x64xbf16, #tpu.memory_space<vmem>>, vector<32xbf16>,
        tpu.vector_store %arg14[%parallel_loop3A_660, %parallel_loop3A_661, %parallel_loop3A_662], %parallel_loop3A_659 {strides = array<i32>} : memref<3x80x64xbf16, #tpu.memory_space<vmem>>, vector<32xbf16>,
        %parallel_loop3A_664 = arith.index_cast %rem3A_112 : i32 to index
        %parallel_loop3A_665 = arith.index_cast %parallel_loop3A_645 : i32 to index
        %parallel_loop3A_666 = arith.constant 0 : index
        %parallel_loop3A_667 = tpu.vector_load %arg17[%parallel_loop3A_664, %parallel_loop3A_665, %parallel_loop3A_666] {strides = array<i32>} : memref<3x80x16xf32, #tpu.memory_space<vmem>>, vector<16xf32>,
        tpu.vector_store %arg17[%parallel_loop3A_664, %parallel_loop3A_665, %parallel_loop3A_666], %parallel_loop3A_642 {strides = array<i32>} : memref<3x80x16xf32, #tpu.memory_space<vmem>>, vector<16xf32>,
        %parallel_loop3A_668 = vector.extract_strided_slice %parallel_loop3A_247 {offsets = [15], sizes = [1], strides = [1]} : vector<16xf32> to vector<1xf32>
        %parallel_loop3A_669 = vector.extract %parallel_loop3A_668[0] : f32 from vector<1xf32>
        %parallel_loop3A_670 = vector.broadcast %parallel_loop3A_669 : f32 to vector<16xf32>
        %parallel_loop3A_671 = tpu.pack_subelements %parallel_loop3A_670, %parallel_loop3A_670 {pack_format = #tpu.pack_format<interleaved>, positions = array<i32: 0, 1>} : vector<16xf32>, vector<16xf32> -> vector<32xbf16>
        %parallel_loop3A_672 = arith.constant 15 : i32
        %parallel_loop3A_673 = arith.addi %parallel_loop3A_245, %parallel_loop3A_672 : i32
        %parallel_loop3A_674 = arith.index_cast %rem3A_110 : i32 to index
        %parallel_loop3A_675 = arith.index_cast %parallel_loop3A_673 : i32 to index
        %parallel_loop3A_676 = arith.constant 0 : index
        %parallel_loop3A_677 = tpu.vector_load %arg13[%parallel_loop3A_674, %parallel_loop3A_675, %parallel_loop3A_676] {strides = array<i32>} : memref<10x80x64xbf16, #tpu.memory_space<vmem>>, vector<32xbf16>,
        %parallel_loop3A_678 = arith.mulf %parallel_loop3A_677, %parallel_loop3A_671 : vector<32xbf16>
        %parallel_loop3A_679 = arith.index_cast %rem3A_112 : i32 to index
        %parallel_loop3A_680 = arith.index_cast %parallel_loop3A_673 : i32 to index
        %parallel_loop3A_681 = arith.constant 0 : index
        %parallel_loop3A_682 = tpu.vector_load %arg14[%parallel_loop3A_679, %parallel_loop3A_680, %parallel_loop3A_681] {strides = array<i32>} : memref<3x80x64xbf16, #tpu.memory_space<vmem>>, vector<32xbf16>,
        tpu.vector_store %arg14[%parallel_loop3A_679, %parallel_loop3A_680, %parallel_loop3A_681], %parallel_loop3A_678 {strides = array<i32>} : memref<3x80x64xbf16, #tpu.memory_space<vmem>>, vector<32xbf16>,
        %parallel_loop3A_683 = arith.index_cast %rem3A_110 : i32 to index
        %parallel_loop3A_684 = arith.index_cast %parallel_loop3A_673 : i32 to index
        %parallel_loop3A_685 = arith.constant 32 : index
        %parallel_loop3A_686 = tpu.vector_load %arg13[%parallel_loop3A_683, %parallel_loop3A_684, %parallel_loop3A_685] {strides = array<i32>} : memref<10x80x64xbf16, #tpu.memory_space<vmem>>, vector<32xbf16>,
        %parallel_loop3A_687 = arith.mulf %parallel_loop3A_686, %parallel_loop3A_671 : vector<32xbf16>
        %parallel_loop3A_688 = arith.index_cast %rem3A_112 : i32 to index
        %parallel_loop3A_689 = arith.index_cast %parallel_loop3A_673 : i32 to index
        %parallel_loop3A_690 = arith.constant 32 : index
        %parallel_loop3A_691 = tpu.vector_load %arg14[%parallel_loop3A_688, %parallel_loop3A_689, %parallel_loop3A_690] {strides = array<i32>} : memref<3x80x64xbf16, #tpu.memory_space<vmem>>, vector<32xbf16>,
        tpu.vector_store %arg14[%parallel_loop3A_688, %parallel_loop3A_689, %parallel_loop3A_690], %parallel_loop3A_687 {strides = array<i32>} : memref<3x80x64xbf16, #tpu.memory_space<vmem>>, vector<32xbf16>,
        %parallel_loop3A_692 = arith.index_cast %rem3A_112 : i32 to index
        %parallel_loop3A_693 = arith.index_cast %parallel_loop3A_673 : i32 to index
        %parallel_loop3A_694 = arith.constant 0 : index
        %parallel_loop3A_695 = tpu.vector_load %arg17[%parallel_loop3A_692, %parallel_loop3A_693, %parallel_loop3A_694] {strides = array<i32>} : memref<3x80x16xf32, #tpu.memory_space<vmem>>, vector<16xf32>,
        tpu.vector_store %arg17[%parallel_loop3A_692, %parallel_loop3A_693, %parallel_loop3A_694], %parallel_loop3A_670 {strides = array<i32>} : memref<3x80x16xf32, #tpu.memory_space<vmem>>, vector<16xf32>,
      } {sc.loop_unroll_factor = 2 : i64, sc.parallel_access}
      %dma_start3A = arith.constant 0 : i32
      %dma_start3A_231 = arith.constant 0 : i32
      %dma_start3A_232 = tpu.memref_slice %arg14[%rem3A_112, %dma_start3A, %dma_start3A_231] : memref<3x80x64xbf16, #tpu.memory_space<vmem>> -> memref<1x80x64xbf16, #tpu.memory_space<vmem>>
      %dma_start3A_233 = tpu.memref_squeeze %dma_start3A_232 : memref<1x80x64xbf16, #tpu.memory_space<vmem>> -> memref<80x64xbf16, #tpu.memory_space<vmem>>
      %dma_start3A_234 = arith.constant 0 : i32
      %dma_start3A_235 = tpu.memref_slice %arg11[%scan3A_109, %dma_start3A_234] : memref<250x80xi32, #tpu.memory_space<vmem>> -> memref<1x80xi32, #tpu.memory_space<vmem>>
      %dma_start3A_236 = tpu.memref_squeeze %dma_start3A_235 : memref<1x80xi32, #tpu.memory_space<vmem>> -> memref<80xi32, #tpu.memory_space<vmem>>
      %dma_start3A_237 = arith.constant 0 : i32
      %dma_start3A_238 = arith.constant 0 : i32
      %dma_start3A_239 = tpu.memref_slice %arg18[%dma_start3A_237, %dma_start3A_238] : memref<10000x64xbf16, #tpu.memory_space<vmem_shared>> -> memref<10000x64xbf16, #tpu.memory_space<vmem_shared>>
      tpu.enqueue_indirect_dma source(%dma_start3A_233 : memref<80x64xbf16, #tpu.memory_space<vmem>>) target(%dma_start3A_239 : memref<10000x64xbf16, #tpu.memory_space<vmem_shared>>) offsets(%dma_start3A_236 : memref<80xi32, #tpu.memory_space<vmem>>) semaphore(%arg21 : memref<!tpu.dma_semaphore, #tpu.memory_space<semaphore_mem>>) {add = true}
      %eq3A_240 = arith.constant 0 : i32
      %eq3A_241 = arith.cmpi eq, %arg0, %eq3A_240 : i32
      %convert_element_type3A_242 = arith.extui %eq3A_241 : i1 to i32
      %cond3A_243 = arith.constant 0 : i32
      %cond3A_244 = arith.cmpi ne, %convert_element_type3A_242, %cond3A_243 : i32
      scf.if %cond3A_244 {
        %dma_start3A_245 = arith.constant 0 : i32
        %dma_start3A_246 = arith.constant 0 : i32
        %dma_start3A_247 = tpu.memref_slice %arg17[%rem3A_112, %dma_start3A_245, %dma_start3A_246] : memref<3x80x16xf32, #tpu.memory_space<vmem>> -> memref<1x80x16xf32, #tpu.memory_space<vmem>>
        %dma_start3A_248 = tpu.memref_squeeze %dma_start3A_247 : memref<1x80x16xf32, #tpu.memory_space<vmem>> -> memref<80x16xf32, #tpu.memory_space<vmem>>
        %dma_start3A_249 = arith.constant 0 : i32
        %dma_start3A_250 = tpu.memref_slice %arg11[%scan3A_109, %dma_start3A_249] : memref<250x80xi32, #tpu.memory_space<vmem>> -> memref<1x80xi32, #tpu.memory_space<vmem>>
        %dma_start3A_251 = tpu.memref_squeeze %dma_start3A_250 : memref<1x80xi32, #tpu.memory_space<vmem>> -> memref<80xi32, #tpu.memory_space<vmem>>
        %dma_start3A_252 = arith.constant 0 : i32
        %dma_start3A_253 = arith.constant 0 : i32
        %dma_start3A_254 = tpu.memref_slice %arg19[%dma_start3A_252, %dma_start3A_253] : memref<10000x16xf32, #tpu.memory_space<vmem_shared>> -> memref<10000x16xf32, #tpu.memory_space<vmem_shared>>
        tpu.enqueue_indirect_dma source(%dma_start3A_248 : memref<80x16xf32, #tpu.memory_space<vmem>>) target(%dma_start3A_254 : memref<10000x16xf32, #tpu.memory_space<vmem_shared>>) offsets(%dma_start3A_251 : memref<80xi32, #tpu.memory_space<vmem>>) semaphore(%arg22 : memref<!tpu.dma_semaphore, #tpu.memory_space<semaphore_mem>>) {add = true}
      } else {
      }
    }
    %scan3A_59 = arith.constant 250 : i32
    %scan3A_60 = arith.constant 0 : i32
    %scan3A_61 = arith.constant 0 : i32
    %scan3A_62 = arith.constant 2 : i32
    %scan3A_63 = arith.addi %scan3A_61, %scan3A_62 : i32
    %scan3A_64 = arith.constant 1 : i32
    scf.for %scan3A_109 = %scan3A_61 to %scan3A_63 step %scan3A_64  : i32 {
      %dma_wait3A = arith.constant 0 : i32
      %dma_wait3A_110 = arith.constant 0 : i32
      %dma_wait3A_111 = arith.constant 0 : i32
      %dma_wait3A_112 = arith.constant 0 : i32
      %dma_wait3A_113 = tpu.memref_slice %arg14[%dma_wait3A, %dma_wait3A_111, %dma_wait3A_112] : memref<3x80x64xbf16, #tpu.memory_space<vmem>> -> memref<1x80x64xbf16, #tpu.memory_space<vmem>>
      %dma_wait3A_114 = tpu.memref_squeeze %dma_wait3A_113 : memref<1x80x64xbf16, #tpu.memory_space<vmem>> -> memref<80x64xbf16, #tpu.memory_space<vmem>>
      %dma_wait3A_115 = arith.constant 0 : i32
      %dma_wait3A_116 = tpu.memref_slice %arg11[%dma_wait3A_110, %dma_wait3A_115] : memref<250x80xi32, #tpu.memory_space<vmem>> -> memref<1x80xi32, #tpu.memory_space<vmem>>
      %dma_wait3A_117 = tpu.memref_squeeze %dma_wait3A_116 : memref<1x80xi32, #tpu.memory_space<vmem>> -> memref<80xi32, #tpu.memory_space<vmem>>
      %dma_wait3A_118 = arith.constant 0 : i32
      %dma_wait3A_119 = arith.constant 0 : i32
      %dma_wait3A_120 = tpu.memref_slice %arg18[%dma_wait3A_118, %dma_wait3A_119] : memref<10000x64xbf16, #tpu.memory_space<vmem_shared>> -> memref<10000x64xbf16, #tpu.memory_space<vmem_shared>>
      tpu.wait_indirect_dma semaphore(%arg21 : memref<!tpu.dma_semaphore, #tpu.memory_space<semaphore_mem>>) src(%dma_wait3A_114 : memref<80x64xbf16, #tpu.memory_space<vmem>>) dst(%dma_wait3A_120 : memref<10000x64xbf16, #tpu.memory_space<vmem_shared>>)
    }
    %scan3A_65 = arith.constant 2 : i32
    %eq3A_66 = arith.constant 0 : i32
    %eq3A_67 = arith.cmpi eq, %arg0, %eq3A_66 : i32
    %convert_element_type3A_68 = arith.extui %eq3A_67 : i1 to i32
    %cond3A_69 = arith.constant 0 : i32
    %cond3A_70 = arith.cmpi ne, %convert_element_type3A_68, %cond3A_69 : i32
    scf.if %cond3A_70 {
      %scan3A_109 = arith.constant 0 : i32
      %scan3A_110 = arith.constant 0 : i32
      %scan3A_111 = arith.constant 2 : i32
      %scan3A_112 = arith.addi %scan3A_110, %scan3A_111 : i32
      %scan3A_113 = arith.constant 1 : i32
      scf.for %scan3A_115 = %scan3A_110 to %scan3A_112 step %scan3A_113  : i32 {
        %dma_wait3A = arith.constant 0 : i32
        %dma_wait3A_116 = arith.constant 0 : i32
        %dma_wait3A_117 = arith.constant 0 : i32
        %dma_wait3A_118 = arith.constant 0 : i32
        %dma_wait3A_119 = tpu.memref_slice %arg17[%dma_wait3A, %dma_wait3A_117, %dma_wait3A_118] : memref<3x80x16xf32, #tpu.memory_space<vmem>> -> memref<1x80x16xf32, #tpu.memory_space<vmem>>
        %dma_wait3A_120 = tpu.memref_squeeze %dma_wait3A_119 : memref<1x80x16xf32, #tpu.memory_space<vmem>> -> memref<80x16xf32, #tpu.memory_space<vmem>>
        %dma_wait3A_121 = arith.constant 0 : i32
        %dma_wait3A_122 = tpu.memref_slice %arg11[%dma_wait3A_116, %dma_wait3A_121] : memref<250x80xi32, #tpu.memory_space<vmem>> -> memref<1x80xi32, #tpu.memory_space<vmem>>
        %dma_wait3A_123 = tpu.memref_squeeze %dma_wait3A_122 : memref<1x80xi32, #tpu.memory_space<vmem>> -> memref<80xi32, #tpu.memory_space<vmem>>
        %dma_wait3A_124 = arith.constant 0 : i32
        %dma_wait3A_125 = arith.constant 0 : i32
        %dma_wait3A_126 = tpu.memref_slice %arg19[%dma_wait3A_124, %dma_wait3A_125] : memref<10000x16xf32, #tpu.memory_space<vmem_shared>> -> memref<10000x16xf32, #tpu.memory_space<vmem_shared>>
        tpu.wait_indirect_dma semaphore(%arg22 : memref<!tpu.dma_semaphore, #tpu.memory_space<semaphore_mem>>) src(%dma_wait3A_120 : memref<80x16xf32, #tpu.memory_space<vmem>>) dst(%dma_wait3A_126 : memref<10000x16xf32, #tpu.memory_space<vmem_shared>>)
      }
      %scan3A_114 = arith.constant 2 : i32
    } else {
    }
    %barrier3A_71 = arith.constant 0 : index
    tpu.barrier barrier_id(%barrier3A_71)
    %mul3A_72 = arith.constant 625 : i32
    %mul3A_73 = arith.muli %arg1, %mul3A_72 : i32
    %add3A_74 = arith.constant 0 : i32
    %add3A_75 = arith.addi %mul3A_73, %add3A_74 : i32
    "tpu.region"() ({
      %run_scoped3A_109 = tpu.sem_alloc : memref<!tpu.dma_semaphore, #tpu.memory_space<semaphore_mem>>
      %dma_start3A = arith.constant 0 : i32
      %dma_start3A_110 = tpu.memref_slice %arg7[%arg0, %add3A_75, %dma_start3A] : memref<2x10000x64xbf16, #tpu.memory_space<hbm>> -> memref<1x80x64xbf16, #tpu.memory_space<hbm>>
      %dma_start3A_111 = tpu.memref_squeeze %dma_start3A_110 : memref<1x80x64xbf16, #tpu.memory_space<hbm>> -> memref<80x64xbf16, #tpu.memory_space<hbm>>
      %dma_start3A_112 = arith.constant 0 : i32
      %dma_start3A_113 = tpu.memref_slice %arg18[%add3A_75, %dma_start3A_112] : memref<10000x64xbf16, #tpu.memory_space<vmem_shared>> -> memref<80x64xbf16, #tpu.memory_space<vmem_shared>>
      tpu.enqueue_dma source(%dma_start3A_113 : memref<80x64xbf16, #tpu.memory_space<vmem_shared>>) target(%dma_start3A_111 : memref<80x64xbf16, #tpu.memory_space<hbm>>) target_semaphore(%run_scoped3A_109 : memref<!tpu.dma_semaphore, #tpu.memory_space<semaphore_mem>>)
      %dma_wait3A = arith.constant 0 : i32
      %dma_wait3A_114 = tpu.memref_slice %arg7[%arg0, %add3A_75, %dma_wait3A] : memref<2x10000x64xbf16, #tpu.memory_space<hbm>> -> memref<1x80x64xbf16, #tpu.memory_space<hbm>>
      %dma_wait3A_115 = tpu.memref_squeeze %dma_wait3A_114 : memref<1x80x64xbf16, #tpu.memory_space<hbm>> -> memref<80x64xbf16, #tpu.memory_space<hbm>>
      %dma_wait3A_116 = arith.constant 0 : i32
      %dma_wait3A_117 = tpu.memref_slice %arg18[%add3A_75, %dma_wait3A_116] : memref<10000x64xbf16, #tpu.memory_space<vmem_shared>> -> memref<80x64xbf16, #tpu.memory_space<vmem_shared>>
      tpu.wait_dma2 semaphore(%run_scoped3A_109 : memref<!tpu.dma_semaphore, #tpu.memory_space<semaphore_mem>>) src(%dma_wait3A_117 : memref<80x64xbf16, #tpu.memory_space<vmem_shared>>) dst(%dma_wait3A_115 : memref<80x64xbf16, #tpu.memory_space<hbm>>)
      tpu.yield
    }) : () -> ()
    %mul3A_76 = arith.constant 625 : i32
    %mul3A_77 = arith.muli %arg1, %mul3A_76 : i32
    %add3A_78 = arith.constant 80 : i32
    %add3A_79 = arith.addi %mul3A_77, %add3A_78 : i32
    "tpu.region"() ({
      %run_scoped3A_109 = tpu.sem_alloc : memref<!tpu.dma_semaphore, #tpu.memory_space<semaphore_mem>>
      %dma_start3A = arith.constant 0 : i32
      %dma_start3A_110 = tpu.memref_slice %arg7[%arg0, %add3A_79, %dma_start3A] : memref<2x10000x64xbf16, #tpu.memory_space<hbm>> -> memref<1x80x64xbf16, #tpu.memory_space<hbm>>
      %dma_start3A_111 = tpu.memref_squeeze %dma_start3A_110 : memref<1x80x64xbf16, #tpu.memory_space<hbm>> -> memref<80x64xbf16, #tpu.memory_space<hbm>>
      %dma_start3A_112 = arith.constant 0 : i32
      %dma_start3A_113 = tpu.memref_slice %arg18[%add3A_79, %dma_start3A_112] : memref<10000x64xbf16, #tpu.memory_space<vmem_shared>> -> memref<80x64xbf16, #tpu.memory_space<vmem_shared>>
      tpu.enqueue_dma source(%dma_start3A_113 : memref<80x64xbf16, #tpu.memory_space<vmem_shared>>) target(%dma_start3A_111 : memref<80x64xbf16, #tpu.memory_space<hbm>>) target_semaphore(%run_scoped3A_109 : memref<!tpu.dma_semaphore, #tpu.memory_space<semaphore_mem>>)
      %dma_wait3A = arith.constant 0 : i32
      %dma_wait3A_114 = tpu.memref_slice %arg7[%arg0, %add3A_79, %dma_wait3A] : memref<2x10000x64xbf16, #tpu.memory_space<hbm>> -> memref<1x80x64xbf16, #tpu.memory_space<hbm>>
      %dma_wait3A_115 = tpu.memref_squeeze %dma_wait3A_114 : memref<1x80x64xbf16, #tpu.memory_space<hbm>> -> memref<80x64xbf16, #tpu.memory_space<hbm>>
      %dma_wait3A_116 = arith.constant 0 : i32
      %dma_wait3A_117 = tpu.memref_slice %arg18[%add3A_79, %dma_wait3A_116] : memref<10000x64xbf16, #tpu.memory_space<vmem_shared>> -> memref<80x64xbf16, #tpu.memory_space<vmem_shared>>
      tpu.wait_dma2 semaphore(%run_scoped3A_109 : memref<!tpu.dma_semaphore, #tpu.memory_space<semaphore_mem>>) src(%dma_wait3A_117 : memref<80x64xbf16, #tpu.memory_space<vmem_shared>>) dst(%dma_wait3A_115 : memref<80x64xbf16, #tpu.memory_space<hbm>>)
      tpu.yield
    }) : () -> ()
    %mul3A_80 = arith.constant 625 : i32
    %mul3A_81 = arith.muli %arg1, %mul3A_80 : i32
    %add3A_82 = arith.constant 160 : i32
    %add3A_83 = arith.addi %mul3A_81, %add3A_82 : i32
    "tpu.region"() ({
      %run_scoped3A_109 = tpu.sem_alloc : memref<!tpu.dma_semaphore, #tpu.memory_space<semaphore_mem>>
      %dma_start3A = arith.constant 0 : i32
      %dma_start3A_110 = tpu.memref_slice %arg7[%arg0, %add3A_83, %dma_start3A] : memref<2x10000x64xbf16, #tpu.memory_space<hbm>> -> memref<1x80x64xbf16, #tpu.memory_space<hbm>>
      %dma_start3A_111 = tpu.memref_squeeze %dma_start3A_110 : memref<1x80x64xbf16, #tpu.memory_space<hbm>> -> memref<80x64xbf16, #tpu.memory_space<hbm>>
      %dma_start3A_112 = arith.constant 0 : i32
      %dma_start3A_113 = tpu.memref_slice %arg18[%add3A_83, %dma_start3A_112] : memref<10000x64xbf16, #tpu.memory_space<vmem_shared>> -> memref<80x64xbf16, #tpu.memory_space<vmem_shared>>
      tpu.enqueue_dma source(%dma_start3A_113 : memref<80x64xbf16, #tpu.memory_space<vmem_shared>>) target(%dma_start3A_111 : memref<80x64xbf16, #tpu.memory_space<hbm>>) target_semaphore(%run_scoped3A_109 : memref<!tpu.dma_semaphore, #tpu.memory_space<semaphore_mem>>)
      %dma_wait3A = arith.constant 0 : i32
      %dma_wait3A_114 = tpu.memref_slice %arg7[%arg0, %add3A_83, %dma_wait3A] : memref<2x10000x64xbf16, #tpu.memory_space<hbm>> -> memref<1x80x64xbf16, #tpu.memory_space<hbm>>
      %dma_wait3A_115 = tpu.memref_squeeze %dma_wait3A_114 : memref<1x80x64xbf16, #tpu.memory_space<hbm>> -> memref<80x64xbf16, #tpu.memory_space<hbm>>
      %dma_wait3A_116 = arith.constant 0 : i32
      %dma_wait3A_117 = tpu.memref_slice %arg18[%add3A_83, %dma_wait3A_116] : memref<10000x64xbf16, #tpu.memory_space<vmem_shared>> -> memref<80x64xbf16, #tpu.memory_space<vmem_shared>>
      tpu.wait_dma2 semaphore(%run_scoped3A_109 : memref<!tpu.dma_semaphore, #tpu.memory_space<semaphore_mem>>) src(%dma_wait3A_117 : memref<80x64xbf16, #tpu.memory_space<vmem_shared>>) dst(%dma_wait3A_115 : memref<80x64xbf16, #tpu.memory_space<hbm>>)
      tpu.yield
    }) : () -> ()
    %mul3A_84 = arith.constant 625 : i32
    %mul3A_85 = arith.muli %arg1, %mul3A_84 : i32
    %add3A_86 = arith.constant 240 : i32
    %add3A_87 = arith.addi %mul3A_85, %add3A_86 : i32
    "tpu.region"() ({
      %run_scoped3A_109 = tpu.sem_alloc : memref<!tpu.dma_semaphore, #tpu.memory_space<semaphore_mem>>
      %dma_start3A = arith.constant 0 : i32
      %dma_start3A_110 = tpu.memref_slice %arg7[%arg0, %add3A_87, %dma_start3A] : memref<2x10000x64xbf16, #tpu.memory_space<hbm>> -> memref<1x80x64xbf16, #tpu.memory_space<hbm>>
      %dma_start3A_111 = tpu.memref_squeeze %dma_start3A_110 : memref<1x80x64xbf16, #tpu.memory_space<hbm>> -> memref<80x64xbf16, #tpu.memory_space<hbm>>
      %dma_start3A_112 = arith.constant 0 : i32
      %dma_start3A_113 = tpu.memref_slice %arg18[%add3A_87, %dma_start3A_112] : memref<10000x64xbf16, #tpu.memory_space<vmem_shared>> -> memref<80x64xbf16, #tpu.memory_space<vmem_shared>>
      tpu.enqueue_dma source(%dma_start3A_113 : memref<80x64xbf16, #tpu.memory_space<vmem_shared>>) target(%dma_start3A_111 : memref<80x64xbf16, #tpu.memory_space<hbm>>) target_semaphore(%run_scoped3A_109 : memref<!tpu.dma_semaphore, #tpu.memory_space<semaphore_mem>>)
      %dma_wait3A = arith.constant 0 : i32
      %dma_wait3A_114 = tpu.memref_slice %arg7[%arg0, %add3A_87, %dma_wait3A] : memref<2x10000x64xbf16, #tpu.memory_space<hbm>> -> memref<1x80x64xbf16, #tpu.memory_space<hbm>>
      %dma_wait3A_115 = tpu.memref_squeeze %dma_wait3A_114 : memref<1x80x64xbf16, #tpu.memory_space<hbm>> -> memref<80x64xbf16, #tpu.memory_space<hbm>>
      %dma_wait3A_116 = arith.constant 0 : i32
      %dma_wait3A_117 = tpu.memref_slice %arg18[%add3A_87, %dma_wait3A_116] : memref<10000x64xbf16, #tpu.memory_space<vmem_shared>> -> memref<80x64xbf16, #tpu.memory_space<vmem_shared>>
      tpu.wait_dma2 semaphore(%run_scoped3A_109 : memref<!tpu.dma_semaphore, #tpu.memory_space<semaphore_mem>>) src(%dma_wait3A_117 : memref<80x64xbf16, #tpu.memory_space<vmem_shared>>) dst(%dma_wait3A_115 : memref<80x64xbf16, #tpu.memory_space<hbm>>)
      tpu.yield
    }) : () -> ()
    %mul3A_88 = arith.constant 625 : i32
    %mul3A_89 = arith.muli %arg1, %mul3A_88 : i32
    %add3A_90 = arith.constant 320 : i32
    %add3A_91 = arith.addi %mul3A_89, %add3A_90 : i32
    "tpu.region"() ({
      %run_scoped3A_109 = tpu.sem_alloc : memref<!tpu.dma_semaphore, #tpu.memory_space<semaphore_mem>>
      %dma_start3A = arith.constant 0 : i32
      %dma_start3A_110 = tpu.memref_slice %arg7[%arg0, %add3A_91, %dma_start3A] : memref<2x10000x64xbf16, #tpu.memory_space<hbm>> -> memref<1x80x64xbf16, #tpu.memory_space<hbm>>
      %dma_start3A_111 = tpu.memref_squeeze %dma_start3A_110 : memref<1x80x64xbf16, #tpu.memory_space<hbm>> -> memref<80x64xbf16, #tpu.memory_space<hbm>>
      %dma_start3A_112 = arith.constant 0 : i32
      %dma_start3A_113 = tpu.memref_slice %arg18[%add3A_91, %dma_start3A_112] : memref<10000x64xbf16, #tpu.memory_space<vmem_shared>> -> memref<80x64xbf16, #tpu.memory_space<vmem_shared>>
      tpu.enqueue_dma source(%dma_start3A_113 : memref<80x64xbf16, #tpu.memory_space<vmem_shared>>) target(%dma_start3A_111 : memref<80x64xbf16, #tpu.memory_space<hbm>>) target_semaphore(%run_scoped3A_109 : memref<!tpu.dma_semaphore, #tpu.memory_space<semaphore_mem>>)
      %dma_wait3A = arith.constant 0 : i32
      %dma_wait3A_114 = tpu.memref_slice %arg7[%arg0, %add3A_91, %dma_wait3A] : memref<2x10000x64xbf16, #tpu.memory_space<hbm>> -> memref<1x80x64xbf16, #tpu.memory_space<hbm>>
      %dma_wait3A_115 = tpu.memref_squeeze %dma_wait3A_114 : memref<1x80x64xbf16, #tpu.memory_space<hbm>> -> memref<80x64xbf16, #tpu.memory_space<hbm>>
      %dma_wait3A_116 = arith.constant 0 : i32
      %dma_wait3A_117 = tpu.memref_slice %arg18[%add3A_91, %dma_wait3A_116] : memref<10000x64xbf16, #tpu.memory_space<vmem_shared>> -> memref<80x64xbf16, #tpu.memory_space<vmem_shared>>
      tpu.wait_dma2 semaphore(%run_scoped3A_109 : memref<!tpu.dma_semaphore, #tpu.memory_space<semaphore_mem>>) src(%dma_wait3A_117 : memref<80x64xbf16, #tpu.memory_space<vmem_shared>>) dst(%dma_wait3A_115 : memref<80x64xbf16, #tpu.memory_space<hbm>>)
      tpu.yield
    }) : () -> ()
    %mul3A_92 = arith.constant 625 : i32
    %mul3A_93 = arith.muli %arg1, %mul3A_92 : i32
    %add3A_94 = arith.constant 400 : i32
    %add3A_95 = arith.addi %mul3A_93, %add3A_94 : i32
    "tpu.region"() ({
      %run_scoped3A_109 = tpu.sem_alloc : memref<!tpu.dma_semaphore, #tpu.memory_space<semaphore_mem>>
      %dma_start3A = arith.constant 0 : i32
      %dma_start3A_110 = tpu.memref_slice %arg7[%arg0, %add3A_95, %dma_start3A] : memref<2x10000x64xbf16, #tpu.memory_space<hbm>> -> memref<1x80x64xbf16, #tpu.memory_space<hbm>>
      %dma_start3A_111 = tpu.memref_squeeze %dma_start3A_110 : memref<1x80x64xbf16, #tpu.memory_space<hbm>> -> memref<80x64xbf16, #tpu.memory_space<hbm>>
      %dma_start3A_112 = arith.constant 0 : i32
      %dma_start3A_113 = tpu.memref_slice %arg18[%add3A_95, %dma_start3A_112] : memref<10000x64xbf16, #tpu.memory_space<vmem_shared>> -> memref<80x64xbf16, #tpu.memory_space<vmem_shared>>
      tpu.enqueue_dma source(%dma_start3A_113 : memref<80x64xbf16, #tpu.memory_space<vmem_shared>>) target(%dma_start3A_111 : memref<80x64xbf16, #tpu.memory_space<hbm>>) target_semaphore(%run_scoped3A_109 : memref<!tpu.dma_semaphore, #tpu.memory_space<semaphore_mem>>)
      %dma_wait3A = arith.constant 0 : i32
      %dma_wait3A_114 = tpu.memref_slice %arg7[%arg0, %add3A_95, %dma_wait3A] : memref<2x10000x64xbf16, #tpu.memory_space<hbm>> -> memref<1x80x64xbf16, #tpu.memory_space<hbm>>
      %dma_wait3A_115 = tpu.memref_squeeze %dma_wait3A_114 : memref<1x80x64xbf16, #tpu.memory_space<hbm>> -> memref<80x64xbf16, #tpu.memory_space<hbm>>
      %dma_wait3A_116 = arith.constant 0 : i32
      %dma_wait3A_117 = tpu.memref_slice %arg18[%add3A_95, %dma_wait3A_116] : memref<10000x64xbf16, #tpu.memory_space<vmem_shared>> -> memref<80x64xbf16, #tpu.memory_space<vmem_shared>>
      tpu.wait_dma2 semaphore(%run_scoped3A_109 : memref<!tpu.dma_semaphore, #tpu.memory_space<semaphore_mem>>) src(%dma_wait3A_117 : memref<80x64xbf16, #tpu.memory_space<vmem_shared>>) dst(%dma_wait3A_115 : memref<80x64xbf16, #tpu.memory_space<hbm>>)
      tpu.yield
    }) : () -> ()
    %mul3A_96 = arith.constant 625 : i32
    %mul3A_97 = arith.muli %arg1, %mul3A_96 : i32
    %add3A_98 = arith.constant 480 : i32
    %add3A_99 = arith.addi %mul3A_97, %add3A_98 : i32
    "tpu.region"() ({
      %run_scoped3A_109 = tpu.sem_alloc : memref<!tpu.dma_semaphore, #tpu.memory_space<semaphore_mem>>
      %dma_start3A = arith.constant 0 : i32
      %dma_start3A_110 = tpu.memref_slice %arg7[%arg0, %add3A_99, %dma_start3A] : memref<2x10000x64xbf16, #tpu.memory_space<hbm>> -> memref<1x80x64xbf16, #tpu.memory_space<hbm>>
      %dma_start3A_111 = tpu.memref_squeeze %dma_start3A_110 : memref<1x80x64xbf16, #tpu.memory_space<hbm>> -> memref<80x64xbf16, #tpu.memory_space<hbm>>
      %dma_start3A_112 = arith.constant 0 : i32
      %dma_start3A_113 = tpu.memref_slice %arg18[%add3A_99, %dma_start3A_112] : memref<10000x64xbf16, #tpu.memory_space<vmem_shared>> -> memref<80x64xbf16, #tpu.memory_space<vmem_shared>>
      tpu.enqueue_dma source(%dma_start3A_113 : memref<80x64xbf16, #tpu.memory_space<vmem_shared>>) target(%dma_start3A_111 : memref<80x64xbf16, #tpu.memory_space<hbm>>) target_semaphore(%run_scoped3A_109 : memref<!tpu.dma_semaphore, #tpu.memory_space<semaphore_mem>>)
      %dma_wait3A = arith.constant 0 : i32
      %dma_wait3A_114 = tpu.memref_slice %arg7[%arg0, %add3A_99, %dma_wait3A] : memref<2x10000x64xbf16, #tpu.memory_space<hbm>> -> memref<1x80x64xbf16, #tpu.memory_space<hbm>>
      %dma_wait3A_115 = tpu.memref_squeeze %dma_wait3A_114 : memref<1x80x64xbf16, #tpu.memory_space<hbm>> -> memref<80x64xbf16, #tpu.memory_space<hbm>>
      %dma_wait3A_116 = arith.constant 0 : i32
      %dma_wait3A_117 = tpu.memref_slice %arg18[%add3A_99, %dma_wait3A_116] : memref<10000x64xbf16, #tpu.memory_space<vmem_shared>> -> memref<80x64xbf16, #tpu.memory_space<vmem_shared>>
      tpu.wait_dma2 semaphore(%run_scoped3A_109 : memref<!tpu.dma_semaphore, #tpu.memory_space<semaphore_mem>>) src(%dma_wait3A_117 : memref<80x64xbf16, #tpu.memory_space<vmem_shared>>) dst(%dma_wait3A_115 : memref<80x64xbf16, #tpu.memory_space<hbm>>)
      tpu.yield
    }) : () -> ()
    %mul3A_100 = arith.constant 625 : i32
    %mul3A_101 = arith.muli %arg1, %mul3A_100 : i32
    %add3A_102 = arith.constant 560 : i32
    %add3A_103 = arith.addi %mul3A_101, %add3A_102 : i32
    "tpu.region"() ({
      %run_scoped3A_109 = tpu.sem_alloc : memref<!tpu.dma_semaphore, #tpu.memory_space<semaphore_mem>>
      %dma_start3A = arith.constant 0 : i32
      %dma_start3A_110 = tpu.memref_slice %arg7[%arg0, %add3A_103, %dma_start3A] : memref<2x10000x64xbf16, #tpu.memory_space<hbm>> -> memref<1x65x64xbf16, #tpu.memory_space<hbm>>
      %dma_start3A_111 = tpu.memref_squeeze %dma_start3A_110 : memref<1x65x64xbf16, #tpu.memory_space<hbm>> -> memref<65x64xbf16, #tpu.memory_space<hbm>>
      %dma_start3A_112 = arith.constant 0 : i32
      %dma_start3A_113 = tpu.memref_slice %arg18[%add3A_103, %dma_start3A_112] : memref<10000x64xbf16, #tpu.memory_space<vmem_shared>> -> memref<65x64xbf16, #tpu.memory_space<vmem_shared>>
      tpu.enqueue_dma source(%dma_start3A_113 : memref<65x64xbf16, #tpu.memory_space<vmem_shared>>) target(%dma_start3A_111 : memref<65x64xbf16, #tpu.memory_space<hbm>>) target_semaphore(%run_scoped3A_109 : memref<!tpu.dma_semaphore, #tpu.memory_space<semaphore_mem>>)
      %dma_wait3A = arith.constant 0 : i32
      %dma_wait3A_114 = tpu.memref_slice %arg7[%arg0, %add3A_103, %dma_wait3A] : memref<2x10000x64xbf16, #tpu.memory_space<hbm>> -> memref<1x65x64xbf16, #tpu.memory_space<hbm>>
      %dma_wait3A_115 = tpu.memref_squeeze %dma_wait3A_114 : memref<1x65x64xbf16, #tpu.memory_space<hbm>> -> memref<65x64xbf16, #tpu.memory_space<hbm>>
      %dma_wait3A_116 = arith.constant 0 : i32
      %dma_wait3A_117 = tpu.memref_slice %arg18[%add3A_103, %dma_wait3A_116] : memref<10000x64xbf16, #tpu.memory_space<vmem_shared>> -> memref<65x64xbf16, #tpu.memory_space<vmem_shared>>
      tpu.wait_dma2 semaphore(%run_scoped3A_109 : memref<!tpu.dma_semaphore, #tpu.memory_space<semaphore_mem>>) src(%dma_wait3A_117 : memref<65x64xbf16, #tpu.memory_space<vmem_shared>>) dst(%dma_wait3A_115 : memref<65x64xbf16, #tpu.memory_space<hbm>>)
      tpu.yield
    }) : () -> ()
    %eq3A_104 = arith.constant 0 : i32
    %eq3A_105 = arith.cmpi eq, %arg0, %eq3A_104 : i32
    %convert_element_type3A_106 = arith.extui %eq3A_105 : i1 to i32
    %cond3A_107 = arith.constant 0 : i32
    %cond3A_108 = arith.cmpi ne, %convert_element_type3A_106, %cond3A_107 : i32
    scf.if %cond3A_108 {
      %mul3A_109 = arith.constant 625 : i32
      %mul3A_110 = arith.muli %arg1, %mul3A_109 : i32
      %add3A_111 = arith.constant 0 : i32
      %add3A_112 = arith.addi %mul3A_110, %add3A_111 : i32
      "tpu.region"() ({
        %run_scoped3A_141 = tpu.sem_alloc : memref<!tpu.dma_semaphore, #tpu.memory_space<semaphore_mem>>
        %dma_start3A = arith.constant 0 : i32
        %dma_start3A_142 = tpu.memref_slice %arg8[%add3A_112, %dma_start3A] : memref<10000x16xf32, #tpu.memory_space<hbm>> -> memref<80x16xf32, #tpu.memory_space<hbm>>
        %dma_start3A_143 = arith.constant 0 : i32
        %dma_start3A_144 = tpu.memref_slice %arg19[%add3A_112, %dma_start3A_143] : memref<10000x16xf32, #tpu.memory_space<vmem_shared>> -> memref<80x16xf32, #tpu.memory_space<vmem_shared>>
        tpu.enqueue_dma source(%dma_start3A_144 : memref<80x16xf32, #tpu.memory_space<vmem_shared>>) target(%dma_start3A_142 : memref<80x16xf32, #tpu.memory_space<hbm>>) target_semaphore(%run_scoped3A_141 : memref<!tpu.dma_semaphore, #tpu.memory_space<semaphore_mem>>)
        %dma_wait3A = arith.constant 0 : i32
        %dma_wait3A_145 = tpu.memref_slice %arg8[%add3A_112, %dma_wait3A] : memref<10000x16xf32, #tpu.memory_space<hbm>> -> memref<80x16xf32, #tpu.memory_space<hbm>>
        %dma_wait3A_146 = arith.constant 0 : i32
        %dma_wait3A_147 = tpu.memref_slice %arg19[%add3A_112, %dma_wait3A_146] : memref<10000x16xf32, #tpu.memory_space<vmem_shared>> -> memref<80x16xf32, #tpu.memory_space<vmem_shared>>
        tpu.wait_dma2 semaphore(%run_scoped3A_141 : memref<!tpu.dma_semaphore, #tpu.memory_space<semaphore_mem>>) src(%dma_wait3A_147 : memref<80x16xf32, #tpu.memory_space<vmem_shared>>) dst(%dma_wait3A_145 : memref<80x16xf32, #tpu.memory_space<hbm>>)
        tpu.yield
      }) : () -> ()
      %mul3A_113 = arith.constant 625 : i32
      %mul3A_114 = arith.muli %arg1, %mul3A_113 : i32
      %add3A_115 = arith.constant 80 : i32
      %add3A_116 = arith.addi %mul3A_114, %add3A_115 : i32
      "tpu.region"() ({
        %run_scoped3A_141 = tpu.sem_alloc : memref<!tpu.dma_semaphore, #tpu.memory_space<semaphore_mem>>
        %dma_start3A = arith.constant 0 : i32
        %dma_start3A_142 = tpu.memref_slice %arg8[%add3A_116, %dma_start3A] : memref<10000x16xf32, #tpu.memory_space<hbm>> -> memref<80x16xf32, #tpu.memory_space<hbm>>
        %dma_start3A_143 = arith.constant 0 : i32
        %dma_start3A_144 = tpu.memref_slice %arg19[%add3A_116, %dma_start3A_143] : memref<10000x16xf32, #tpu.memory_space<vmem_shared>> -> memref<80x16xf32, #tpu.memory_space<vmem_shared>>
        tpu.enqueue_dma source(%dma_start3A_144 : memref<80x16xf32, #tpu.memory_space<vmem_shared>>) target(%dma_start3A_142 : memref<80x16xf32, #tpu.memory_space<hbm>>) target_semaphore(%run_scoped3A_141 : memref<!tpu.dma_semaphore, #tpu.memory_space<semaphore_mem>>)
        %dma_wait3A = arith.constant 0 : i32
        %dma_wait3A_145 = tpu.memref_slice %arg8[%add3A_116, %dma_wait3A] : memref<10000x16xf32, #tpu.memory_space<hbm>> -> memref<80x16xf32, #tpu.memory_space<hbm>>
        %dma_wait3A_146 = arith.constant 0 : i32
        %dma_wait3A_147 = tpu.memref_slice %arg19[%add3A_116, %dma_wait3A_146] : memref<10000x16xf32, #tpu.memory_space<vmem_shared>> -> memref<80x16xf32, #tpu.memory_space<vmem_shared>>
        tpu.wait_dma2 semaphore(%run_scoped3A_141 : memref<!tpu.dma_semaphore, #tpu.memory_space<semaphore_mem>>) src(%dma_wait3A_147 : memref<80x16xf32, #tpu.memory_space<vmem_shared>>) dst(%dma_wait3A_145 : memref<80x16xf32, #tpu.memory_space<hbm>>)
        tpu.yield
      }) : () -> ()
      %mul3A_117 = arith.constant 625 : i32
      %mul3A_118 = arith.muli %arg1, %mul3A_117 : i32
      %add3A_119 = arith.constant 160 : i32
      %add3A_120 = arith.addi %mul3A_118, %add3A_119 : i32
      "tpu.region"() ({
        %run_scoped3A_141 = tpu.sem_alloc : memref<!tpu.dma_semaphore, #tpu.memory_space<semaphore_mem>>
        %dma_start3A = arith.constant 0 : i32
        %dma_start3A_142 = tpu.memref_slice %arg8[%add3A_120, %dma_start3A] : memref<10000x16xf32, #tpu.memory_space<hbm>> -> memref<80x16xf32, #tpu.memory_space<hbm>>
        %dma_start3A_143 = arith.constant 0 : i32
        %dma_start3A_144 = tpu.memref_slice %arg19[%add3A_120, %dma_start3A_143] : memref<10000x16xf32, #tpu.memory_space<vmem_shared>> -> memref<80x16xf32, #tpu.memory_space<vmem_shared>>
        tpu.enqueue_dma source(%dma_start3A_144 : memref<80x16xf32, #tpu.memory_space<vmem_shared>>) target(%dma_start3A_142 : memref<80x16xf32, #tpu.memory_space<hbm>>) target_semaphore(%run_scoped3A_141 : memref<!tpu.dma_semaphore, #tpu.memory_space<semaphore_mem>>)
        %dma_wait3A = arith.constant 0 : i32
        %dma_wait3A_145 = tpu.memref_slice %arg8[%add3A_120, %dma_wait3A] : memref<10000x16xf32, #tpu.memory_space<hbm>> -> memref<80x16xf32, #tpu.memory_space<hbm>>
        %dma_wait3A_146 = arith.constant 0 : i32
        %dma_wait3A_147 = tpu.memref_slice %arg19[%add3A_120, %dma_wait3A_146] : memref<10000x16xf32, #tpu.memory_space<vmem_shared>> -> memref<80x16xf32, #tpu.memory_space<vmem_shared>>
        tpu.wait_dma2 semaphore(%run_scoped3A_141 : memref<!tpu.dma_semaphore, #tpu.memory_space<semaphore_mem>>) src(%dma_wait3A_147 : memref<80x16xf32, #tpu.memory_space<vmem_shared>>) dst(%dma_wait3A_145 : memref<80x16xf32, #tpu.memory_space<hbm>>)
        tpu.yield
      }) : () -> ()
      %mul3A_121 = arith.constant 625 : i32
      %mul3A_122 = arith.muli %arg1, %mul3A_121 : i32
      %add3A_123 = arith.constant 240 : i32
      %add3A_124 = arith.addi %mul3A_122, %add3A_123 : i32
      "tpu.region"() ({
        %run_scoped3A_141 = tpu.sem_alloc : memref<!tpu.dma_semaphore, #tpu.memory_space<semaphore_mem>>
        %dma_start3A = arith.constant 0 : i32
        %dma_start3A_142 = tpu.memref_slice %arg8[%add3A_124, %dma_start3A] : memref<10000x16xf32, #tpu.memory_space<hbm>> -> memref<80x16xf32, #tpu.memory_space<hbm>>
        %dma_start3A_143 = arith.constant 0 : i32
        %dma_start3A_144 = tpu.memref_slice %arg19[%add3A_124, %dma_start3A_143] : memref<10000x16xf32, #tpu.memory_space<vmem_shared>> -> memref<80x16xf32, #tpu.memory_space<vmem_shared>>
        tpu.enqueue_dma source(%dma_start3A_144 : memref<80x16xf32, #tpu.memory_space<vmem_shared>>) target(%dma_start3A_142 : memref<80x16xf32, #tpu.memory_space<hbm>>) target_semaphore(%run_scoped3A_141 : memref<!tpu.dma_semaphore, #tpu.memory_space<semaphore_mem>>)
        %dma_wait3A = arith.constant 0 : i32
        %dma_wait3A_145 = tpu.memref_slice %arg8[%add3A_124, %dma_wait3A] : memref<10000x16xf32, #tpu.memory_space<hbm>> -> memref<80x16xf32, #tpu.memory_space<hbm>>
        %dma_wait3A_146 = arith.constant 0 : i32
        %dma_wait3A_147 = tpu.memref_slice %arg19[%add3A_124, %dma_wait3A_146] : memref<10000x16xf32, #tpu.memory_space<vmem_shared>> -> memref<80x16xf32, #tpu.memory_space<vmem_shared>>
        tpu.wait_dma2 semaphore(%run_scoped3A_141 : memref<!tpu.dma_semaphore, #tpu.memory_space<semaphore_mem>>) src(%dma_wait3A_147 : memref<80x16xf32, #tpu.memory_space<vmem_shared>>) dst(%dma_wait3A_145 : memref<80x16xf32, #tpu.memory_space<hbm>>)
        tpu.yield
      }) : () -> ()
      %mul3A_125 = arith.constant 625 : i32
      %mul3A_126 = arith.muli %arg1, %mul3A_125 : i32
      %add3A_127 = arith.constant 320 : i32
      %add3A_128 = arith.addi %mul3A_126, %add3A_127 : i32
      "tpu.region"() ({
        %run_scoped3A_141 = tpu.sem_alloc : memref<!tpu.dma_semaphore, #tpu.memory_space<semaphore_mem>>
        %dma_start3A = arith.constant 0 : i32
        %dma_start3A_142 = tpu.memref_slice %arg8[%add3A_128, %dma_start3A] : memref<10000x16xf32, #tpu.memory_space<hbm>> -> memref<80x16xf32, #tpu.memory_space<hbm>>
        %dma_start3A_143 = arith.constant 0 : i32
        %dma_start3A_144 = tpu.memref_slice %arg19[%add3A_128, %dma_start3A_143] : memref<10000x16xf32, #tpu.memory_space<vmem_shared>> -> memref<80x16xf32, #tpu.memory_space<vmem_shared>>
        tpu.enqueue_dma source(%dma_start3A_144 : memref<80x16xf32, #tpu.memory_space<vmem_shared>>) target(%dma_start3A_142 : memref<80x16xf32, #tpu.memory_space<hbm>>) target_semaphore(%run_scoped3A_141 : memref<!tpu.dma_semaphore, #tpu.memory_space<semaphore_mem>>)
        %dma_wait3A = arith.constant 0 : i32
        %dma_wait3A_145 = tpu.memref_slice %arg8[%add3A_128, %dma_wait3A] : memref<10000x16xf32, #tpu.memory_space<hbm>> -> memref<80x16xf32, #tpu.memory_space<hbm>>
        %dma_wait3A_146 = arith.constant 0 : i32
        %dma_wait3A_147 = tpu.memref_slice %arg19[%add3A_128, %dma_wait3A_146] : memref<10000x16xf32, #tpu.memory_space<vmem_shared>> -> memref<80x16xf32, #tpu.memory_space<vmem_shared>>
        tpu.wait_dma2 semaphore(%run_scoped3A_141 : memref<!tpu.dma_semaphore, #tpu.memory_space<semaphore_mem>>) src(%dma_wait3A_147 : memref<80x16xf32, #tpu.memory_space<vmem_shared>>) dst(%dma_wait3A_145 : memref<80x16xf32, #tpu.memory_space<hbm>>)
        tpu.yield
      }) : () -> ()
      %mul3A_129 = arith.constant 625 : i32
      %mul3A_130 = arith.muli %arg1, %mul3A_129 : i32
      %add3A_131 = arith.constant 400 : i32
      %add3A_132 = arith.addi %mul3A_130, %add3A_131 : i32
      "tpu.region"() ({
        %run_scoped3A_141 = tpu.sem_alloc : memref<!tpu.dma_semaphore, #tpu.memory_space<semaphore_mem>>
        %dma_start3A = arith.constant 0 : i32
        %dma_start3A_142 = tpu.memref_slice %arg8[%add3A_132, %dma_start3A] : memref<10000x16xf32, #tpu.memory_space<hbm>> -> memref<80x16xf32, #tpu.memory_space<hbm>>
        %dma_start3A_143 = arith.constant 0 : i32
        %dma_start3A_144 = tpu.memref_slice %arg19[%add3A_132, %dma_start3A_143] : memref<10000x16xf32, #tpu.memory_space<vmem_shared>> -> memref<80x16xf32, #tpu.memory_space<vmem_shared>>
        tpu.enqueue_dma source(%dma_start3A_144 : memref<80x16xf32, #tpu.memory_space<vmem_shared>>) target(%dma_start3A_142 : memref<80x16xf32, #tpu.memory_space<hbm>>) target_semaphore(%run_scoped3A_141 : memref<!tpu.dma_semaphore, #tpu.memory_space<semaphore_mem>>)
        %dma_wait3A = arith.constant 0 : i32
        %dma_wait3A_145 = tpu.memref_slice %arg8[%add3A_132, %dma_wait3A] : memref<10000x16xf32, #tpu.memory_space<hbm>> -> memref<80x16xf32, #tpu.memory_space<hbm>>
        %dma_wait3A_146 = arith.constant 0 : i32
        %dma_wait3A_147 = tpu.memref_slice %arg19[%add3A_132, %dma_wait3A_146] : memref<10000x16xf32, #tpu.memory_space<vmem_shared>> -> memref<80x16xf32, #tpu.memory_space<vmem_shared>>
        tpu.wait_dma2 semaphore(%run_scoped3A_141 : memref<!tpu.dma_semaphore, #tpu.memory_space<semaphore_mem>>) src(%dma_wait3A_147 : memref<80x16xf32, #tpu.memory_space<vmem_shared>>) dst(%dma_wait3A_145 : memref<80x16xf32, #tpu.memory_space<hbm>>)
        tpu.yield
      }) : () -> ()
      %mul3A_133 = arith.constant 625 : i32
      %mul3A_134 = arith.muli %arg1, %mul3A_133 : i32
      %add3A_135 = arith.constant 480 : i32
      %add3A_136 = arith.addi %mul3A_134, %add3A_135 : i32
      "tpu.region"() ({
        %run_scoped3A_141 = tpu.sem_alloc : memref<!tpu.dma_semaphore, #tpu.memory_space<semaphore_mem>>
        %dma_start3A = arith.constant 0 : i32
        %dma_start3A_142 = tpu.memref_slice %arg8[%add3A_136, %dma_start3A] : memref<10000x16xf32, #tpu.memory_space<hbm>> -> memref<80x16xf32, #tpu.memory_space<hbm>>
        %dma_start3A_143 = arith.constant 0 : i32
        %dma_start3A_144 = tpu.memref_slice %arg19[%add3A_136, %dma_start3A_143] : memref<10000x16xf32, #tpu.memory_space<vmem_shared>> -> memref<80x16xf32, #tpu.memory_space<vmem_shared>>
        tpu.enqueue_dma source(%dma_start3A_144 : memref<80x16xf32, #tpu.memory_space<vmem_shared>>) target(%dma_start3A_142 : memref<80x16xf32, #tpu.memory_space<hbm>>) target_semaphore(%run_scoped3A_141 : memref<!tpu.dma_semaphore, #tpu.memory_space<semaphore_mem>>)
        %dma_wait3A = arith.constant 0 : i32
        %dma_wait3A_145 = tpu.memref_slice %arg8[%add3A_136, %dma_wait3A] : memref<10000x16xf32, #tpu.memory_space<hbm>> -> memref<80x16xf32, #tpu.memory_space<hbm>>
        %dma_wait3A_146 = arith.constant 0 : i32
        %dma_wait3A_147 = tpu.memref_slice %arg19[%add3A_136, %dma_wait3A_146] : memref<10000x16xf32, #tpu.memory_space<vmem_shared>> -> memref<80x16xf32, #tpu.memory_space<vmem_shared>>
        tpu.wait_dma2 semaphore(%run_scoped3A_141 : memref<!tpu.dma_semaphore, #tpu.memory_space<semaphore_mem>>) src(%dma_wait3A_147 : memref<80x16xf32, #tpu.memory_space<vmem_shared>>) dst(%dma_wait3A_145 : memref<80x16xf32, #tpu.memory_space<hbm>>)
        tpu.yield
      }) : () -> ()
      %mul3A_137 = arith.constant 625 : i32
      %mul3A_138 = arith.muli %arg1, %mul3A_137 : i32
      %add3A_139 = arith.constant 560 : i32
      %add3A_140 = arith.addi %mul3A_138, %add3A_139 : i32
      "tpu.region"() ({
        %run_scoped3A_141 = tpu.sem_alloc : memref<!tpu.dma_semaphore, #tpu.memory_space<semaphore_mem>>
        %dma_start3A = arith.constant 0 : i32
        %dma_start3A_142 = tpu.memref_slice %arg8[%add3A_140, %dma_start3A] : memref<10000x16xf32, #tpu.memory_space<hbm>> -> memref<65x16xf32, #tpu.memory_space<hbm>>
        %dma_start3A_143 = arith.constant 0 : i32
        %dma_start3A_144 = tpu.memref_slice %arg19[%add3A_140, %dma_start3A_143] : memref<10000x16xf32, #tpu.memory_space<vmem_shared>> -> memref<65x16xf32, #tpu.memory_space<vmem_shared>>
        tpu.enqueue_dma source(%dma_start3A_144 : memref<65x16xf32, #tpu.memory_space<vmem_shared>>) target(%dma_start3A_142 : memref<65x16xf32, #tpu.memory_space<hbm>>) target_semaphore(%run_scoped3A_141 : memref<!tpu.dma_semaphore, #tpu.memory_space<semaphore_mem>>)
        %dma_wait3A = arith.constant 0 : i32
        %dma_wait3A_145 = tpu.memref_slice %arg8[%add3A_140, %dma_wait3A] : memref<10000x16xf32, #tpu.memory_space<hbm>> -> memref<65x16xf32, #tpu.memory_space<hbm>>
        %dma_wait3A_146 = arith.constant 0 : i32
        %dma_wait3A_147 = tpu.memref_slice %arg19[%add3A_140, %dma_wait3A_146] : memref<10000x16xf32, #tpu.memory_space<vmem_shared>> -> memref<65x16xf32, #tpu.memory_space<vmem_shared>>
        tpu.wait_dma2 semaphore(%run_scoped3A_141 : memref<!tpu.dma_semaphore, #tpu.memory_space<semaphore_mem>>) src(%dma_wait3A_147 : memref<65x16xf32, #tpu.memory_space<vmem_shared>>) dst(%dma_wait3A_145 : memref<65x16xf32, #tpu.memory_space<hbm>>)
        tpu.yield
      }) : () -> ()
    } else {
    }
    return
  }
}

module attributes {stable_mosaic.version = 14 : i64} {
  func.func @_proj_body(%arg0: i32, %arg1: memref<1000x128xf32, #tpu.memory_space<vmem>>, %arg2: memref<1000x128xf32, #tpu.memory_space<vmem>>, %arg3: memref<128x128xf32, #tpu.memory_space<vmem>>, %arg4: memref<128x1xf32, #tpu.memory_space<vmem>>, %arg5: memref<128x1xf32, #tpu.memory_space<vmem>>, %arg6: memref<1000x128xf32, #tpu.memory_space<vmem>>, %arg7: memref<1000x128xbf16, #tpu.memory_space<vmem>>, %arg8: memref<1000x1xf32, #tpu.memory_space<vmem>>, %arg9: memref<1000x1xf32, #tpu.memory_space<vmem>>) attributes {dimension_semantics = [#tpu.dimension_semantics<arbitrary>], iteration_bounds = array<i64: 10>, scalar_prefetch = 0 : i64, scratch_operands = 0 : i64, tpu.core_type = #tpu.core_type<tc>, window_params = [{transform_indices = @transform_0, window_bounds = array<i64: 1000, 128>}, {transform_indices = @transform_1, window_bounds = array<i64: 1000, 128>}, {pipeline_mode = #tpu.pipeline_mode<synchronous>, transform_indices = @transform_2, window_bounds = array<i64: 128, 128>}, {pipeline_mode = #tpu.pipeline_mode<synchronous>, transform_indices = @transform_3, window_bounds = array<i64: 128, 1>}, {pipeline_mode = #tpu.pipeline_mode<synchronous>, transform_indices = @transform_4, window_bounds = array<i64: 128, 1>}, {transform_indices = @transform_5, window_bounds = array<i64: 1000, 128>}, {transform_indices = @transform_6, window_bounds = array<i64: 1000, 128>}, {transform_indices = @transform_7, window_bounds = array<i64: 1000, 1>}, {transform_indices = @transform_8, window_bounds = array<i64: 1000, 1>}]} {
    %get3A = arith.constant 0 : index
    %get3A_0 = arith.constant 0 : index
    %get3A_1 = vector.load %arg1[%get3A, %get3A_0] : memref<1000x128xf32, #tpu.memory_space<vmem>>, vector<1000x128xf32>
    %get3A_2 = arith.constant 0 : index
    %get3A_3 = arith.constant 0 : index
    %get3A_4 = vector.load %arg3[%get3A_2, %get3A_3] : memref<128x128xf32, #tpu.memory_space<vmem>>, vector<128x128xf32>
    %dot_general3A = arith.constant dense<0.000000e+00> : vector<1000x128xf32>
    %dot_general3A_5 = tpu.matmul %get3A_1, %get3A_4, %dot_general3A {dimension_numbers = #tpu.dot_dimension_numbers<[1], [0], [0], [1], [0, 0, 1, 1], [], []>, transpose_lhs_hint = false} : vector<1000x128xf32>, vector<128x128xf32>, vector<1000x128xf32> -> vector<1000x128xf32>
    %get3A_6 = arith.constant 0 : index
    %get3A_7 = arith.constant 0 : index
    %get3A_8 = vector.load %arg2[%get3A_6, %get3A_7] : memref<1000x128xf32, #tpu.memory_space<vmem>>, vector<1000x128xf32>
    %get3A_9 = arith.constant 0 : index
    %get3A_10 = arith.constant 0 : index
    %get3A_11 = vector.load %arg3[%get3A_9, %get3A_10] : memref<128x128xf32, #tpu.memory_space<vmem>>, vector<128x128xf32>
    %dot_general3A_12 = arith.constant dense<0.000000e+00> : vector<1000x128xf32>
    %dot_general3A_13 = tpu.matmul %get3A_8, %get3A_11, %dot_general3A_12 {dimension_numbers = #tpu.dot_dimension_numbers<[1], [0], [0], [1], [0, 0, 1, 1], [], []>, transpose_lhs_hint = false} : vector<1000x128xf32>, vector<128x128xf32>, vector<1000x128xf32> -> vector<1000x128xf32>
    %swap3A = arith.constant 0 : index
    %swap3A_14 = arith.constant 0 : index
    %swap3A_15 = vector.load %arg6[%swap3A, %swap3A_14] : memref<1000x128xf32, #tpu.memory_space<vmem>>, vector<1000x128xf32>
    tpu.vector_store %arg6[%swap3A, %swap3A_14], %dot_general3A_5 {strides = array<i32>} : memref<1000x128xf32, #tpu.memory_space<vmem>>, vector<1000x128xf32>,
    %convert_element_type3A = arith.truncf %dot_general3A_13 : vector<1000x128xf32> to vector<1000x128xbf16>
    %swap3A_16 = arith.constant 0 : index
    %swap3A_17 = arith.constant 0 : index
    %swap3A_18 = vector.load %arg7[%swap3A_16, %swap3A_17] : memref<1000x128xbf16, #tpu.memory_space<vmem>>, vector<1000x128xbf16>
    tpu.vector_store %arg7[%swap3A_16, %swap3A_17], %convert_element_type3A {strides = array<i32>} : memref<1000x128xbf16, #tpu.memory_space<vmem>>, vector<1000x128xbf16>,
    %get3A_19 = arith.constant 0 : index
    %get3A_20 = arith.constant 0 : index
    %get3A_21 = vector.load %arg4[%get3A_19, %get3A_20] : memref<128x1xf32, #tpu.memory_space<vmem>>, vector<128x1xf32>
    %dot_general3A_22 = arith.constant dense<0.000000e+00> : vector<1000x1xf32>
    %dot_general3A_23 = tpu.matmul %dot_general3A_5, %get3A_21, %dot_general3A_22 {dimension_numbers = #tpu.dot_dimension_numbers<[1], [0], [0], [1], [0, 0, 1, 1], [], []>, transpose_lhs_hint = false} : vector<1000x128xf32>, vector<128x1xf32>, vector<1000x1xf32> -> vector<1000x1xf32>
    %swap3A_24 = arith.constant 0 : index
    %swap3A_25 = arith.constant 0 : index
    %swap3A_26 = vector.load %arg8[%swap3A_24, %swap3A_25] : memref<1000x1xf32, #tpu.memory_space<vmem>>, vector<1000x1xf32>
    tpu.vector_store %arg8[%swap3A_24, %swap3A_25], %dot_general3A_23 {strides = array<i32>} : memref<1000x1xf32, #tpu.memory_space<vmem>>, vector<1000x1xf32>,
    %get3A_27 = arith.constant 0 : index
    %get3A_28 = arith.constant 0 : index
    %get3A_29 = vector.load %arg5[%get3A_27, %get3A_28] : memref<128x1xf32, #tpu.memory_space<vmem>>, vector<128x1xf32>
    %dot_general3A_30 = arith.constant dense<0.000000e+00> : vector<1000x1xf32>
    %dot_general3A_31 = tpu.matmul %dot_general3A_13, %get3A_29, %dot_general3A_30 {dimension_numbers = #tpu.dot_dimension_numbers<[1], [0], [0], [1], [0, 0, 1, 1], [], []>, transpose_lhs_hint = false} : vector<1000x128xf32>, vector<128x1xf32>, vector<1000x1xf32> -> vector<1000x1xf32>
    %swap3A_32 = arith.constant 0 : index
    %swap3A_33 = arith.constant 0 : index
    %swap3A_34 = vector.load %arg9[%swap3A_32, %swap3A_33] : memref<1000x1xf32, #tpu.memory_space<vmem>>, vector<1000x1xf32>
    tpu.vector_store %arg9[%swap3A_32, %swap3A_33], %dot_general3A_31 {strides = array<i32>} : memref<1000x1xf32, #tpu.memory_space<vmem>>, vector<1000x1xf32>,
    return
  }
  func.func @transform_0(%arg0: i32) -> (i32, i32) {
    %c0_i32 = arith.constant 0 : i32
    %c0_i32_0 = arith.constant 0 : i32
    return %arg0, %c0_i32 : i32, i32
  }
  func.func @transform_1(%arg0: i32) -> (i32, i32) {
    %c0_i32 = arith.constant 0 : i32
    %c0_i32_0 = arith.constant 0 : i32
    return %arg0, %c0_i32 : i32, i32
  }
  func.func @transform_2(%arg0: i32) -> (i32, i32) {
    %c0_i32 = arith.constant 0 : i32
    %c0_i32_0 = arith.constant 0 : i32
    %c0_i32_1 = arith.constant 0 : i32
    return %c0_i32, %c0_i32_0 : i32, i32
  }
  func.func @transform_3(%arg0: i32) -> (i32, i32) {
    %c0_i32 = arith.constant 0 : i32
    %c0_i32_0 = arith.constant 0 : i32
    %c0_i32_1 = arith.constant 0 : i32
    return %c0_i32, %c0_i32_0 : i32, i32
  }
  func.func @transform_4(%arg0: i32) -> (i32, i32) {
    %c0_i32 = arith.constant 0 : i32
    %c0_i32_0 = arith.constant 0 : i32
    %c0_i32_1 = arith.constant 0 : i32
    return %c0_i32, %c0_i32_0 : i32, i32
  }
  func.func @transform_5(%arg0: i32) -> (i32, i32) {
    %c0_i32 = arith.constant 0 : i32
    %c0_i32_0 = arith.constant 0 : i32
    return %arg0, %c0_i32 : i32, i32
  }
  func.func @transform_6(%arg0: i32) -> (i32, i32) {
    %c0_i32 = arith.constant 0 : i32
    %c0_i32_0 = arith.constant 0 : i32
    return %arg0, %c0_i32 : i32, i32
  }
  func.func @transform_7(%arg0: i32) -> (i32, i32) {
    %c0_i32 = arith.constant 0 : i32
    %c0_i32_0 = arith.constant 0 : i32
    return %arg0, %c0_i32 : i32, i32
  }
  func.func @transform_8(%arg0: i32) -> (i32, i32) {
    %c0_i32 = arith.constant 0 : i32
    %c0_i32_0 = arith.constant 0 : i32
    return %arg0, %c0_i32 : i32, i32
  }
}

module attributes {stable_mosaic.version = 14 : i64} {
  func.func @_final_body(%arg0: i32, %arg1: memref<2x1000x64xbf16, #tpu.memory_space<vmem>>, %arg2: memref<1000x16xf32, #tpu.memory_space<vmem>>, %arg3: memref<1000x128xf32, #tpu.memory_space<vmem>>, %arg4: memref<1000x128xf32, #tpu.memory_space<vmem>>) attributes {dimension_semantics = [#tpu.dimension_semantics<arbitrary>], iteration_bounds = array<i64: 10>, scalar_prefetch = 0 : i64, scratch_operands = 0 : i64, tpu.core_type = #tpu.core_type<tc>, window_params = [{transform_indices = @transform_0, window_bounds = array<i64: 2, 1000, 64>}, {transform_indices = @transform_1, window_bounds = array<i64: 1000, 16>}, {transform_indices = @transform_2, window_bounds = array<i64: 1000, 128>}, {transform_indices = @transform_3, window_bounds = array<i64: 1000, 128>}]} {
    %get3A = arith.constant 0 : index
    %get3A_0 = arith.constant 0 : index
    %get3A_1 = arith.constant 0 : index
    %get3A_2 = vector.load %arg1[%get3A, %get3A_0, %get3A_1] : memref<2x1000x64xbf16, #tpu.memory_space<vmem>>, vector<1x1000x64xbf16>
    %get3A_3 = vector.shape_cast %get3A_2 : vector<1x1000x64xbf16> to vector<1000x64xbf16>
    %get3A_4 = arith.constant 1 : index
    %get3A_5 = arith.constant 0 : index
    %get3A_6 = arith.constant 0 : index
    %get3A_7 = vector.load %arg1[%get3A_4, %get3A_5, %get3A_6] : memref<2x1000x64xbf16, #tpu.memory_space<vmem>>, vector<1x1000x64xbf16>
    %get3A_8 = vector.shape_cast %get3A_7 : vector<1x1000x64xbf16> to vector<1000x64xbf16>
    %concatenate3A = tpu.concatenate %get3A_3, %get3A_8 in 1 : vector<1000x64xbf16>, vector<1000x64xbf16> -> vector<1000x128xbf16>
    %convert_element_type3A = arith.extf %concatenate3A : vector<1000x128xbf16> to vector<1000x128xf32>
    %get3A_9 = arith.constant 0 : index
    %get3A_10 = arith.constant 0 : index
    %get3A_11 = vector.load %arg2[%get3A_9, %get3A_10] : memref<1000x16xf32, #tpu.memory_space<vmem>>, vector<1000x1xf32>
    %gt3A = arith.constant 0.000000e+00 : f32
    %gt3A_12 = vector.broadcast %gt3A : f32 to vector<1000x1xf32>
    %gt3A_13 = arith.cmpf ogt, %get3A_11, %gt3A_12 : vector<1000x1xf32>
    %jit3A = arith.constant 1.000000e+00 : f32
    %broadcast_in_dim3A = vector.broadcast %jit3A : f32 to vector<1000x1xf32>
    %select_n3A = arith.select %gt3A_13, %get3A_11, %broadcast_in_dim3A : vector<1000x1xi1>, vector<1000x1xf32>
    %div3A = vector.broadcast %select_n3A : vector<1000x1xf32> to vector<1000x128xf32>
    %div3A_14 = arith.divf %convert_element_type3A, %div3A : vector<1000x128xf32>
    %jit3A_15 = arith.constant 0.000000e+00 : f32
    %broadcast_in_dim3A_16 = vector.shape_cast %gt3A_13 : vector<1000x1xi1> to vector<1000x1xi1>
    %broadcast_in_dim3A_17 = vector.broadcast %broadcast_in_dim3A_16 : vector<1000x1xi1> to vector<1000x128xi1>
    %broadcast_in_dim3A_18 = vector.broadcast %jit3A_15 : f32 to vector<1000x128xf32>
    %select_n3A_19 = arith.select %broadcast_in_dim3A_17, %div3A_14, %broadcast_in_dim3A_18 : vector<1000x128xi1>, vector<1000x128xf32>
    %get3A_20 = arith.constant 0 : index
    %get3A_21 = arith.constant 0 : index
    %get3A_22 = vector.load %arg3[%get3A_20, %get3A_21] : memref<1000x128xf32, #tpu.memory_space<vmem>>, vector<1000x128xf32>
    %add3A = arith.addf %get3A_22, %select_n3A_19 : vector<1000x128xf32>
    %max3A = arith.constant 0.000000e+00 : f32
    %max3A_23 = vector.broadcast %max3A : f32 to vector<1000x128xf32>
    %max3A_24 = arith.maximumf %add3A, %max3A_23 : vector<1000x128xf32>
    %swap3A = arith.constant 0 : index
    %swap3A_25 = arith.constant 0 : index
    %swap3A_26 = vector.load %arg4[%swap3A, %swap3A_25] : memref<1000x128xf32, #tpu.memory_space<vmem>>, vector<1000x128xf32>
    tpu.vector_store %arg4[%swap3A, %swap3A_25], %max3A_24 {strides = array<i32>} : memref<1000x128xf32, #tpu.memory_space<vmem>>, vector<1000x128xf32>,
    return
  }
  func.func @transform_0(%arg0: i32) -> (i32, i32, i32) {
    %c0_i32 = arith.constant 0 : i32
    %c0_i32_0 = arith.constant 0 : i32
    %c0_i32_1 = arith.constant 0 : i32
    return %c0_i32, %arg0, %c0_i32_0 : i32, i32, i32
  }
  func.func @transform_1(%arg0: i32) -> (i32, i32) {
    %c0_i32 = arith.constant 0 : i32
    %c0_i32_0 = arith.constant 0 : i32
    return %arg0, %c0_i32 : i32, i32
  }
  func.func @transform_2(%arg0: i32) -> (i32, i32) {
    %c0_i32 = arith.constant 0 : i32
    %c0_i32_0 = arith.constant 0 : i32
    return %arg0, %c0_i32 : i32, i32
  }
  func.func @transform_3(%arg0: i32) -> (i32, i32) {
    %c0_i32 = arith.constant 0 : i32
    %c0_i32_0 = arith.constant 0 : i32
    return %arg0, %c0_i32 : i32, i32
  }
}

</mosaic_0001>

<sc_bundles>
// kernel: kernel.5.cloned.1.call-start
scs
__scs_entry_jumppad:
0x0: {  	(pc) =	sbr.rel $0x88, $3  }
0x1: {  	(tag) =	ssettag $0x0;
	lr =	simm.s32 $0x1  }
0x2: {  	[smem:$0x3F9A] =	sst lr;
	_ =	strace $0xD0000000  }
0x3: {  	_ = 	snop  }
0x4: {  	_ = 	snop  }
0x5: {  	_ = 	snop  }
0x6: {  	_ = 	snop  }
0x7: {  	_ = 	snop  }
__scs_overlays_trampoline_lowered:
0x8: {  	[smem:$0x3FA9] =	sst s0  }
0x9: {  	[smem:$0x3FAA] =	sst s1  }
0xa: {  	[smem:$0x3FAB] =	sst s2  }
0xb: {  	[smem:$0x3FAC] =	sst s3  }
0xc: {  	[smem:$0x3FAD] =	sst s4  }
0xd: {  	[smem:$0x3FAE] =	sst s5  }
0xe: {  	[smem:$0x3FAF] =	sst s6  }
0xf: {  	[smem:$0x3FB0] =	sst s7  }
0x10: {  	[smem:$0x3FB1] =	sst s8  }
0x11: {  	[smem:$0x3FB2] =	sst s9;
	s0 =	simm.s32 @!p0 $0x0  }
0x12: {  	s1 =	sld [smem:$0x3F98];
	s0 =	simm.s32 @p0 $0x1  }
0x13: {  	[smem:$0x3FB3] =	sst s0;
	s0 =	simm.s32 @!p1 $0x0  }
0x14: {  	s2 =	sld [smem:$0x3F97];
	s0 =	simm.s32 @p1 $0x1  }
0x15: {  	[smem:$0x3FB4] =	sst s0;
	s0 =	simm.s32 @!p2 $0x0  }
0x16: {  	s3 =	sld [smem:$0x3FDB];
	s0 =	simm.s32 @p2 $0x1  }
0x17: {  	s4 =	simm.s32 $0x1BF5;
	[smem:$0x3FB6] =	sst s0  }
0x18: {  	s0 =	sld [smem:$0x3F99];
	_ =	swait.ge [sflag:s4], $0x0  }
0x19: {  	s7 =	sld [smem:$0x3F9A]  }
0x1a: {  	s8 =	sadd.s32 $0xFFFFE003, lr  }
0x1b: {  	s9 =	sadd.s32 $0xFFFFFEF7, lr;
	s5 =	simm.s32 $0xFFFFFFFF;
	p2 =	slt.u32 s8, $0xFFFFF086  }
0x1c: {  	p1 =	slt.u32 s9, $0xF7A;
	s5 =	simm.s32 @!p2 $0x0  }
0x1d: {  	s5 =	simm.s32 @p1 $0x1;
	p0 =	seq.s32 s7, s2  }
0x1e: {  	s7 =	smul.u32 @!p0 $0xF7A, s2;
	p2 =	seq.s32 @!p0 s5, $0x0  }
0x1f: {  	s9 =	smul.u32 $0xF7A, s1;
	s8 =	simm.s32 @!p0 $0x1BF5;
	p2 =	por !p2, p0  }
0x20: {  	[sflag:s8] =	ssyncset.s32 @!p0 $0xFFFFF086;
	s6 =	sadd.s32 @!p0 s3, s7;
	s7 =	simm.s32 @!p0 $0x108  }
0x21: {  	s3 =	sadd.s32 s3, s9;
	s6 =	sadd.s32 @!p0 $0x88, s6;
	s7 =	simm.s32 @p2 $0x1082  }
0x22: {  	[simem:s7], [sflag:s8] =	dma.local @!p0 [hbm:s6], $0xF7A  }
0x23: {  	s9 =	sor.u32 $0xD0000000, s2;
	s6 =	simm.s32 $0x108;
	_ =	swait.ge @!p0 [sflag:s8], $0x0  }
0x24: {  	s3 =	sadd.s32 $0x88, s3;
	s6 =	simm.s32 @!p1 $0x1082;
	[sflag:s4] =	ssyncset.s32 $0xFFFFF086  }
0x25: {  	[simem:s6], [sflag:s4] =	dma.local [hbm:s3], $0xF7A  }
0x26: {  	[smem:$0x3F9A] =	sst s1;
	(tag) =	ssettag s2;
	_ =	strace s9  }
0x27: {  	s1 =	sld [smem:$0x3FAA]  }
0x28: {  	s2 =	sld [smem:$0x3FAB]  }
0x29: {  	s4 =	sld [smem:$0x3FAD]  }
0x2a: {  	p0 =	seq.s32 s5, $0x0;
	s5 =	sld [smem:$0x3FAE]  }
0x2b: {  	s6 =	sld [smem:$0x3FAF]  }
0x2c: {  	s7 =	sld [smem:$0x3FB0]  }
0x2d: {  	s3 =	simm.s32 $0x108;
	s8 =	sld [smem:$0x3FB1]  }
0x2e: {  	s3 =	simm.s32 @!p0 $0x1082;
	s9 =	sld [smem:$0x3FB2]  }
0x2f: {  	lr =	sadd.s32 s0, s3;
	s0 =	sld [smem:$0x3FA9]  }
0x30: {  	s3 =	sld [smem:$0x3FAC]  }
0x31: {  	[smem:$0x3FB5] =	sst s10  }
0x32: {  	s10 =	sld [smem:$0x3FB3];
	_ =	sdelay $0x3  }
0x33: {  	p0 =	seq.s32 s10, $0x1;
	s10 =	sld [smem:$0x3FB5];
	_ =	sdelay $0x3  }
0x34: {  	[smem:$0x3FB5] =	sst s10  }
0x35: {  	s10 =	sld [smem:$0x3FB4];
	_ =	sdelay $0x3  }
0x36: {  	p1 =	seq.s32 s10, $0x1;
	s10 =	sld [smem:$0x3FB5];
	_ =	sdelay $0x3  }
0x37: {  	[smem:$0x3FB5] =	sst s10  }
0x38: {  	s10 =	sld [smem:$0x3FB6]  }
0x39: {  	_ = 	snop;
	(pc) =	sbr.ind lr, $3  }
0x3a: {  	_ = 	snop  }
0x3b: {  	_ = 	snop  }
0x3c: {  	p2 =	seq.s32 s10, $0x1;
	s10 =	sld [smem:$0x3FB5]  }
0x3d: {  	_ =	shalt  }
0x3e: {  	_ =	shalt  }
0x3f: {  	_ =	shalt  }
0x40: {  	_ =	shalt  }
0x41: {  	_ =	shalt  }
0x42: {  	_ =	shalt  }
0x43: {  	_ =	shalt  }
0x44: {  	_ =	shalt  }
0x45: {  	_ =	shalt  }
0x46: {  	_ =	shalt  }
0x47: {  	_ =	shalt  }
0x48: {  	_ =	shalt  }
0x49: {  	_ =	shalt  }
0x4a: {  	_ =	shalt  }
0x4b: {  	_ =	shalt  }
0x4c: {  	_ =	shalt  }
0x4d: {  	_ =	shalt  }
0x4e: {  	_ =	shalt  }
0x4f: {  	_ =	shalt  }
0x50: {  	_ =	shalt  }
0x51: {  	_ =	shalt  }
0x52: {  	_ =	shalt  }
0x53: {  	_ =	shalt  }
0x54: {  	_ =	shalt  }
0x55: {  	_ =	shalt  }
0x56: {  	_ =	shalt  }
0x57: {  	_ =	shalt  }
0x58: {  	_ =	shalt  }
0x59: {  	_ =	shalt  }
0x5a: {  	_ =	shalt  }
0x5b: {  	_ =	shalt  }
0x5c: {  	_ =	shalt  }
0x5d: {  	_ =	shalt  }
0x5e: {  	_ =	shalt  }
0x5f: {  	_ =	shalt  }
0x60: {  	_ =	shalt  }
0x61: {  	_ =	shalt  }
0x62: {  	_ =	shalt  }
0x63: {  	_ =	shalt  }
0x64: {  	_ =	shalt  }
0x65: {  	_ =	shalt  }
0x66: {  	_ =	shalt  }
0x67: {  	_ =	shalt  }
0x68: {  	_ =	shalt  }
0x69: {  	_ =	shalt  }
0x6a: {  	_ =	shalt  }
0x6b: {  	_ =	shalt  }
0x6c: {  	_ =	shalt  }
0x6d: {  	_ =	shalt  }
0x6e: {  	_ =	shalt  }
0x6f: {  	_ =	shalt  }
0x70: {  	_ =	shalt  }
0x71: {  	_ =	shalt  }
0x72: {  	_ =	shalt  }
0x73: {  	_ =	shalt  }
0x74: {  	_ =	shalt  }
0x75: {  	_ =	shalt  }
0x76: {  	_ =	shalt  }
0x77: {  	_ =	shalt  }
0x78: {  	_ =	shalt  }
0x79: {  	_ =	shalt  }
0x7a: {  	_ =	shalt  }
0x7b: {  	_ =	shalt  }
0x7c: {  	_ =	shalt  }
0x7d: {  	_ =	shalt  }
0x7e: {  	_ =	shalt  }
0x7f: {  	_ =	shalt  }
0x80: {  	_ =	shalt  }
0x81: {  	_ =	shalt  }
0x82: {  	_ =	shalt  }
0x83: {  	_ =	shalt  }
0x84: {  	_ =	shalt  }
0x85: {  	_ =	shalt  }
0x86: {  	_ =	shalt  }
0x87: {  	_ =	shalt  }
.Lfunc_end0:
.L_simem_size_0:
called_computation_lowered:
.L_overlay_start_0:
0x88: {  	s2 =	sld [smem:$0x3FD9]  }
0x89: {  	s3 =	sld [smem:$0x3FFE];
	_ =	sdelay $0x1  }
0x8a: {  	s1 =	srdreg.scid  }
0x8b: {  	s0 =	sand.u32 $0x1, s1  }
0x8c: {  	s17 =	sshll.u32 s0, $0xA;
	s2 =	sadd.s32 s3, s2  }
0x8d: {  	s2 =	sadd.s32 s2, s17  }
0x8e: {  	[smem:$0x3FC1] =	sst s2  }
0x8f: {  	_ = 	snop  }
0x90: {  	s2 =	sld [smem:$0x3FC7]  }
0x91: {  	s18 =	sld [smem:$0x3FC6]  }
0x92: {  	s4 =	sld [smem:$0x3FD0];
	(tm) =	ssettm $0x1  }
0x93: {  	s5 =	sld [smem:$0x3FFB];
	_ =	sdelay $0x3  }
0x94: {  	_ =	strace s5  }
0x95: {  	s5 =	sld [smem:$0x3FFC];
	_ =	sdelay $0x3  }
0x96: {  	_ =	strace s5  }
0x97: {  	s5 =	sld [smem:$0x3FFD];
	_ =	sdelay $0x3  }
0x98: {  	_ =	strace s5  }
0x99: {  	_ =	strace $0x8FFFFFFF  }
0x9a: {  	s19 =	sld [smem:$0x3FDB];
	_ =	sdelay $0x1  }
0x9b: {  	s6 =	simm.s32 $_scs_section_size  }
0x9c: {  	s7 =	simm.s32 $_size__tile_overlayer_lowered;
	s8 =	simm.s32 $_tile_overlayer_lowered  }
0x9d: {  	s22 =	simm.s32 $0x1BFF;
	s21 =	sshll.u32 s8, $0x1;
	s5 =	sadd.s32 s6, s19  }
0x9e: {  	s9 =	simm.s32 $0x0;
	s20 =	sshll.u32 s7, $0x1;
	s7 =	sadd.s32 s21, s5  }
0x9f: {  	[timem:s9], [sflag:s22] =	dma.local [hbm:s7], s20  }
0xa0: {  	_ =	swait.ge [sflag:s22], s20  }
0xa1: {  	s6 =	ssub.s32 $0x0, s20;
	[sflag:s22] =	ssyncset.done $0x0  }
0xa2: {  	[sflag:s22] =	ssyncadd.s32 s6;
	_ =	sdelay $0x1  }
0xa3: {  	s23 =	simm.s32 $0x1B8B  }
0xa4: {  	_ =	swait.ge [sflag:s23], $0x1  }
0xa5: {  	[sflag:s23] =	ssyncset.done $0x0  }
0xa6: {  	s25 =	simm.s32 $0x1B8E;
	s24 =	sld [smem:$0x3FFE];
	[sflag:s23] =	ssyncadd.s32 $0xFFFFFFFF  }
0xa7: {  	s26 =	simm.s32 $execute0_lowered;
	[smem:$0x3FD2] =	sst s25  }
0xa8: {  	s7 =	sshll.u32 s26, $0x1;
	_ =	strace $0x80000046;
	[dreg:$0x1] =	wrdreg $0xFFFFFFFF  }
0xa9: {  	s28 =	simm.s32 $_size_execute0_lowered;
	s5 =	sadd.s32 s5, s7;
	[dreg:$0x0] =	wrdreg $0x0  }
0xaa: {  	s7 =	sshll.u32 s28, $0x1;
	[dreg:$0x2] =	wrdreg s5  }
0xab: {  	[dreg:$0x3] =	wrdreg s7  }
0xac: {  	[dreg:$0x4] =	wrdreg $0xC0  }
0xad: {  	_ =	task [dreg:s9], $0x5FFFF  }
0xae: {  	[dreg:$0x1] =	wrdreg $0xFFFFFFFF  }
0xaf: {  	[dreg:$0x0] =	wrdreg $0x60  }
0xb0: {  	[dreg:$0x2] =	wrdreg s24  }
0xb1: {  	[dreg:$0x3] =	wrdreg s2  }
0xb2: {  	[dreg:$0x4] =	wrdreg s18  }
0xb3: {  	[dreg:$0x5] =	wrdreg s4  }
0xb4: {  	[dreg:$0x6] =	wrdreg $0x17ED00  }
0xb5: {  	[dreg:$0x7] =	wrdreg $0x1CCF00  }
0xb6: {  	[dreg:$0x8] =	wrdreg $0x9  }
0xb7: {  	_ =	task.clear_ibuf [dreg:s9], $0x9FFFF;
	_ =	strace $0x90000046  }
0xb8: {  	s29 =	simm.s32 $0x9;
	_ =	strace $0x80000048  }
0xb9: {  	_ =	swait.ge [sflag:s29], $0x1  }
0xba: {  	[sflag:s29] =	ssyncadd.s32 $0xFFFFFFFF  }
0xbb: {  	_ =	strace $0x90000048  }
0xbc: {  	_ =	sfence  }
0xbd: {  	s30 =	sld [smem:$0x0];
	_ =	sdelay $0x2  }
0xbe: {  	s31 =	sshll.u32 s1, $0xD;
	s1 =	sshrl.u32 s1, $0x2  }
0xbf: {  	s3 =	sand.u32 $0x4000, s31;
	s1 =	sadd.s32 s1, s30  }
0xc0: {  	s0 =	sor.u32 s3, s0;
	s1 =	sshll.u32 s1, $0x11  }
0xc1: {  	s0 =	sor.u32 s1, s0  }
0xc2: {  	s0 =	sadd.s32 $0x8F2B, s0  }
0xc3: {  	[sflag:s0] =	ssyncadd.remote.s32 $0x1  }
0xc4: {  	_ =	sfence.sel $0xFFFF  }
0xc5: {  	[dreg:$0x0] =	wrdreg $0xFFFFFFFF;
	(pc) =	sbr.abs _section_cstart, $3  }
0xc6: {  	[dreg:$0x1] =	wrdreg $0xFFFFFFFF  }
0xc7: {  	_ =	task.clear_ibuf [dreg:s9], $0x2FFFF;
	_ =	strace $0x9FFFFFFF  }
0xc8: {  	(tm) =	ssettm $0x7FFFFFFF  }
0xc9: {  	_ =	shalt  }
tec
execute0_lowered:
.L_overlay_start_1:
0x0: {  	(tag) =	ssettag $0x1  }
0x1: {  	s0 =	srdreg.scid  }
0x2: {  	s21 =	stileid.u32;
	s10 =	rddreg [dreg:$0x1]  }
0x3: {  	s5 =	rddreg [dreg:$0x2];
	s1 =	sand.u32 $0x1, s0;
	s3 =	smul.u32 $0x9C4, s21  }
0x4: {  	s0 =	rddreg [dreg:$0x0];
	s11 =	smul.u32 $0x271, s21;
	s2 =	ssub.s32 $0x2, s1  }
0x5: {  	s13 =	sadd.s32 $0x1000, s0;
	s18 =	smul.u32 $0x9C400, s1;
	p0 =	sne.s32 s1, $0x0  }
0x6: {  	s4 =	sshrl.u32 s2, $0x1;
	s24 =	sadd.s32 s5, s3;
	s14 =	sadd.s32 $0x50, s11  }
0x7: {  	s15 =	sadd.s32 $0xA0, s11;
	s16 =	sadd.s32 $0xF0, s11;
	s17 =	sadd.s32 $0x140, s11  }
0x8: {  	s19 =	sadd.s32 $0x190, s11;
	s20 =	sadd.s32 $0x1E0, s11;
	s22 =	sadd.s32 $0x230, s11  }
0x9: {  	s3 =	sadd.s32 s10, s3;
	s4 =	ssub.s32 s2, s4;
	[dreg:$0x7] =	wrdreg s24  }
0xa: {  	s2 =	smul.u32 $0x9C40, s21;
	s5 =	sshll.u32 s14, $0x6;
	s6 =	sshll.u32 s15, $0x6  }
0xb: {  	s7 =	sshll.u32 s16, $0x6;
	s8 =	sshll.u32 s17, $0x6;
	s9 =	sshll.u32 s19, $0x6  }
0xc: {  	[dreg:$0x8] =	wrdreg s3;
	s26 =	sadd.s32 s18, s5;
	s12 =	sadd.s32 s2, s18  }
0xd: {  	s24 =	sadd.s32 s18, s6;
	s23 =	sshrl.u32 s26, $0x4;
	s25 =	sshrl.u32 s12, $0x4  }
0xe: {  	s26 =	sadd.s32 s18, s8;
	s3 =	sadd.s32 s13, s23;
	s11 =	sadd.s32 s13, s25  }
0xf: {  	[dreg:$0xa] =	wrdreg s3;
	s25 =	sadd.s32 s18, s7;
	s3 =	sshrl.u32 s24, $0x4  }
0x10: {  	[dreg:$0x9] =	wrdreg s11;
	s10 =	sshrl.u32 s25, $0x4;
	s3 =	sadd.s32 s13, s3  }
0x11: {  	s12 =	sshrl.u32 s26, $0x4;
	[dreg:$0xb] =	wrdreg s3;
	s10 =	sadd.s32 s13, s10  }
0x12: {  	s23 =	sadd.s32 s18, s9;
	s3 =	sadd.s32 s13, s12;
	[dreg:$0xc] =	wrdreg s10  }
0x13: {  	s12 =	sshll.u32 s22, $0x6;
	[dreg:$0xd] =	wrdreg s3;
	s10 =	sshll.u32 s20, $0x6  }
0x14: {  	s3 =	sshrl.u32 s23, $0x4;
	s23 =	smul.u32 $0x2710, s21;
	s20 =	sshll.u32 s20, $0x1  }
0x15: {  	s24 =	sadd.s32 s18, s10;
	s18 =	sadd.s32 s18, s12;
	s3 =	sadd.s32 s13, s3  }
0x16: {  	s11 =	sshrl.u32 s24, $0x4;
	[dreg:$0xe] =	wrdreg s3;
	s26 =	sshrl.u32 s18, $0x4  }
0x17: {  	s18 =	sadd.s32 $0x14A00, s0;
	s21 =	sshrl.u32 s23, $0x3;
	s25 =	sadd.s32 s13, s11  }
0x18: {  	s24 =	sshll.u32 s14, $0x1;
	s3 =	sadd.s32 s13, s26;
	[dreg:$0xf] =	wrdreg s25  }
0x19: {  	s11 =	simm.s32 $0x0;
	s21 =	sadd.s32 s18, s21;
	[dreg:$0x10] =	wrdreg s3  }
0x1a: {  	s26 =	sshll.u32 s16, $0x1;
	s16 =	sshll.u32 s19, $0x1;
	[smem:$0x7FF] =	sst s11  }
0x1b: {  	[dreg:$0x11] =	wrdreg s21;
	s25 =	sshll.u32 s15, $0x1;
	s3 =	sadd.s32 s18, s24  }
0x1c: {  	s14 =	sadd.s32 s18, s26;
	s15 =	sshll.u32 s17, $0x1;
	s17 =	rddreg [dreg:$0x3]  }
0x1d: {  	s19 =	sadd.s32 s18, s16;
	s21 =	rddreg [dreg:$0x4];
	s24 =	sshll.u32 s22, $0x1  }
0x1e: {  	s22 =	rddreg [dreg:$0x5];
	s26 =	sadd.s32 $0x400, s0;
	s0 =	sadd.s32 $0xA00, s0  }
0x1f: {  	s16 =	sshrl.u32 s8, $0x1;
	s8 =	sshrl.u32 s8, $0x2;
	[dreg:$0x12] =	wrdreg s3  }
0x20: {  	s13 =	sadd.s32 s18, s25;
	[dreg:$0x14] =	wrdreg s14;
	s3 =	sadd.s32 s18, s15  }
0x21: {  	[dreg:$0x16] =	wrdreg s19;
	s25 =	sadd.s32 s18, s24;
	s14 =	sshrl.u32 s6, $0x1  }
0x22: {  	s15 =	sshrl.u32 s7, $0x1;
	s30 =	sadd.s32 s16, s21;
	s19 =	sshrl.u32 s2, $0x2  }
0x23: {  	s24 =	sshrl.u32 s10, $0x1;
	s6 =	sshrl.u32 s6, $0x2;
	[dreg:$0x13] =	wrdreg s13  }
0x24: {  	s7 =	sshrl.u32 s7, $0x2;
	s10 =	sshrl.u32 s10, $0x2;
	[dreg:$0x15] =	wrdreg s3  }
0x25: {  	s3 =	sadd.s32 s18, s20;
	[dreg:$0x18] =	wrdreg s25;
	s13 =	sshrl.u32 s5, $0x1  }
0x26: {  	s28 =	sadd.s32 s14, s21;
	s18 =	sshrl.u32 s9, $0x1;
	s29 =	sadd.s32 s15, s21  }
0x27: {  	s25 =	sshrl.u32 s12, $0x1;
	s14 =	sadd.s32 s19, s22;
	[dreg:$0x17] =	wrdreg s3  }
0x28: {  	s5 =	sshrl.u32 s5, $0x2;
	_ =	strace $0x80000047;
	[dreg:$0x19] =	wrdreg s26  }
0x29: {  	s3 =	sshrl.u32 s2, $0x1;
	s2 =	sadd.s32 s24, s21;
	[dreg:$0x1a] =	wrdreg s0  }
0x2a: {  	s16 =	sadd.s32 s6, s22;
	s9 =	sshrl.u32 s9, $0x2;
	[dreg:$0x1b] =	wrdreg s2  }
0x2b: {  	s19 =	sadd.s32 s8, s22;
	s15 =	sadd.s32 s5, s22;
	[dreg:$0x1d] =	wrdreg s14  }
0x2c: {  	s10 =	sadd.s32 s10, s22;
	s12 =	sshrl.u32 s12, $0x2;
	[dreg:$0x1e] =	wrdreg s15  }
0x2d: {  	s31 =	sadd.s32 s18, s21;
	s18 =	sadd.s32 s7, s22;
	[dreg:$0x1f] =	wrdreg s16  }
0x2e: {  	s24 =	sadd.s32 s9, s22;
	s12 =	sadd.s32 s12, s22;
	[smem:$0x7F9] =	sst s18  }
0x2f: {  	s20 =	sadd.s32 s3, s21;
	s26 =	sadd.s32 s13, s21;
	[smem:$0x7FA] =	sst s19  }
0x30: {  	s3 =	sadd.s32 s25, s21;
	[smem:$0x7FB] =	sst s24;
	s13 =	sadd.s32 s23, s22  }
0x31: {  	s25 =	smax.u32 s4, $0x1;
	s15 =	simm.s32 $0x4;
	s16 =	simm.s32 $0x14E60  }
0x32: {  	s18 =	simm.s32 $0x50;
	s19 =	simm.s32 $0x2710;
	[dreg:$0x1c] =	wrdreg s3  }
0x33: {  	s23 =	simm.s32 $0x1;
	[smem:$0x7FC] =	sst s25;
	s0 =	sshrl.u32 @!p0 s13, $0x3  }
0x34: {  	v1 =	vimm.bf16 $0.0e+00;
	v2 =	vimm.f32 $0.0e+00;
	v0 =	vmov s1;
	s24 =	simm.s32 $0x2;
	s25 =	simm.s32 $0x0;
	[smem:$0x7FD] =	sst s0  }
.LBB2_1:
0x35: {  	s0 =	rddreg [dreg:$0x7];
	s2 =	simm.s32 $0x9C40  }
0x36: {  	[tilespmem:s2], [sflag:$0x4] =	stream.linear.gather [hbm4b:s0+s11], $0x4E20, $0x38;
	[tilespmem:$0x1F400] =	vst v63  }
0x37: {  	_ =	swait.ge [sflag:s15], $0x4E20  }
0x38: {  	[sflag:s15] =	ssyncset.done $0x0  }
0x39: {  	s4 =	simm.s32 $0x14E70;
	[sflag:s15] =	ssyncadd.s32 $0xFFFFB1E0  }
0x3a: {  	[tilespmem:s4+$0xFFFFFFF0] =	vst v1  }
0x3b: {  	s13 =	simm.s32 $0x40;
	s14 =	simm.s32 $0x0;
	[tilespmem:s4+$0x0] =	vst v1  }
.LBB2_2:
0x3c: {  	p1 =	sne.s32 s13, $0x13C0  }
0x3d: {  	[tilespmem:s14+$0x16FD0] =	vst v2;
	s4 =	sadd.s32 $0x20, s4;
	s14 =	smov.u32 s13;
	s13 =	sadd.s32 $0x40, s13  }
.Ltmp0:
0x3e: {  	[tilespmem:s4+$0xFFFFFFF0] =	vst v1;
	(pc) =	sbr.rel @p1 .LBB2_2-.Ltmp0, $2  }
0x3f: {  	_ =	sdelay $0x2  }
0x40: {  	s14 =	sshra.s32 s14, $0x2;
	[tilespmem:s4+$0x0] =	vst v1  }
0x41: {  	[tilespmem:s14+$0x16FD0] =	vst v2  }
0x42: {  	[spmem:s20] =	stream.linear.scatter [tilespmem:s16], [sflag:$0x4], $0xA00, $0x38;
	[tilespmem:$0x1F400] =	vst v63  }
0x43: {  	_ =	swait.ge [sflag:s15], $0xA00  }
0x44: {  	[sflag:s15] =	ssyncset.done $0x0  }
0x45: {  	[sflag:s15] =	ssyncadd.s32 $0xFFFFF600  }
0x46: {  	[spmem:s26] =	stream.linear.scatter [tilespmem:s16], [sflag:$0x4], $0xA00, $0x38;
	[tilespmem:$0x1F400] =	vst v63  }
0x47: {  	_ =	swait.ge [sflag:s15], $0xA00  }
0x48: {  	[sflag:s15] =	ssyncset.done $0x0  }
0x49: {  	[sflag:s15] =	ssyncadd.s32 $0xFFFFF600  }
0x4a: {  	[spmem:s28] =	stream.linear.scatter [tilespmem:s16], [sflag:$0x4], $0xA00, $0x38;
	[tilespmem:$0x1F400] =	vst v63  }
0x4b: {  	_ =	swait.ge [sflag:s15], $0xA00  }
0x4c: {  	[sflag:s15] =	ssyncset.done $0x0  }
0x4d: {  	[sflag:s15] =	ssyncadd.s32 $0xFFFFF600  }
0x4e: {  	[spmem:s29] =	stream.linear.scatter [tilespmem:s16], [sflag:$0x4], $0xA00, $0x38;
	[tilespmem:$0x1F400] =	vst v63  }
0x4f: {  	_ =	swait.ge [sflag:s15], $0xA00  }
0x50: {  	[sflag:s15] =	ssyncset.done $0x0  }
0x51: {  	[sflag:s15] =	ssyncadd.s32 $0xFFFFF600  }
0x52: {  	[spmem:s30] =	stream.linear.scatter [tilespmem:s16], [sflag:$0x4], $0xA00, $0x38;
	[tilespmem:$0x1F400] =	vst v63  }
0x53: {  	_ =	swait.ge [sflag:s15], $0xA00  }
0x54: {  	[sflag:s15] =	ssyncset.done $0x0  }
0x55: {  	[sflag:s15] =	ssyncadd.s32 $0xFFFFF600  }
0x56: {  	[spmem:s31] =	stream.linear.scatter [tilespmem:s16], [sflag:$0x4], $0xA00, $0x38;
	[tilespmem:$0x1F400] =	vst v63  }
0x57: {  	_ =	swait.ge [sflag:s15], $0xA00  }
0x58: {  	[sflag:s15] =	ssyncset.done $0x0  }
0x59: {  	s0 =	rddreg [dreg:$0x1b];
	[sflag:s15] =	ssyncadd.s32 $0xFFFFF600  }
0x5a: {  	[spmem:s0] =	stream.linear.scatter [tilespmem:s16], [sflag:$0x4], $0xA00, $0x38;
	[tilespmem:$0x1F400] =	vst v63  }
0x5b: {  	_ =	swait.ge [sflag:s15], $0xA00  }
0x5c: {  	[sflag:s15] =	ssyncset.done $0x0  }
0x5d: {  	s8 =	smov.u32 s30;
	s30 =	rddreg [dreg:$0x1c];
	[sflag:s15] =	ssyncadd.s32 $0xFFFFF600  }
0x5e: {  	[spmem:s30] =	stream.linear.scatter [tilespmem:s16], [sflag:$0x4], $0x820, $0x38;
	[tilespmem:$0x1F400] =	vst v63  }
0x5f: {  	_ =	swait.ge [sflag:s15], $0x820  }
0x60: {  	s4 =	simm.s32 @!p0 $0x16FD0;
	[sflag:s15] =	ssyncset.done $0x0  }
0x61: {  	s13 =	simm.s32 @!p0 $0x4;
	s0 =	rddreg [dreg:$0x1d];
	[sflag:s15] =	ssyncadd.s32 $0xFFFFF7E0  }
0x62: {  	[spmem:s0] =	stream.linear.scatter @!p0 [tilespmem:s4], [sflag:$0x4], $0x500, $0x38;
	[tilespmem:$0x1F400] =	vst v63  }
0x63: {  	_ =	swait.ge @!p0 [sflag:s13], $0x500  }
0x64: {  	[sflag:s13] =	ssyncset.done @!p0 $0x0  }
0x65: {  	s0 =	rddreg [dreg:$0x1e];
	[sflag:s13] =	ssyncadd.s32 @!p0 $0xFFFFFB00  }
0x66: {  	[spmem:s0] =	stream.linear.scatter @!p0 [tilespmem:s4], [sflag:$0x4], $0x500, $0x38;
	[tilespmem:$0x1F400] =	vst v63  }
0x67: {  	_ =	swait.ge @!p0 [sflag:s13], $0x500  }
0x68: {  	[sflag:s13] =	ssyncset.done @!p0 $0x0  }
0x69: {  	s0 =	rddreg [dreg:$0x1f];
	[sflag:s13] =	ssyncadd.s32 @!p0 $0xFFFFFB00  }
0x6a: {  	[spmem:s0] =	stream.linear.scatter @!p0 [tilespmem:s4], [sflag:$0x4], $0x500, $0x38;
	[tilespmem:$0x1F400] =	vst v63  }
0x6b: {  	_ =	swait.ge @!p0 [sflag:s13], $0x500  }
0x6c: {  	s0 =	sld [smem:$0x7F9]  }
0x6d: {  	[sflag:s13] =	ssyncset.done @!p0 $0x0  }
0x6e: {  	[sflag:s13] =	ssyncadd.s32 @!p0 $0xFFFFFB00  }
0x6f: {  	[spmem:s0] =	stream.linear.scatter @!p0 [tilespmem:s4], [sflag:$0x4], $0x500, $0x38;
	[tilespmem:$0x1F400] =	vst v63  }
0x70: {  	_ =	swait.ge @!p0 [sflag:s13], $0x500  }
0x71: {  	s0 =	sld [smem:$0x7FA]  }
0x72: {  	[sflag:s13] =	ssyncset.done @!p0 $0x0  }
0x73: {  	[sflag:s13] =	ssyncadd.s32 @!p0 $0xFFFFFB00  }
0x74: {  	[spmem:s0] =	stream.linear.scatter @!p0 [tilespmem:s4], [sflag:$0x4], $0x500, $0x38;
	[tilespmem:$0x1F400] =	vst v63  }
0x75: {  	_ =	swait.ge @!p0 [sflag:s13], $0x500  }
0x76: {  	s0 =	sld [smem:$0x7FB]  }
0x77: {  	[sflag:s13] =	ssyncset.done @!p0 $0x0  }
0x78: {  	[sflag:s13] =	ssyncadd.s32 @!p0 $0xFFFFFB00  }
0x79: {  	[spmem:s0] =	stream.linear.scatter @!p0 [tilespmem:s4], [sflag:$0x4], $0x500, $0x38;
	[tilespmem:$0x1F400] =	vst v63  }
0x7a: {  	_ =	swait.ge @!p0 [sflag:s13], $0x500  }
0x7b: {  	[sflag:s13] =	ssyncset.done @!p0 $0x0  }
0x7c: {  	[sflag:s13] =	ssyncadd.s32 @!p0 $0xFFFFFB00  }
0x7d: {  	[spmem:s10] =	stream.linear.scatter @!p0 [tilespmem:s4], [sflag:$0x4], $0x500, $0x38;
	[tilespmem:$0x1F400] =	vst v63  }
0x7e: {  	_ =	swait.ge @!p0 [sflag:s13], $0x500  }
0x7f: {  	[sflag:s13] =	ssyncset.done @!p0 $0x0  }
0x80: {  	[sflag:s13] =	ssyncadd.s32 @!p0 $0xFFFFFB00  }
0x81: {  	[spmem:s12] =	stream.linear.scatter @!p0 [tilespmem:s4], [sflag:$0x4], $0x410, $0x38;
	[tilespmem:$0x1F400] =	vst v63  }
0x82: {  	_ =	swait.ge @!p0 [sflag:s13], $0x410  }
0x83: {  	[sflag:s13] =	ssyncset.done @!p0 $0x0  }
0x84: {  	[sflag:s13] =	ssyncadd.s32 @!p0 $0xFFFFFBF0  }
0x85: {  	[bflag:$0x0] =	sbarrier.arrive $0xFFFF  }
0x86: {  	v3 =	vld [tilespmem:$0x9C40]  }
0x87: {  	v4 =	vld [tilespmem:$0x9C50]  }
0x88: {  	v5 =	vld [tilespmem:$0x9C60]  }
0x89: {  	v6 =	vld [tilespmem:$0x9C70]  }
0x8a: {  	v7 =	vld [tilespmem:$0x9C80]  }
0x8b: {  	v3 =	vshll.u32 v3, $0x1  }
0x8c: {  	v4 =	vshll.u32 v4, $0x1;
	v3 =	vor.u32 v0, v3  }
0x8d: {  	v60 =	vshll.u32 v5, $0x1;
	[tilespmem:$0x16C60] =	vst v3;
	v3 =	vor.u32 v0, v4  }
0x8e: {  	v61 =	vshll.u32 v6, $0x1;
	[tilespmem:$0x16C70] =	vst v3;
	v3 =	vor.u32 v0, v60  }
0x8f: {  	v62 =	vshll.u32 v7, $0x1;
	[tilespmem:$0x16C80] =	vst v3;
	v3 =	vor.u32 v0, v61  }
0x90: {  	[tilespmem:$0x16C90] =	vst v3;
	v3 =	vor.u32 v0, v62  }
0x91: {  	s9 =	smov.u32 s31;
	s2 =	simm.s32 $0xEA60;
	s31 =	simm.s32 $0x16C60;
	[tilespmem:$0x16CA0] =	vst v3  }
0x92: {  	[tilespmem:s2], [sflag:$0x1] =	stream.indirect.gather [hbm4b:s17+s18], $0x20, s31, s18, $0xb8;
	[tilespmem:$0x1F400] =	vst v63  }
0x93: {  	v3 =	vld [tilespmem:$0x9C90]  }
0x94: {  	v63 =	vld [tilespmem:$0x9CA0]  }
0x95: {  	v9 =	vld [tilespmem:$0x9CB0]  }
0x96: {  	v10 =	vld [tilespmem:$0x9CC0]  }
0x97: {  	v11 =	vld [tilespmem:$0x9CD0]  }
0x98: {  	v3 =	vshll.u32 v3, $0x1  }
0x99: {  	v4 =	vshll.u32 v63, $0x1;
	v3 =	vor.u32 v0, v3  }
0x9a: {  	v12 =	vshll.u32 v9, $0x1;
	[tilespmem:$0x16CB0] =	vst v3;
	v3 =	vor.u32 v0, v4  }
0x9b: {  	v13 =	vshll.u32 v10, $0x1;
	[tilespmem:$0x16CC0] =	vst v3;
	v3 =	vor.u32 v0, v12  }
0x9c: {  	v14 =	vshll.u32 v11, $0x1;
	[tilespmem:$0x16CD0] =	vst v3;
	v3 =	vor.u32 v0, v13  }
0x9d: {  	[tilespmem:$0x16CE0] =	vst v3;
	v3 =	vor.u32 v0, v14  }
0x9e: {  	s4 =	simm.s32 $0xF460;
	s2 =	simm.s32 $0x16CB0;
	[tilespmem:$0x16CF0] =	vst v3  }
0x9f: {  	[tilespmem:s4], [sflag:$0x1] =	stream.indirect.gather [hbm4b:s17+s18], $0x20, s2, s18, $0xb8;
	[tilespmem:$0x1F400] =	vst v63  }
0xa0: {  	v3 =	vld [tilespmem:$0x9CE0]  }
0xa1: {  	v15 =	vld [tilespmem:$0x9CF0]  }
0xa2: {  	v16 =	vld [tilespmem:$0x9D00]  }
0xa3: {  	v17 =	vld [tilespmem:$0x9D10]  }
0xa4: {  	v18 =	vld [tilespmem:$0x9D20]  }
0xa5: {  	v3 =	vshll.u32 v3, $0x1  }
0xa6: {  	v4 =	vshll.u32 v15, $0x1;
	v3 =	vor.u32 v0, v3  }
0xa7: {  	v19 =	vshll.u32 v16, $0x1;
	[tilespmem:$0x16D00] =	vst v3;
	v3 =	vor.u32 v0, v4  }
0xa8: {  	v20 =	vshll.u32 v17, $0x1;
	[tilespmem:$0x16D10] =	vst v3;
	v3 =	vor.u32 v0, v19  }
0xa9: {  	v21 =	vshll.u32 v18, $0x1;
	[tilespmem:$0x16D20] =	vst v3;
	v3 =	vor.u32 v0, v20  }
0xaa: {  	[tilespmem:$0x16D30] =	vst v3;
	v3 =	vor.u32 v0, v21  }
0xab: {  	s14 =	simm.s32 $0xFE60;
	s13 =	simm.s32 $0x16D00;
	[tilespmem:$0x16D40] =	vst v3  }
0xac: {  	[tilespmem:s14], [sflag:$0x1] =	stream.indirect.gather [hbm4b:s17+s18], $0x20, s13, s18, $0xb8;
	[tilespmem:$0x1F400] =	vst v63  }
0xad: {  	v3 =	vld [tilespmem:$0x9D30]  }
0xae: {  	v22 =	vld [tilespmem:$0x9D40]  }
0xaf: {  	v23 =	vld [tilespmem:$0x9D50]  }
0xb0: {  	v24 =	vld [tilespmem:$0x9D60]  }
0xb1: {  	v25 =	vld [tilespmem:$0x9D70]  }
0xb2: {  	v3 =	vshll.u32 v3, $0x1  }
0xb3: {  	v4 =	vshll.u32 v22, $0x1;
	v3 =	vor.u32 v0, v3  }
0xb4: {  	v26 =	vshll.u32 v23, $0x1;
	[tilespmem:$0x16D50] =	vst v3;
	v3 =	vor.u32 v0, v4  }
0xb5: {  	v27 =	vshll.u32 v24, $0x1;
	[tilespmem:$0x16D60] =	vst v3;
	v3 =	vor.u32 v0, v26  }
0xb6: {  	v28 =	vshll.u32 v25, $0x1;
	[tilespmem:$0x16D70] =	vst v3;
	v3 =	vor.u32 v0, v27  }
0xb7: {  	s3 =	smov.u32 s20;
	[tilespmem:$0x16D80] =	vst v3;
	v3 =	vor.u32 v0, v28  }
0xb8: {  	s5 =	smov.u32 s26;
	s20 =	simm.s32 $0x16D50;
	s26 =	simm.s32 $0x10860;
	[tilespmem:$0x16D90] =	vst v3  }
0xb9: {  	[tilespmem:s26], [sflag:$0x1] =	stream.indirect.gather [hbm4b:s17+s18], $0x20, s20, s18, $0xb8;
	[tilespmem:$0x1F400] =	vst v63  }
0xba: {  	v3 =	vld [tilespmem:$0x9D80]  }
0xbb: {  	v29 =	vld [tilespmem:$0x9D90]  }
0xbc: {  	v30 =	vld [tilespmem:$0x9DA0]  }
0xbd: {  	v31 =	vld [tilespmem:$0x9DB0]  }
0xbe: {  	v32 =	vld [tilespmem:$0x9DC0]  }
0xbf: {  	v3 =	vshll.u32 v3, $0x1  }
0xc0: {  	v4 =	vshll.u32 v29, $0x1;
	v3 =	vor.u32 v0, v3  }
0xc1: {  	v33 =	vshll.u32 v30, $0x1;
	[tilespmem:$0x16DA0] =	vst v3;
	v3 =	vor.u32 v0, v4  }
0xc2: {  	v34 =	vshll.u32 v31, $0x1;
	[tilespmem:$0x16DB0] =	vst v3;
	v3 =	vor.u32 v0, v33  }
0xc3: {  	v35 =	vshll.u32 v32, $0x1;
	[tilespmem:$0x16DC0] =	vst v3;
	v3 =	vor.u32 v0, v34  }
0xc4: {  	s6 =	smov.u32 s28;
	[tilespmem:$0x16DD0] =	vst v3;
	v3 =	vor.u32 v0, v35  }
0xc5: {  	s7 =	smov.u32 s29;
	s28 =	simm.s32 $0x16DA0;
	s29 =	simm.s32 $0x11260;
	[tilespmem:$0x16DE0] =	vst v3  }
0xc6: {  	[tilespmem:s29], [sflag:$0x1] =	stream.indirect.gather [hbm4b:s17+s18], $0x20, s28, s18, $0xb8;
	[tilespmem:$0x1F400] =	vst v63  }
0xc7: {  	v3 =	vld [tilespmem:$0x9DD0]  }
0xc8: {  	v36 =	vld [tilespmem:$0x9DE0]  }
0xc9: {  	v37 =	vld [tilespmem:$0x9DF0]  }
0xca: {  	v38 =	vld [tilespmem:$0x9E00]  }
0xcb: {  	v39 =	vld [tilespmem:$0x9E10]  }
0xcc: {  	v3 =	vshll.u32 v3, $0x1  }
0xcd: {  	v4 =	vshll.u32 v36, $0x1;
	v3 =	vor.u32 v0, v3  }
0xce: {  	v40 =	vshll.u32 v37, $0x1;
	[tilespmem:$0x16DF0] =	vst v3;
	v3 =	vor.u32 v0, v4  }
0xcf: {  	v41 =	vshll.u32 v38, $0x1;
	[tilespmem:$0x16E00] =	vst v3;
	v3 =	vor.u32 v0, v40  }
0xd0: {  	v42 =	vshll.u32 v39, $0x1;
	[tilespmem:$0x16E10] =	vst v3;
	v3 =	vor.u32 v0, v41  }
0xd1: {  	[tilespmem:$0x16E20] =	vst v3;
	v3 =	vor.u32 v0, v42  }
0xd2: {  	s30 =	simm.s32 $0x16DF0;
	s31 =	simm.s32 $0x11C60;
	[tilespmem:$0x16E30] =	vst v3  }
0xd3: {  	[tilespmem:s31], [sflag:$0x1] =	stream.indirect.gather [hbm4b:s17+s18], $0x20, s30, s18, $0xb8;
	[tilespmem:$0x1F400] =	vst v63  }
0xd4: {  	v3 =	vld [tilespmem:$0x9E20]  }
0xd5: {  	v43 =	vld [tilespmem:$0x9E30]  }
0xd6: {  	v44 =	vld [tilespmem:$0x9E40]  }
0xd7: {  	v45 =	vld [tilespmem:$0x9E50]  }
0xd8: {  	v46 =	vld [tilespmem:$0x9E60]  }
0xd9: {  	v3 =	vshll.u32 v3, $0x1  }
0xda: {  	v4 =	vshll.u32 v43, $0x1;
	v3 =	vor.u32 v0, v3  }
0xdb: {  	v47 =	vshll.u32 v44, $0x1;
	[tilespmem:$0x16E40] =	vst v3;
	v3 =	vor.u32 v0, v4  }
0xdc: {  	v48 =	vshll.u32 v45, $0x1;
	[tilespmem:$0x16E50] =	vst v3;
	v3 =	vor.u32 v0, v47  }
0xdd: {  	v49 =	vshll.u32 v46, $0x1;
	[tilespmem:$0x16E60] =	vst v3;
	v3 =	vor.u32 v0, v48  }
0xde: {  	[tilespmem:$0x16E70] =	vst v3;
	v3 =	vor.u32 v0, v49  }
0xdf: {  	s2 =	simm.s32 $0x16E40;
	s4 =	simm.s32 $0x12660;
	[tilespmem:$0x16E80] =	vst v3  }
0xe0: {  	[tilespmem:s4], [sflag:$0x1] =	stream.indirect.gather [hbm4b:s17+s18], $0x20, s2, s18, $0xb8;
	[tilespmem:$0x1F400] =	vst v63  }
0xe1: {  	v3 =	vld [tilespmem:$0x9E70]  }
0xe2: {  	v50 =	vld [tilespmem:$0x9E80]  }
0xe3: {  	v51 =	vld [tilespmem:$0x9E90]  }
0xe4: {  	v52 =	vld [tilespmem:$0x9EA0]  }
0xe5: {  	v53 =	vld [tilespmem:$0x9EB0]  }
0xe6: {  	v3 =	vshll.u32 v3, $0x1  }
0xe7: {  	v4 =	vshll.u32 v50, $0x1;
	v3 =	vor.u32 v0, v3  }
0xe8: {  	v54 =	vshll.u32 v51, $0x1;
	[tilespmem:$0x16E90] =	vst v3;
	v3 =	vor.u32 v0, v4  }
0xe9: {  	v55 =	vshll.u32 v52, $0x1;
	[tilespmem:$0x16EA0] =	vst v3;
	v3 =	vor.u32 v0, v54  }
0xea: {  	v56 =	vshll.u32 v53, $0x1;
	[tilespmem:$0x16EB0] =	vst v3;
	v3 =	vor.u32 v0, v55  }
0xeb: {  	[tilespmem:$0x16EC0] =	vst v3;
	v3 =	vor.u32 v0, v56  }
0xec: {  	s13 =	simm.s32 $0x16E90;
	s14 =	simm.s32 $0x13060;
	[tilespmem:$0x16ED0] =	vst v3  }
0xed: {  	[tilespmem:s14], [sflag:$0x1] =	stream.indirect.gather [hbm4b:s17+s18], $0x20, s13, s18, $0xb8;
	[tilespmem:$0x1F400] =	vst v63  }
0xee: {  	v3 =	vld [tilespmem:$0x9EC0]  }
0xef: {  	v57 =	vld [tilespmem:$0x9ED0]  }
0xf0: {  	v58 =	vld [tilespmem:$0x9EE0]  }
0xf1: {  	v59 =	vld [tilespmem:$0x9EF0]  }
0xf2: {  	v60 =	vld [tilespmem:$0x9F00]  }
0xf3: {  	v3 =	vshll.u32 v3, $0x1  }
0xf4: {  	v4 =	vshll.u32 v57, $0x1;
	v3 =	vor.u32 v0, v3  }
0xf5: {  	v61 =	vshll.u32 v58, $0x1;
	[tilespmem:$0x16EE0] =	vst v3;
	v3 =	vor.u32 v0, v4  }
0xf6: {  	v62 =	vshll.u32 v59, $0x1;
	[tilespmem:$0x16EF0] =	vst v3;
	v3 =	vor.u32 v0, v61  }
0xf7: {  	v63 =	vshll.u32 v60, $0x1;
	[tilespmem:$0x16F00] =	vst v3;
	v3 =	vor.u32 v0, v62  }
0xf8: {  	[tilespmem:$0x16F10] =	vst v3;
	v3 =	vor.u32 v0, v63  }
0xf9: {  	s20 =	simm.s32 $0x16EE0;
	s26 =	simm.s32 $0x13A60;
	[tilespmem:$0x16F20] =	vst v3  }
0xfa: {  	[tilespmem:s26], [sflag:$0x1] =	stream.indirect.gather [hbm4b:s17+s18], $0x20, s20, s18, $0xb8;
	[tilespmem:$0x1F400] =	vst v63  }
0xfb: {  	s28 =	rddreg [dreg:$0x8];
	s29 =	simm.s32 $0x4E20;
	s26 =	simm.s32 $0x0  }
0xfc: {  	[tilespmem:s29], [sflag:$0x4] =	stream.linear.gather [hbm4b:s28+s26], $0x4E20, $0x38;
	[tilespmem:$0x1F400] =	vst v63  }
0xfd: {  	_ =	swait.ge [sflag:s15], $0x4E20  }
0xfe: {  	[sflag:s15] =	ssyncset.done $0x0  }
0xff: {  	s30 =	rddreg [dreg:$0x19];
	[sflag:s15] =	ssyncadd.s32 $0xFFFFB1E0  }
0x100: {  	[tilespmem:s26], [sflag:$0x4] =	stream.linear.gather [hbm4b:s30+s26], $0x2710, $0x38;
	[tilespmem:$0x1F400] =	vst v63  }
0x101: {  	_ =	swait.ge [sflag:s15], $0x2710  }
0x102: {  	[sflag:s15] =	ssyncset.done $0x0  }
0x103: {  	s31 =	rddreg [dreg:$0x1a];
	[sflag:s15] =	ssyncadd.s32 $0xFFFFD8F0  }
0x104: {  	[tilespmem:s19], [sflag:$0x4] =	stream.linear.gather [hbm4b:s31+s26], $0x2710, $0x38;
	[tilespmem:$0x1F400] =	vst v63  }
0x105: {  	_ =	swait.ge [sflag:s15], $0x2710  }
0x106: {  	[sflag:s15] =	ssyncset.done $0x0  }
0x107: {  	[sflag:s15] =	ssyncadd.s32 $0xFFFFD8F0  }
.LBB2_4:
0x108: {  	p1 =	sgt.u32 s26, $0xF0  }
0x109: {  	s4 =	sadd.s32 @!p1 $0x9, s26  }
0x10a: {  	s13 =	smul.u32 @!p1 $0xCD, s4  }
0x10b: {  	s14 =	smul.u32 @!p1 $0x140, s4  }
0x10c: {  	s13 =	sshrl.u32 @!p1 s13, $0xB  }
0x10d: {  	s14 =	sshra.s32 @!p1 s14, $0x2;
	s13 =	sand.u32 @!p1 $0x1F, s13  }
0x10e: {  	v3 =	vld @!p1 [tilespmem:s14+$0x9C40];
	s13 =	smul.u32 @!p1 $0xA, s13;
	_ =	sdelay $0x1  }
0x10f: {  	s4 =	ssub.s32 @!p1 s4, s13  }
0x110: {  	s4 =	sand.u32 @!p1 $0xFF, s4  }
0x111: {  	s13 =	smul.u32 @!p1 $0x140, s4  }
0x112: {  	v3 =	vshll.u32 @!p1 v3, $0x1  }
0x113: {  	v3 =	vor.u32 @!p1 v0, v3;
	s13 =	sshrl.u32 @!p1 s13, $0x2  }
0x114: {  	[tilespmem:s13+$0x16C60] =	vst @!p1 v3  }
0x115: {  	v3 =	vld @!p1 [tilespmem:s14+$0x9C50];
	_ =	sdelay $0x4  }
0x116: {  	v3 =	vshll.u32 @!p1 v3, $0x1  }
0x117: {  	v3 =	vor.u32 @!p1 v0, v3  }
0x118: {  	[tilespmem:s13+$0x16C70] =	vst @!p1 v3  }
0x119: {  	v3 =	vld @!p1 [tilespmem:s14+$0x9C60];
	_ =	sdelay $0x4  }
0x11a: {  	v3 =	vshll.u32 @!p1 v3, $0x1  }
0x11b: {  	v3 =	vor.u32 @!p1 v0, v3  }
0x11c: {  	[tilespmem:s13+$0x16C80] =	vst @!p1 v3  }
0x11d: {  	v3 =	vld @!p1 [tilespmem:s14+$0x9C70];
	_ =	sdelay $0x4  }
0x11e: {  	v3 =	vshll.u32 @!p1 v3, $0x1  }
0x11f: {  	v3 =	vor.u32 @!p1 v0, v3  }
0x120: {  	[tilespmem:s13+$0x16C90] =	vst @!p1 v3  }
0x121: {  	v3 =	vld @!p1 [tilespmem:s14+$0x9C80];
	_ =	sdelay $0x3  }
0x122: {  	s4 =	smul.u32 @!p1 $0x2800, s4  }
0x123: {  	v3 =	vshll.u32 @!p1 v3, $0x1  }
0x124: {  	s2 =	smul.u32 $0x50, s26;
	s4 =	sshrl.u32 @!p1 s4, $0x2;
	v3 =	vor.u32 @!p1 v0, v3  }
0x125: {  	s28 =	simm.s32 @!p1 $0x50;
	s14 =	sadd.s32 @!p1 $0x16C60, s13;
	[tilespmem:s13+$0x16CA0] =	vst @!p1 v3;
	s13 =	sadd.s32 @!p1 $0xEA60, s4  }
0x126: {  	[tilespmem:s13], [sflag:$0x1] =	stream.indirect.gather @!p1 [hbm4b:s17+s28], $0x20, s14, s28, $0xb8;
	[tilespmem:$0x1F400] =	vst v63  }
0x127: {  	v3 =	vld [tilespmem:s2+$0x4E20]  }
0x128: {  	v4 =	vld [tilespmem:s2+$0x9C40];
	_ =	sdelay $0x6  }
0x129: {  	v3 =	vld.idx.msk [tilespmem:v3+s11+$0x0], $0xffff  }
0x12a: {  	v4 =	vld.idx.msk [tilespmem:v4+s19+$0x0], $0xffff;
	_ =	sdelay $0x4  }
0x12b: {  	v3 =	vadd.f32 v4, v3;
	_ =	sdelay $0x1  }
0x12c: {  	v4 =	vmul.f32 $2.000000030e-01, v3  }
0x12d: {  	vm0 =	vge.f32 v3, $0.0e+00  }
0x12e: {  	v3 =	vsel vm0, v3, v4  }
0x12f: {  	v3 =	vmul.f32 $1.442695020e+00, v3;
	_ =	sdelay $0x1  }
0x130: {  	(erf) = vpow2.f32 v3;
	_ =	sdelay $0x8  }
0x131: {  	v3 =	vpop (erf)  }
0x132: {  	[tilespmem:$0x16F80] =	vst v3  }
0x133: {  	v3 =	vld [tilespmem:s2+$0x4E30]  }
0x134: {  	v4 =	vld [tilespmem:s2+$0x9C50];
	_ =	sdelay $0x6  }
0x135: {  	v3 =	vld.idx.msk [tilespmem:v3+s11+$0x0], $0xffff  }
0x136: {  	v4 =	vld.idx.msk [tilespmem:v4+s19+$0x0], $0xffff;
	_ =	sdelay $0x4  }
0x137: {  	v3 =	vadd.f32 v4, v3;
	_ =	sdelay $0x1  }
0x138: {  	v4 =	vmul.f32 $2.000000030e-01, v3  }
0x139: {  	vm12 =	vge.f32 v3, $0.0e+00  }
0x13a: {  	v3 =	vsel vm12, v3, v4  }
0x13b: {  	v3 =	vmul.f32 $1.442695020e+00, v3;
	_ =	sdelay $0x1  }
0x13c: {  	(erf) = vpow2.f32 v3;
	_ =	sdelay $0x8  }
0x13d: {  	v3 =	vpop (erf)  }
0x13e: {  	[tilespmem:$0x16F90] =	vst v3  }
0x13f: {  	v3 =	vld [tilespmem:s2+$0x4E40]  }
0x140: {  	v4 =	vld [tilespmem:s2+$0x9C60];
	_ =	sdelay $0x6  }
0x141: {  	v3 =	vld.idx.msk [tilespmem:v3+s11+$0x0], $0xffff  }
0x142: {  	v4 =	vld.idx.msk [tilespmem:v4+s19+$0x0], $0xffff;
	_ =	sdelay $0x4  }
0x143: {  	v3 =	vadd.f32 v4, v3;
	_ =	sdelay $0x1  }
0x144: {  	v4 =	vmul.f32 $2.000000030e-01, v3  }
0x145: {  	vm13 =	vge.f32 v3, $0.0e+00  }
0x146: {  	v3 =	vsel vm13, v3, v4  }
0x147: {  	v3 =	vmul.f32 $1.442695020e+00, v3;
	_ =	sdelay $0x1  }
0x148: {  	(erf) = vpow2.f32 v3;
	_ =	sdelay $0x8  }
0x149: {  	v3 =	vpop (erf)  }
0x14a: {  	[tilespmem:$0x16FA0] =	vst v3  }
0x14b: {  	v3 =	vld [tilespmem:s2+$0x4E50]  }
0x14c: {  	v4 =	vld [tilespmem:s2+$0x9C70];
	_ =	sdelay $0x6  }
0x14d: {  	v3 =	vld.idx.msk [tilespmem:v3+s11+$0x0], $0xffff  }
0x14e: {  	v4 =	vld.idx.msk [tilespmem:v4+s19+$0x0], $0xffff;
	_ =	sdelay $0x4  }
0x14f: {  	v3 =	vadd.f32 v4, v3;
	_ =	sdelay $0x1  }
0x150: {  	v4 =	vmul.f32 $2.000000030e-01, v3  }
0x151: {  	vm14 =	vge.f32 v3, $0.0e+00  }
0x152: {  	v3 =	vsel vm14, v3, v4  }
0x153: {  	v3 =	vmul.f32 $1.442695020e+00, v3;
	_ =	sdelay $0x1  }
0x154: {  	(erf) = vpow2.f32 v3;
	_ =	sdelay $0x8  }
0x155: {  	v3 =	vpop (erf)  }
0x156: {  	[tilespmem:$0x16FB0] =	vst v3  }
0x157: {  	v3 =	vld [tilespmem:s2+$0x4E60]  }
0x158: {  	v4 =	vld [tilespmem:s2+$0x9C80];
	_ =	sdelay $0x6  }
0x159: {  	v3 =	vld.idx.msk [tilespmem:v3+s11+$0x0], $0xffff  }
0x15a: {  	v4 =	vld.idx.msk [tilespmem:v4+s19+$0x0], $0xffff;
	_ =	sdelay $0x4  }
0x15b: {  	v3 =	vadd.f32 v4, v3;
	_ =	sdelay $0x1  }
0x15c: {  	v4 =	vmul.f32 $2.000000030e-01, v3  }
0x15d: {  	vm15 =	vge.f32 v3, $0.0e+00  }
0x15e: {  	v3 =	vsel vm15, v3, v4  }
0x15f: {  	v3 =	vmul.f32 $1.442695020e+00, v3;
	_ =	sdelay $0x1  }
0x160: {  	(erf) = vpow2.f32 v3;
	_ =	sdelay $0x3  }
0x161: {  	s20 =	smul.u32 $0xCD, s26  }
0x162: {  	s30 =	smul.u32 $0xAB, s26  }
0x163: {  	s13 =	sshrl.u32 s20, $0xB  }
0x164: {  	s14 =	sshrl.u32 s30, $0x9;
	s13 =	sand.u32 $0x1F, s13  }
0x165: {  	p1 =	slt.u32 s26, $0x3;
	s14 =	sand.u32 $0x7F, s14;
	s13 =	smul.u32 $0xA, s13  }
0x166: {  	p2 =	sne.s32 @!p1 s1, $0x0;
	s14 =	smul.u32 $0x3, s14;
	v3 =	vpop (erf)  }
0x167: {  	s28 =	simm.s32 @!p1 $0x2;
	p2 =	por p2, p1;
	[tilespmem:$0x16FC0] =	vst v3  }
0x168: {  	s13 =	ssub.s32 s26, s13;
	s14 =	ssub.s32 s26, s14;
	_ =	swait.ge @!p1 [sflag:s28], $0xA00  }
0x169: {  	s13 =	sand.u32 $0xFF, s13;
	s29 =	sand.u32 $0xFF, s14;
	[sflag:s28] =	ssyncset.done @!p1 $0x0  }
0x16a: {  	s13 =	smul.u32 $0x2800, s13;
	[sflag:s28] =	ssyncadd.s32 @!p1 $0xFFFFF600;
	s28 =	simm.s32 @!p2 $0x3  }
0x16b: {  	s14 =	smul.u32 $0x1400, s29;
	_ =	swait.ge @!p2 [sflag:s28], $0x500  }
0x16c: {  	s4 =	sadd.s32 $0x4E20, s2;
	[sflag:s28] =	ssyncset.done @!p2 $0x0  }
0x16d: {  	s30 =	sshrl.u32 s14, $0x1;
	[sflag:s28] =	ssyncadd.s32 @!p2 $0xFFFFFB00;
	s28 =	sshrl.u32 s13, $0x2  }
0x16e: {  	s13 =	sshrl.u32 s14, $0x2;
	_ =	swait.ge [sflag:s23], $0xA00;
	s31 =	sadd.s32 $0xEA60, s28  }
0x16f: {  	s30 =	sadd.s32 $0x14E60, s30;
	s14 =	sadd.s32 $0x16FD0, s13;
	[sflag:s23] =	ssyncset.done $0x0;
	v3 =	vmov s31  }
0x170: {  	v4 =	vmov s30;
	p1 =	por $0x1, $0x1;
	v5 =	vmov s14;
	s31 =	simm.s32 $0x0;
	[sflag:s23] =	ssyncadd.s32 $0xFFFFF600  }
.LBB2_5:
0x171: {  	v6 =	vld [tilespmem:s31+$0x16F80]  }
0x172: {  	s30 =	sshll.u32 s31, $0x6;
	v7 =	vld [tilespmem:s31+$0x16F90]  }
0x173: {  	s20 =	sshrl.u32 s30, $0x1;
	s31 =	sor.u32 $0x400, s30  }
0x174: {  	v8 =	vld.idx.msk [tilespmem:v3+s20+$0x0 ss:$0x1], $0xffff;
	s0 =	sshrl.u32 s31, $0x1  }
0x175: {  	v10 =	vld.idx.msk [tilespmem:v3+s0+$0x0 ss:$0x1], $0xffff  }
0x176: {  	v9 =	vbroadcast v6, $0x0  }
0x177: {  	v12 =	vbroadcast v7, $0x0  }
0x178: {  	v11 =	vpack.i.f32.bf16 v9, v9  }
0x179: {  	v13 =	vpack.i.f32.bf16 v12, v12;
	v8 =	vmul.bf16 v8, v11  }
0x17a: {  	v57 =	vmul.bf16 v10, v13  }
0x17b: {  	[tilespmem:v4+s20+$0x0 ss:$0x1] =	vst.idx.msk $0xffff, v8  }
0x17c: {  	[tilespmem:v4+s0+$0x0 ss:$0x1] =	vst.idx.msk $0xffff, v57;
	v58 =	vld.idx.msk [tilespmem:v3+s20+$0x10 ss:$0x1], $0xffff  }
0x17d: {  	v8 =	vld.idx.msk [tilespmem:v3+s0+$0x10 ss:$0x1], $0xffff;
	_ =	sdelay $0x3  }
0x17e: {  	v10 =	vmul.bf16 v58, v11  }
0x17f: {  	v8 =	vmul.bf16 v8, v13  }
0x180: {  	[tilespmem:v4+s20+$0x10 ss:$0x1] =	vst.idx.msk $0xffff, v10  }
0x181: {  	s2 =	sor.u32 $0x40, s30;
	s20 =	sshrl.u32 s30, $0x2;
	[tilespmem:v4+s0+$0x10 ss:$0x1] =	vst.idx.msk $0xffff, v8  }
0x182: {  	s0 =	sshrl.u32 s31, $0x2;
	s31 =	sor.u32 $0x440, s30;
	[tilespmem:v5+s20+$0x0 ss:$0x1] =	vst.idx.msk $0xffff, v9;
	s20 =	sshrl.u32 s2, $0x1  }
0x183: {  	[tilespmem:v5+s0+$0x0 ss:$0x1] =	vst.idx.msk $0xffff, v12;
	s0 =	sshrl.u32 s31, $0x1;
	v9 =	vld.idx.msk [tilespmem:v3+s20+$0x0 ss:$0x1], $0xffff  }
0x184: {  	v60 =	vld.idx.msk [tilespmem:v3+s0+$0x0 ss:$0x1], $0xffff  }
0x185: {  	v59 =	vbroadcast v6, $0x1  }
0x186: {  	v62 =	vbroadcast v7, $0x1  }
0x187: {  	v61 =	vpack.i.f32.bf16 v59, v59  }
0x188: {  	v63 =	vpack.i.f32.bf16 v62, v62;
	v9 =	vmul.bf16 v9, v61  }
0x189: {  	v15 =	vmul.bf16 v60, v63  }
0x18a: {  	[tilespmem:v4+s20+$0x0 ss:$0x1] =	vst.idx.msk $0xffff, v9  }
0x18b: {  	[tilespmem:v4+s0+$0x0 ss:$0x1] =	vst.idx.msk $0xffff, v15;
	v16 =	vld.idx.msk [tilespmem:v3+s20+$0x10 ss:$0x1], $0xffff  }
0x18c: {  	v9 =	vld.idx.msk [tilespmem:v3+s0+$0x10 ss:$0x1], $0xffff;
	_ =	sdelay $0x3  }
0x18d: {  	v10 =	vmul.bf16 v16, v61  }
0x18e: {  	v9 =	vmul.bf16 v9, v63  }
0x18f: {  	[tilespmem:v4+s20+$0x10 ss:$0x1] =	vst.idx.msk $0xffff, v10  }
0x190: {  	s2 =	sshrl.u32 s2, $0x2;
	s20 =	sor.u32 $0x80, s30;
	[tilespmem:v4+s0+$0x10 ss:$0x1] =	vst.idx.msk $0xffff, v9  }
0x191: {  	s0 =	sshrl.u32 s31, $0x2;
	s31 =	sor.u32 $0x480, s30;
	[tilespmem:v5+s2+$0x0 ss:$0x1] =	vst.idx.msk $0xffff, v59;
	s2 =	sshrl.u32 s20, $0x1  }
0x192: {  	[tilespmem:v5+s0+$0x0 ss:$0x1] =	vst.idx.msk $0xffff, v62;
	s0 =	sshrl.u32 s31, $0x1;
	v8 =	vld.idx.msk [tilespmem:v3+s2+$0x0 ss:$0x1], $0xffff  }
0x193: {  	v18 =	vld.idx.msk [tilespmem:v3+s0+$0x0 ss:$0x1], $0xffff  }
0x194: {  	v17 =	vbroadcast v6, $0x2  }
0x195: {  	v20 =	vbroadcast v7, $0x2  }
0x196: {  	v19 =	vpack.i.f32.bf16 v17, v17  }
0x197: {  	v21 =	vpack.i.f32.bf16 v20, v20;
	v8 =	vmul.bf16 v8, v19  }
0x198: {  	v22 =	vmul.bf16 v18, v21  }
0x199: {  	[tilespmem:v4+s2+$0x0 ss:$0x1] =	vst.idx.msk $0xffff, v8  }
0x19a: {  	[tilespmem:v4+s0+$0x0 ss:$0x1] =	vst.idx.msk $0xffff, v22;
	v23 =	vld.idx.msk [tilespmem:v3+s2+$0x10 ss:$0x1], $0xffff  }
0x19b: {  	v8 =	vld.idx.msk [tilespmem:v3+s0+$0x10 ss:$0x1], $0xffff;
	_ =	sdelay $0x3  }
0x19c: {  	v10 =	vmul.bf16 v23, v19  }
0x19d: {  	v8 =	vmul.bf16 v8, v21  }
0x19e: {  	[tilespmem:v4+s2+$0x10 ss:$0x1] =	vst.idx.msk $0xffff, v10  }
0x19f: {  	s2 =	sshrl.u32 s20, $0x2;
	s20 =	sor.u32 $0xC0, s30;
	[tilespmem:v4+s0+$0x10 ss:$0x1] =	vst.idx.msk $0xffff, v8  }
0x1a0: {  	s0 =	sshrl.u32 s31, $0x2;
	s31 =	sor.u32 $0x4C0, s30;
	[tilespmem:v5+s2+$0x0 ss:$0x1] =	vst.idx.msk $0xffff, v17;
	s2 =	sshrl.u32 s20, $0x1  }
0x1a1: {  	[tilespmem:v5+s0+$0x0 ss:$0x1] =	vst.idx.msk $0xffff, v20;
	s0 =	sshrl.u32 s31, $0x1;
	v9 =	vld.idx.msk [tilespmem:v3+s2+$0x0 ss:$0x1], $0xffff  }
0x1a2: {  	v25 =	vld.idx.msk [tilespmem:v3+s0+$0x0 ss:$0x1], $0xffff  }
0x1a3: {  	v24 =	vbroadcast v6, $0x3  }
0x1a4: {  	v27 =	vbroadcast v7, $0x3  }
0x1a5: {  	v26 =	vpack.i.f32.bf16 v24, v24  }
0x1a6: {  	v28 =	vpack.i.f32.bf16 v27, v27;
	v9 =	vmul.bf16 v9, v26  }
0x1a7: {  	v29 =	vmul.bf16 v25, v28  }
0x1a8: {  	[tilespmem:v4+s2+$0x0 ss:$0x1] =	vst.idx.msk $0xffff, v9  }
0x1a9: {  	[tilespmem:v4+s0+$0x0 ss:$0x1] =	vst.idx.msk $0xffff, v29;
	v30 =	vld.idx.msk [tilespmem:v3+s2+$0x10 ss:$0x1], $0xffff  }
0x1aa: {  	v9 =	vld.idx.msk [tilespmem:v3+s0+$0x10 ss:$0x1], $0xffff;
	_ =	sdelay $0x3  }
0x1ab: {  	v10 =	vmul.bf16 v30, v26  }
0x1ac: {  	v9 =	vmul.bf16 v9, v28  }
0x1ad: {  	[tilespmem:v4+s2+$0x10 ss:$0x1] =	vst.idx.msk $0xffff, v10  }
0x1ae: {  	s2 =	sshrl.u32 s20, $0x2;
	s20 =	sor.u32 $0x100, s30;
	[tilespmem:v4+s0+$0x10 ss:$0x1] =	vst.idx.msk $0xffff, v9  }
0x1af: {  	s0 =	sshrl.u32 s31, $0x2;
	s31 =	sor.u32 $0x500, s30;
	[tilespmem:v5+s2+$0x0 ss:$0x1] =	vst.idx.msk $0xffff, v24;
	s2 =	sshrl.u32 s20, $0x1  }
0x1b0: {  	[tilespmem:v5+s0+$0x0 ss:$0x1] =	vst.idx.msk $0xffff, v27;
	s0 =	sshrl.u32 s31, $0x1;
	v8 =	vld.idx.msk [tilespmem:v3+s2+$0x0 ss:$0x1], $0xffff  }
0x1b1: {  	v32 =	vld.idx.msk [tilespmem:v3+s0+$0x0 ss:$0x1], $0xffff  }
0x1b2: {  	v31 =	vbroadcast v6, $0x4  }
0x1b3: {  	v34 =	vbroadcast v7, $0x4  }
0x1b4: {  	v33 =	vpack.i.f32.bf16 v31, v31  }
0x1b5: {  	v35 =	vpack.i.f32.bf16 v34, v34;
	v8 =	vmul.bf16 v8, v33  }
0x1b6: {  	v36 =	vmul.bf16 v32, v35  }
0x1b7: {  	[tilespmem:v4+s2+$0x0 ss:$0x1] =	vst.idx.msk $0xffff, v8  }
0x1b8: {  	[tilespmem:v4+s0+$0x0 ss:$0x1] =	vst.idx.msk $0xffff, v36;
	v37 =	vld.idx.msk [tilespmem:v3+s2+$0x10 ss:$0x1], $0xffff  }
0x1b9: {  	v8 =	vld.idx.msk [tilespmem:v3+s0+$0x10 ss:$0x1], $0xffff;
	_ =	sdelay $0x3  }
0x1ba: {  	v10 =	vmul.bf16 v37, v33  }
0x1bb: {  	v8 =	vmul.bf16 v8, v35  }
0x1bc: {  	[tilespmem:v4+s2+$0x10 ss:$0x1] =	vst.idx.msk $0xffff, v10  }
0x1bd: {  	s2 =	sshrl.u32 s20, $0x2;
	s20 =	sor.u32 $0x140, s30;
	[tilespmem:v4+s0+$0x10 ss:$0x1] =	vst.idx.msk $0xffff, v8  }
0x1be: {  	s0 =	sshrl.u32 s31, $0x2;
	s31 =	sor.u32 $0x540, s30;
	[tilespmem:v5+s2+$0x0 ss:$0x1] =	vst.idx.msk $0xffff, v31;
	s2 =	sshrl.u32 s20, $0x1  }
0x1bf: {  	[tilespmem:v5+s0+$0x0 ss:$0x1] =	vst.idx.msk $0xffff, v34;
	s0 =	sshrl.u32 s31, $0x1;
	v9 =	vld.idx.msk [tilespmem:v3+s2+$0x0 ss:$0x1], $0xffff  }
0x1c0: {  	v39 =	vld.idx.msk [tilespmem:v3+s0+$0x0 ss:$0x1], $0xffff  }
0x1c1: {  	v38 =	vbroadcast v6, $0x5  }
0x1c2: {  	v41 =	vbroadcast v7, $0x5  }
0x1c3: {  	v40 =	vpack.i.f32.bf16 v38, v38  }
0x1c4: {  	v42 =	vpack.i.f32.bf16 v41, v41;
	v9 =	vmul.bf16 v9, v40  }
0x1c5: {  	v43 =	vmul.bf16 v39, v42  }
0x1c6: {  	[tilespmem:v4+s2+$0x0 ss:$0x1] =	vst.idx.msk $0xffff, v9  }
0x1c7: {  	[tilespmem:v4+s0+$0x0 ss:$0x1] =	vst.idx.msk $0xffff, v43;
	v44 =	vld.idx.msk [tilespmem:v3+s2+$0x10 ss:$0x1], $0xffff  }
0x1c8: {  	v9 =	vld.idx.msk [tilespmem:v3+s0+$0x10 ss:$0x1], $0xffff;
	_ =	sdelay $0x3  }
0x1c9: {  	v10 =	vmul.bf16 v44, v40  }
0x1ca: {  	v9 =	vmul.bf16 v9, v42  }
0x1cb: {  	[tilespmem:v4+s2+$0x10 ss:$0x1] =	vst.idx.msk $0xffff, v10  }
0x1cc: {  	s2 =	sshrl.u32 s20, $0x2;
	s20 =	sor.u32 $0x180, s30;
	[tilespmem:v4+s0+$0x10 ss:$0x1] =	vst.idx.msk $0xffff, v9  }
0x1cd: {  	s0 =	sshrl.u32 s31, $0x2;
	s31 =	sor.u32 $0x580, s30;
	[tilespmem:v5+s2+$0x0 ss:$0x1] =	vst.idx.msk $0xffff, v38;
	s2 =	sshrl.u32 s20, $0x1  }
0x1ce: {  	[tilespmem:v5+s0+$0x0 ss:$0x1] =	vst.idx.msk $0xffff, v41;
	s0 =	sshrl.u32 s31, $0x1;
	v8 =	vld.idx.msk [tilespmem:v3+s2+$0x0 ss:$0x1], $0xffff  }
0x1cf: {  	v46 =	vld.idx.msk [tilespmem:v3+s0+$0x0 ss:$0x1], $0xffff  }
0x1d0: {  	v45 =	vbroadcast v6, $0x6  }
0x1d1: {  	v48 =	vbroadcast v7, $0x6  }
0x1d2: {  	v47 =	vpack.i.f32.bf16 v45, v45  }
0x1d3: {  	v49 =	vpack.i.f32.bf16 v48, v48;
	v8 =	vmul.bf16 v8, v47  }
0x1d4: {  	v50 =	vmul.bf16 v46, v49  }
0x1d5: {  	[tilespmem:v4+s2+$0x0 ss:$0x1] =	vst.idx.msk $0xffff, v8  }
0x1d6: {  	[tilespmem:v4+s0+$0x0 ss:$0x1] =	vst.idx.msk $0xffff, v50;
	v51 =	vld.idx.msk [tilespmem:v3+s2+$0x10 ss:$0x1], $0xffff  }
0x1d7: {  	v8 =	vld.idx.msk [tilespmem:v3+s0+$0x10 ss:$0x1], $0xffff;
	_ =	sdelay $0x3  }
0x1d8: {  	v10 =	vmul.bf16 v51, v47  }
0x1d9: {  	v8 =	vmul.bf16 v8, v49  }
0x1da: {  	[tilespmem:v4+s2+$0x10 ss:$0x1] =	vst.idx.msk $0xffff, v10  }
0x1db: {  	s2 =	sshrl.u32 s20, $0x2;
	s20 =	sor.u32 $0x1C0, s30;
	[tilespmem:v4+s0+$0x10 ss:$0x1] =	vst.idx.msk $0xffff, v8  }
0x1dc: {  	s0 =	sshrl.u32 s31, $0x2;
	s31 =	sor.u32 $0x5C0, s30;
	[tilespmem:v5+s2+$0x0 ss:$0x1] =	vst.idx.msk $0xffff, v45;
	s2 =	sshrl.u32 s20, $0x1  }
0x1dd: {  	[tilespmem:v5+s0+$0x0 ss:$0x1] =	vst.idx.msk $0xffff, v48;
	s0 =	sshrl.u32 s31, $0x1;
	v9 =	vld.idx.msk [tilespmem:v3+s2+$0x0 ss:$0x1], $0xffff  }
0x1de: {  	v53 =	vld.idx.msk [tilespmem:v3+s0+$0x0 ss:$0x1], $0xffff  }
0x1df: {  	v52 =	vbroadcast v6, $0x7  }
0x1e0: {  	v55 =	vbroadcast v7, $0x7  }
0x1e1: {  	v54 =	vpack.i.f32.bf16 v52, v52  }
0x1e2: {  	v56 =	vpack.i.f32.bf16 v55, v55;
	v9 =	vmul.bf16 v9, v54  }
0x1e3: {  	v57 =	vmul.bf16 v53, v56  }
0x1e4: {  	[tilespmem:v4+s2+$0x0 ss:$0x1] =	vst.idx.msk $0xffff, v9  }
0x1e5: {  	[tilespmem:v4+s0+$0x0 ss:$0x1] =	vst.idx.msk $0xffff, v57;
	v58 =	vld.idx.msk [tilespmem:v3+s2+$0x10 ss:$0x1], $0xffff  }
0x1e6: {  	v9 =	vld.idx.msk [tilespmem:v3+s0+$0x10 ss:$0x1], $0xffff;
	_ =	sdelay $0x3  }
0x1e7: {  	v10 =	vmul.bf16 v58, v54  }
0x1e8: {  	v9 =	vmul.bf16 v9, v56  }
0x1e9: {  	[tilespmem:v4+s2+$0x10 ss:$0x1] =	vst.idx.msk $0xffff, v10  }
0x1ea: {  	s2 =	sshrl.u32 s20, $0x2;
	s20 =	sor.u32 $0x200, s30;
	[tilespmem:v4+s0+$0x10 ss:$0x1] =	vst.idx.msk $0xffff, v9  }
0x1eb: {  	s0 =	sshrl.u32 s31, $0x2;
	s31 =	sor.u32 $0x600, s30;
	[tilespmem:v5+s2+$0x0 ss:$0x1] =	vst.idx.msk $0xffff, v52;
	s2 =	sshrl.u32 s20, $0x1  }
0x1ec: {  	[tilespmem:v5+s0+$0x0 ss:$0x1] =	vst.idx.msk $0xffff, v55;
	s0 =	sshrl.u32 s31, $0x1;
	v8 =	vld.idx.msk [tilespmem:v3+s2+$0x0 ss:$0x1], $0xffff  }
0x1ed: {  	v60 =	vld.idx.msk [tilespmem:v3+s0+$0x0 ss:$0x1], $0xffff  }
0x1ee: {  	v59 =	vbroadcast v6, $0x8  }
0x1ef: {  	v62 =	vbroadcast v7, $0x8  }
0x1f0: {  	v61 =	vpack.i.f32.bf16 v59, v59  }
0x1f1: {  	v63 =	vpack.i.f32.bf16 v62, v62;
	v8 =	vmul.bf16 v8, v61  }
0x1f2: {  	v14 =	vmul.bf16 v60, v63  }
0x1f3: {  	[tilespmem:v4+s2+$0x0 ss:$0x1] =	vst.idx.msk $0xffff, v8  }
0x1f4: {  	[tilespmem:v4+s0+$0x0 ss:$0x1] =	vst.idx.msk $0xffff, v14;
	v15 =	vld.idx.msk [tilespmem:v3+s2+$0x10 ss:$0x1], $0xffff  }
0x1f5: {  	v8 =	vld.idx.msk [tilespmem:v3+s0+$0x10 ss:$0x1], $0xffff;
	_ =	sdelay $0x3  }
0x1f6: {  	v10 =	vmul.bf16 v15, v61  }
0x1f7: {  	v8 =	vmul.bf16 v8, v63  }
0x1f8: {  	[tilespmem:v4+s2+$0x10 ss:$0x1] =	vst.idx.msk $0xffff, v10  }
0x1f9: {  	s2 =	sshrl.u32 s20, $0x2;
	s20 =	sor.u32 $0x240, s30;
	[tilespmem:v4+s0+$0x10 ss:$0x1] =	vst.idx.msk $0xffff, v8  }
0x1fa: {  	s0 =	sshrl.u32 s31, $0x2;
	s31 =	sor.u32 $0x640, s30;
	[tilespmem:v5+s2+$0x0 ss:$0x1] =	vst.idx.msk $0xffff, v59;
	s2 =	sshrl.u32 s20, $0x1  }
0x1fb: {  	[tilespmem:v5+s0+$0x0 ss:$0x1] =	vst.idx.msk $0xffff, v62;
	s0 =	sshrl.u32 s31, $0x1;
	v9 =	vld.idx.msk [tilespmem:v3+s2+$0x0 ss:$0x1], $0xffff  }
0x1fc: {  	v17 =	vld.idx.msk [tilespmem:v3+s0+$0x0 ss:$0x1], $0xffff  }
0x1fd: {  	v16 =	vbroadcast v6, $0x9  }
0x1fe: {  	v19 =	vbroadcast v7, $0x9  }
0x1ff: {  	v18 =	vpack.i.f32.bf16 v16, v16  }
0x200: {  	v20 =	vpack.i.f32.bf16 v19, v19;
	v9 =	vmul.bf16 v9, v18  }
0x201: {  	v21 =	vmul.bf16 v17, v20  }
0x202: {  	[tilespmem:v4+s2+$0x0 ss:$0x1] =	vst.idx.msk $0xffff, v9  }
0x203: {  	[tilespmem:v4+s0+$0x0 ss:$0x1] =	vst.idx.msk $0xffff, v21;
	v22 =	vld.idx.msk [tilespmem:v3+s2+$0x10 ss:$0x1], $0xffff  }
0x204: {  	v9 =	vld.idx.msk [tilespmem:v3+s0+$0x10 ss:$0x1], $0xffff;
	_ =	sdelay $0x3  }
0x205: {  	v10 =	vmul.bf16 v22, v18  }
0x206: {  	v9 =	vmul.bf16 v9, v20  }
0x207: {  	[tilespmem:v4+s2+$0x10 ss:$0x1] =	vst.idx.msk $0xffff, v10  }
0x208: {  	s2 =	sshrl.u32 s20, $0x2;
	s20 =	sor.u32 $0x280, s30;
	[tilespmem:v4+s0+$0x10 ss:$0x1] =	vst.idx.msk $0xffff, v9  }
0x209: {  	s0 =	sshrl.u32 s31, $0x2;
	s31 =	sor.u32 $0x680, s30;
	[tilespmem:v5+s2+$0x0 ss:$0x1] =	vst.idx.msk $0xffff, v16;
	s2 =	sshrl.u32 s20, $0x1  }
0x20a: {  	[tilespmem:v5+s0+$0x0 ss:$0x1] =	vst.idx.msk $0xffff, v19;
	s0 =	sshrl.u32 s31, $0x1;
	v8 =	vld.idx.msk [tilespmem:v3+s2+$0x0 ss:$0x1], $0xffff  }
0x20b: {  	v24 =	vld.idx.msk [tilespmem:v3+s0+$0x0 ss:$0x1], $0xffff  }
0x20c: {  	v23 =	vbroadcast v6, $0xA  }
0x20d: {  	v26 =	vbroadcast v7, $0xA  }
0x20e: {  	v25 =	vpack.i.f32.bf16 v23, v23  }
0x20f: {  	v27 =	vpack.i.f32.bf16 v26, v26;
	v8 =	vmul.bf16 v8, v25  }
0x210: {  	v28 =	vmul.bf16 v24, v27  }
0x211: {  	[tilespmem:v4+s2+$0x0 ss:$0x1] =	vst.idx.msk $0xffff, v8  }
0x212: {  	[tilespmem:v4+s0+$0x0 ss:$0x1] =	vst.idx.msk $0xffff, v28;
	v29 =	vld.idx.msk [tilespmem:v3+s2+$0x10 ss:$0x1], $0xffff  }
0x213: {  	v8 =	vld.idx.msk [tilespmem:v3+s0+$0x10 ss:$0x1], $0xffff;
	_ =	sdelay $0x3  }
0x214: {  	v10 =	vmul.bf16 v29, v25  }
0x215: {  	v8 =	vmul.bf16 v8, v27  }
0x216: {  	[tilespmem:v4+s2+$0x10 ss:$0x1] =	vst.idx.msk $0xffff, v10  }
0x217: {  	s2 =	sshrl.u32 s20, $0x2;
	s20 =	sor.u32 $0x2C0, s30;
	[tilespmem:v4+s0+$0x10 ss:$0x1] =	vst.idx.msk $0xffff, v8  }
0x218: {  	s0 =	sshrl.u32 s31, $0x2;
	s31 =	sor.u32 $0x6C0, s30;
	[tilespmem:v5+s2+$0x0 ss:$0x1] =	vst.idx.msk $0xffff, v23;
	s2 =	sshrl.u32 s20, $0x1  }
0x219: {  	[tilespmem:v5+s0+$0x0 ss:$0x1] =	vst.idx.msk $0xffff, v26;
	s0 =	sshrl.u32 s31, $0x1;
	v9 =	vld.idx.msk [tilespmem:v3+s2+$0x0 ss:$0x1], $0xffff  }
0x21a: {  	v31 =	vld.idx.msk [tilespmem:v3+s0+$0x0 ss:$0x1], $0xffff  }
0x21b: {  	v30 =	vbroadcast v6, $0xB  }
0x21c: {  	v33 =	vbroadcast v7, $0xB  }
0x21d: {  	v32 =	vpack.i.f32.bf16 v30, v30  }
0x21e: {  	v34 =	vpack.i.f32.bf16 v33, v33;
	v9 =	vmul.bf16 v9, v32  }
0x21f: {  	v35 =	vmul.bf16 v31, v34  }
0x220: {  	[tilespmem:v4+s2+$0x0 ss:$0x1] =	vst.idx.msk $0xffff, v9  }
0x221: {  	[tilespmem:v4+s0+$0x0 ss:$0x1] =	vst.idx.msk $0xffff, v35;
	v36 =	vld.idx.msk [tilespmem:v3+s2+$0x10 ss:$0x1], $0xffff  }
0x222: {  	v9 =	vld.idx.msk [tilespmem:v3+s0+$0x10 ss:$0x1], $0xffff;
	_ =	sdelay $0x3  }
0x223: {  	v10 =	vmul.bf16 v36, v32  }
0x224: {  	v9 =	vmul.bf16 v9, v34  }
0x225: {  	[tilespmem:v4+s2+$0x10 ss:$0x1] =	vst.idx.msk $0xffff, v10  }
0x226: {  	s2 =	sshrl.u32 s20, $0x2;
	s20 =	sor.u32 $0x300, s30;
	[tilespmem:v4+s0+$0x10 ss:$0x1] =	vst.idx.msk $0xffff, v9  }
0x227: {  	s0 =	sshrl.u32 s31, $0x2;
	s31 =	sor.u32 $0x700, s30;
	[tilespmem:v5+s2+$0x0 ss:$0x1] =	vst.idx.msk $0xffff, v30;
	s2 =	sshrl.u32 s20, $0x1  }
0x228: {  	[tilespmem:v5+s0+$0x0 ss:$0x1] =	vst.idx.msk $0xffff, v33;
	s0 =	sshrl.u32 s31, $0x1;
	v8 =	vld.idx.msk [tilespmem:v3+s2+$0x0 ss:$0x1], $0xffff  }
0x229: {  	v38 =	vld.idx.msk [tilespmem:v3+s0+$0x0 ss:$0x1], $0xffff  }
0x22a: {  	v37 =	vbroadcast v6, $0xC  }
0x22b: {  	v40 =	vbroadcast v7, $0xC  }
0x22c: {  	v39 =	vpack.i.f32.bf16 v37, v37  }
0x22d: {  	v41 =	vpack.i.f32.bf16 v40, v40;
	v8 =	vmul.bf16 v8, v39  }
0x22e: {  	v42 =	vmul.bf16 v38, v41  }
0x22f: {  	[tilespmem:v4+s2+$0x0 ss:$0x1] =	vst.idx.msk $0xffff, v8  }
0x230: {  	[tilespmem:v4+s0+$0x0 ss:$0x1] =	vst.idx.msk $0xffff, v42;
	v43 =	vld.idx.msk [tilespmem:v3+s2+$0x10 ss:$0x1], $0xffff  }
0x231: {  	v8 =	vld.idx.msk [tilespmem:v3+s0+$0x10 ss:$0x1], $0xffff;
	_ =	sdelay $0x3  }
0x232: {  	v10 =	vmul.bf16 v43, v39  }
0x233: {  	v8 =	vmul.bf16 v8, v41  }
0x234: {  	[tilespmem:v4+s2+$0x10 ss:$0x1] =	vst.idx.msk $0xffff, v10  }
0x235: {  	s2 =	sshrl.u32 s20, $0x2;
	s20 =	sor.u32 $0x340, s30;
	[tilespmem:v4+s0+$0x10 ss:$0x1] =	vst.idx.msk $0xffff, v8  }
0x236: {  	s0 =	sshrl.u32 s31, $0x2;
	s31 =	sor.u32 $0x740, s30;
	[tilespmem:v5+s2+$0x0 ss:$0x1] =	vst.idx.msk $0xffff, v37;
	s2 =	sshrl.u32 s20, $0x1  }
0x237: {  	[tilespmem:v5+s0+$0x0 ss:$0x1] =	vst.idx.msk $0xffff, v40;
	s0 =	sshrl.u32 s31, $0x1;
	v9 =	vld.idx.msk [tilespmem:v3+s2+$0x0 ss:$0x1], $0xffff  }
0x238: {  	v45 =	vld.idx.msk [tilespmem:v3+s0+$0x0 ss:$0x1], $0xffff  }
0x239: {  	v44 =	vbroadcast v6, $0xD  }
0x23a: {  	v47 =	vbroadcast v7, $0xD  }
0x23b: {  	v46 =	vpack.i.f32.bf16 v44, v44  }
0x23c: {  	v48 =	vpack.i.f32.bf16 v47, v47;
	v9 =	vmul.bf16 v9, v46  }
0x23d: {  	v49 =	vmul.bf16 v45, v48  }
0x23e: {  	[tilespmem:v4+s2+$0x0 ss:$0x1] =	vst.idx.msk $0xffff, v9  }
0x23f: {  	[tilespmem:v4+s0+$0x0 ss:$0x1] =	vst.idx.msk $0xffff, v49;
	v50 =	vld.idx.msk [tilespmem:v3+s2+$0x10 ss:$0x1], $0xffff  }
0x240: {  	v9 =	vld.idx.msk [tilespmem:v3+s0+$0x10 ss:$0x1], $0xffff;
	_ =	sdelay $0x3  }
0x241: {  	v10 =	vmul.bf16 v50, v46  }
0x242: {  	v9 =	vmul.bf16 v9, v48  }
0x243: {  	[tilespmem:v4+s2+$0x10 ss:$0x1] =	vst.idx.msk $0xffff, v10  }
0x244: {  	s2 =	sshrl.u32 s20, $0x2;
	s20 =	sor.u32 $0x380, s30;
	[tilespmem:v4+s0+$0x10 ss:$0x1] =	vst.idx.msk $0xffff, v9  }
0x245: {  	s0 =	sshrl.u32 s31, $0x2;
	s31 =	sor.u32 $0x780, s30;
	[tilespmem:v5+s2+$0x0 ss:$0x1] =	vst.idx.msk $0xffff, v44;
	s2 =	sshrl.u32 s20, $0x1  }
0x246: {  	[tilespmem:v5+s0+$0x0 ss:$0x1] =	vst.idx.msk $0xffff, v47;
	s0 =	sshrl.u32 s31, $0x1;
	v8 =	vld.idx.msk [tilespmem:v3+s2+$0x0 ss:$0x1], $0xffff  }
0x247: {  	v52 =	vld.idx.msk [tilespmem:v3+s0+$0x0 ss:$0x1], $0xffff  }
0x248: {  	v51 =	vbroadcast v6, $0xE  }
0x249: {  	v54 =	vbroadcast v7, $0xE  }
0x24a: {  	v53 =	vpack.i.f32.bf16 v51, v51  }
0x24b: {  	v55 =	vpack.i.f32.bf16 v54, v54;
	v8 =	vmul.bf16 v8, v53  }
0x24c: {  	v56 =	vmul.bf16 v52, v55  }
0x24d: {  	[tilespmem:v4+s2+$0x0 ss:$0x1] =	vst.idx.msk $0xffff, v8  }
0x24e: {  	[tilespmem:v4+s0+$0x0 ss:$0x1] =	vst.idx.msk $0xffff, v56;
	v57 =	vld.idx.msk [tilespmem:v3+s2+$0x10 ss:$0x1], $0xffff  }
0x24f: {  	v8 =	vld.idx.msk [tilespmem:v3+s0+$0x10 ss:$0x1], $0xffff;
	_ =	sdelay $0x3  }
0x250: {  	v10 =	vmul.bf16 v57, v53  }
0x251: {  	v8 =	vmul.bf16 v8, v55  }
0x252: {  	[tilespmem:v4+s2+$0x10 ss:$0x1] =	vst.idx.msk $0xffff, v10  }
0x253: {  	s2 =	sshrl.u32 s20, $0x2;
	s20 =	sor.u32 $0x3C0, s30;
	[tilespmem:v4+s0+$0x10 ss:$0x1] =	vst.idx.msk $0xffff, v8  }
0x254: {  	s0 =	sshrl.u32 s31, $0x2;
	s30 =	sor.u32 $0x7C0, s30;
	[tilespmem:v5+s2+$0x0 ss:$0x1] =	vst.idx.msk $0xffff, v51;
	s2 =	sshrl.u32 s20, $0x1  }
0x255: {  	[tilespmem:v5+s0+$0x0 ss:$0x1] =	vst.idx.msk $0xffff, v54;
	s0 =	sshrl.u32 s30, $0x1;
	v58 =	vld.idx.msk [tilespmem:v3+s2+$0x0 ss:$0x1], $0xffff  }
0x256: {  	v59 =	vld.idx.msk [tilespmem:v3+s0+$0x0 ss:$0x1], $0xffff  }
0x257: {  	v6 =	vbroadcast v6, $0xF  }
0x258: {  	v7 =	vbroadcast v7, $0xF  }
0x259: {  	v60 =	vpack.i.f32.bf16 v6, v6  }
0x25a: {  	v61 =	vpack.i.f32.bf16 v7, v7;
	v8 =	vmul.bf16 v58, v60  }
0x25b: {  	v62 =	vmul.bf16 v59, v61  }
0x25c: {  	[tilespmem:v4+s2+$0x0 ss:$0x1] =	vst.idx.msk $0xffff, v8  }
0x25d: {  	[tilespmem:v4+s0+$0x0 ss:$0x1] =	vst.idx.msk $0xffff, v62;
	v63 =	vld.idx.msk [tilespmem:v3+s2+$0x10 ss:$0x1], $0xffff  }
0x25e: {  	v8 =	vld.idx.msk [tilespmem:v3+s0+$0x10 ss:$0x1], $0xffff;
	_ =	sdelay $0x3  }
0x25f: {  	p2 =	por p1, p1;
	v9 =	vmul.bf16 v63, v60  }
.Ltmp1:
0x260: {  	v8 =	vmul.bf16 v8, v61;
	(pc) =	sbr.rel @p2 .LBB2_5-.Ltmp1, $4  }
0x261: {  	[tilespmem:v4+s2+$0x10 ss:$0x1] =	vst.idx.msk $0xffff, v9  }
0x262: {  	s20 =	sshrl.u32 s20, $0x2;
	[tilespmem:v4+s0+$0x10 ss:$0x1] =	vst.idx.msk $0xffff, v8  }
0x263: {  	s30 =	sshrl.u32 s30, $0x2;
	[tilespmem:v5+s20+$0x0 ss:$0x1] =	vst.idx.msk $0xffff, v6  }
0x264: {  	p1 =	por $0x0, $0x0;
	s31 =	simm.s32 $0x20;
	[tilespmem:v5+s30+$0x0 ss:$0x1] =	vst.idx.msk $0xffff, v7  }
0x265: {  	v3 =	vld [tilespmem:$0x16FC0];
	_ =	sdelay $0x2  }
0x266: {  	v4 =	vld [tilespmem:s28+$0xF260];
	_ =	sdelay $0x1  }
0x267: {  	v5 =	vbroadcast v3, $0x0;
	_ =	sdelay $0x1  }
0x268: {  	s0 =	smul.u32 $0x2800, s29;
	v6 =	vpack.i.f32.bf16 v5, v5  }
0x269: {  	v4 =	vmul.bf16 v4, v6  }
0x26a: {  	s29 =	sshrl.u32 s0, $0x2  }
0x26b: {  	[tilespmem:s29+$0x15660] =	vst v4  }
0x26c: {  	v4 =	vld [tilespmem:s28+$0xF270];
	_ =	sdelay $0x4  }
0x26d: {  	v4 =	vmul.bf16 v4, v6;
	_ =	sdelay $0x1  }
0x26e: {  	[tilespmem:s29+$0x15670] =	vst v4  }
0x26f: {  	[tilespmem:s13+$0x173D0] =	vst v5  }
0x270: {  	v4 =	vld [tilespmem:s28+$0xF280];
	_ =	sdelay $0x1  }
0x271: {  	v35 =	vbroadcast v3, $0x1;
	_ =	sdelay $0x1  }
0x272: {  	v36 =	vpack.i.f32.bf16 v35, v35  }
0x273: {  	v4 =	vmul.bf16 v4, v36;
	_ =	sdelay $0x1  }
0x274: {  	[tilespmem:s29+$0x15680] =	vst v4  }
0x275: {  	v4 =	vld [tilespmem:s28+$0xF290];
	_ =	sdelay $0x4  }
0x276: {  	v4 =	vmul.bf16 v4, v36;
	_ =	sdelay $0x1  }
0x277: {  	[tilespmem:s29+$0x15690] =	vst v4  }
0x278: {  	[tilespmem:s13+$0x173E0] =	vst v35  }
0x279: {  	v4 =	vld [tilespmem:s28+$0xF2A0];
	_ =	sdelay $0x1  }
0x27a: {  	v37 =	vbroadcast v3, $0x2;
	_ =	sdelay $0x1  }
0x27b: {  	v38 =	vpack.i.f32.bf16 v37, v37  }
0x27c: {  	v4 =	vmul.bf16 v4, v38;
	_ =	sdelay $0x1  }
0x27d: {  	[tilespmem:s29+$0x156A0] =	vst v4  }
0x27e: {  	v4 =	vld [tilespmem:s28+$0xF2B0];
	_ =	sdelay $0x4  }
0x27f: {  	v4 =	vmul.bf16 v4, v38;
	_ =	sdelay $0x1  }
0x280: {  	[tilespmem:s29+$0x156B0] =	vst v4  }
0x281: {  	[tilespmem:s13+$0x173F0] =	vst v37  }
0x282: {  	v4 =	vld [tilespmem:s28+$0xF2C0];
	_ =	sdelay $0x1  }
0x283: {  	v39 =	vbroadcast v3, $0x3;
	_ =	sdelay $0x1  }
0x284: {  	v40 =	vpack.i.f32.bf16 v39, v39  }
0x285: {  	v4 =	vmul.bf16 v4, v40;
	_ =	sdelay $0x1  }
0x286: {  	[tilespmem:s29+$0x156C0] =	vst v4  }
0x287: {  	v4 =	vld [tilespmem:s28+$0xF2D0];
	_ =	sdelay $0x4  }
0x288: {  	v4 =	vmul.bf16 v4, v40;
	_ =	sdelay $0x1  }
0x289: {  	[tilespmem:s29+$0x156D0] =	vst v4  }
0x28a: {  	[tilespmem:s13+$0x17400] =	vst v39  }
0x28b: {  	v4 =	vld [tilespmem:s28+$0xF2E0];
	_ =	sdelay $0x1  }
0x28c: {  	v41 =	vbroadcast v3, $0x4;
	_ =	sdelay $0x1  }
0x28d: {  	v42 =	vpack.i.f32.bf16 v41, v41  }
0x28e: {  	v4 =	vmul.bf16 v4, v42;
	_ =	sdelay $0x1  }
0x28f: {  	[tilespmem:s29+$0x156E0] =	vst v4  }
0x290: {  	v4 =	vld [tilespmem:s28+$0xF2F0];
	_ =	sdelay $0x4  }
0x291: {  	v4 =	vmul.bf16 v4, v42;
	_ =	sdelay $0x1  }
0x292: {  	[tilespmem:s29+$0x156F0] =	vst v4  }
0x293: {  	[tilespmem:s13+$0x17410] =	vst v41  }
0x294: {  	v4 =	vld [tilespmem:s28+$0xF300];
	_ =	sdelay $0x1  }
0x295: {  	v43 =	vbroadcast v3, $0x5;
	_ =	sdelay $0x1  }
0x296: {  	v44 =	vpack.i.f32.bf16 v43, v43  }
0x297: {  	v4 =	vmul.bf16 v4, v44;
	_ =	sdelay $0x1  }
0x298: {  	[tilespmem:s29+$0x15700] =	vst v4  }
0x299: {  	v4 =	vld [tilespmem:s28+$0xF310];
	_ =	sdelay $0x4  }
0x29a: {  	v4 =	vmul.bf16 v4, v44;
	_ =	sdelay $0x1  }
0x29b: {  	[tilespmem:s29+$0x15710] =	vst v4  }
0x29c: {  	[tilespmem:s13+$0x17420] =	vst v43  }
0x29d: {  	v4 =	vld [tilespmem:s28+$0xF320];
	_ =	sdelay $0x1  }
0x29e: {  	v45 =	vbroadcast v3, $0x6;
	_ =	sdelay $0x1  }
0x29f: {  	v46 =	vpack.i.f32.bf16 v45, v45  }
0x2a0: {  	v4 =	vmul.bf16 v4, v46;
	_ =	sdelay $0x1  }
0x2a1: {  	[tilespmem:s29+$0x15720] =	vst v4  }
0x2a2: {  	v4 =	vld [tilespmem:s28+$0xF330];
	_ =	sdelay $0x4  }
0x2a3: {  	v4 =	vmul.bf16 v4, v46;
	_ =	sdelay $0x1  }
0x2a4: {  	[tilespmem:s29+$0x15730] =	vst v4  }
0x2a5: {  	[tilespmem:s13+$0x17430] =	vst v45  }
0x2a6: {  	v4 =	vld [tilespmem:s28+$0xF340];
	_ =	sdelay $0x1  }
0x2a7: {  	v47 =	vbroadcast v3, $0x7;
	_ =	sdelay $0x1  }
0x2a8: {  	v48 =	vpack.i.f32.bf16 v47, v47  }
0x2a9: {  	v4 =	vmul.bf16 v4, v48;
	_ =	sdelay $0x1  }
0x2aa: {  	[tilespmem:s29+$0x15740] =	vst v4  }
0x2ab: {  	v4 =	vld [tilespmem:s28+$0xF350];
	_ =	sdelay $0x4  }
0x2ac: {  	v4 =	vmul.bf16 v4, v48;
	_ =	sdelay $0x1  }
0x2ad: {  	[tilespmem:s29+$0x15750] =	vst v4  }
0x2ae: {  	[tilespmem:s13+$0x17440] =	vst v47  }
0x2af: {  	v4 =	vld [tilespmem:s28+$0xF360];
	_ =	sdelay $0x1  }
0x2b0: {  	v49 =	vbroadcast v3, $0x8;
	_ =	sdelay $0x1  }
0x2b1: {  	v50 =	vpack.i.f32.bf16 v49, v49  }
0x2b2: {  	v4 =	vmul.bf16 v4, v50;
	_ =	sdelay $0x1  }
0x2b3: {  	[tilespmem:s29+$0x15760] =	vst v4  }
0x2b4: {  	v4 =	vld [tilespmem:s28+$0xF370];
	_ =	sdelay $0x4  }
0x2b5: {  	v4 =	vmul.bf16 v4, v50;
	_ =	sdelay $0x1  }
0x2b6: {  	[tilespmem:s29+$0x15770] =	vst v4  }
0x2b7: {  	[tilespmem:s13+$0x17450] =	vst v49  }
0x2b8: {  	v4 =	vld [tilespmem:s28+$0xF380];
	_ =	sdelay $0x1  }
0x2b9: {  	v51 =	vbroadcast v3, $0x9;
	_ =	sdelay $0x1  }
0x2ba: {  	v52 =	vpack.i.f32.bf16 v51, v51  }
0x2bb: {  	v4 =	vmul.bf16 v4, v52;
	_ =	sdelay $0x1  }
0x2bc: {  	[tilespmem:s29+$0x15780] =	vst v4  }
0x2bd: {  	v4 =	vld [tilespmem:s28+$0xF390];
	_ =	sdelay $0x4  }
0x2be: {  	v4 =	vmul.bf16 v4, v52;
	_ =	sdelay $0x1  }
0x2bf: {  	[tilespmem:s29+$0x15790] =	vst v4  }
0x2c0: {  	[tilespmem:s13+$0x17460] =	vst v51  }
0x2c1: {  	v4 =	vld [tilespmem:s28+$0xF3A0];
	_ =	sdelay $0x1  }
0x2c2: {  	v53 =	vbroadcast v3, $0xA;
	_ =	sdelay $0x1  }
0x2c3: {  	v54 =	vpack.i.f32.bf16 v53, v53  }
0x2c4: {  	v4 =	vmul.bf16 v4, v54;
	_ =	sdelay $0x1  }
0x2c5: {  	[tilespmem:s29+$0x157A0] =	vst v4  }
0x2c6: {  	v4 =	vld [tilespmem:s28+$0xF3B0];
	_ =	sdelay $0x4  }
0x2c7: {  	v4 =	vmul.bf16 v4, v54;
	_ =	sdelay $0x1  }
0x2c8: {  	[tilespmem:s29+$0x157B0] =	vst v4  }
0x2c9: {  	[tilespmem:s13+$0x17470] =	vst v53  }
0x2ca: {  	v4 =	vld [tilespmem:s28+$0xF3C0];
	_ =	sdelay $0x1  }
0x2cb: {  	v55 =	vbroadcast v3, $0xB;
	_ =	sdelay $0x1  }
0x2cc: {  	v56 =	vpack.i.f32.bf16 v55, v55  }
0x2cd: {  	v4 =	vmul.bf16 v4, v56;
	_ =	sdelay $0x1  }
0x2ce: {  	[tilespmem:s29+$0x157C0] =	vst v4  }
0x2cf: {  	v4 =	vld [tilespmem:s28+$0xF3D0];
	_ =	sdelay $0x4  }
0x2d0: {  	v4 =	vmul.bf16 v4, v56;
	_ =	sdelay $0x1  }
0x2d1: {  	[tilespmem:s29+$0x157D0] =	vst v4  }
0x2d2: {  	[tilespmem:s13+$0x17480] =	vst v55  }
0x2d3: {  	v4 =	vld [tilespmem:s28+$0xF3E0];
	_ =	sdelay $0x1  }
0x2d4: {  	v57 =	vbroadcast v3, $0xC;
	_ =	sdelay $0x1  }
0x2d5: {  	v58 =	vpack.i.f32.bf16 v57, v57  }
0x2d6: {  	v4 =	vmul.bf16 v4, v58;
	_ =	sdelay $0x1  }
0x2d7: {  	[tilespmem:s29+$0x157E0] =	vst v4  }
0x2d8: {  	v4 =	vld [tilespmem:s28+$0xF3F0];
	_ =	sdelay $0x4  }
0x2d9: {  	v4 =	vmul.bf16 v4, v58;
	_ =	sdelay $0x1  }
0x2da: {  	[tilespmem:s29+$0x157F0] =	vst v4  }
0x2db: {  	[tilespmem:s13+$0x17490] =	vst v57  }
0x2dc: {  	v4 =	vld [tilespmem:s28+$0xF400];
	_ =	sdelay $0x1  }
0x2dd: {  	v59 =	vbroadcast v3, $0xD;
	_ =	sdelay $0x1  }
0x2de: {  	v60 =	vpack.i.f32.bf16 v59, v59  }
0x2df: {  	v4 =	vmul.bf16 v4, v60;
	_ =	sdelay $0x1  }
0x2e0: {  	[tilespmem:s29+$0x15800] =	vst v4  }
0x2e1: {  	v4 =	vld [tilespmem:s28+$0xF410];
	_ =	sdelay $0x4  }
0x2e2: {  	v4 =	vmul.bf16 v4, v60;
	_ =	sdelay $0x1  }
0x2e3: {  	[tilespmem:s29+$0x15810] =	vst v4  }
0x2e4: {  	[tilespmem:s13+$0x174A0] =	vst v59  }
0x2e5: {  	v4 =	vld [tilespmem:s28+$0xF420];
	_ =	sdelay $0x1  }
0x2e6: {  	v61 =	vbroadcast v3, $0xE;
	_ =	sdelay $0x1  }
0x2e7: {  	v62 =	vpack.i.f32.bf16 v61, v61  }
0x2e8: {  	v4 =	vmul.bf16 v4, v62;
	_ =	sdelay $0x1  }
0x2e9: {  	[tilespmem:s29+$0x15820] =	vst v4  }
0x2ea: {  	v4 =	vld [tilespmem:s28+$0xF430];
	_ =	sdelay $0x4  }
0x2eb: {  	v4 =	vmul.bf16 v4, v62;
	_ =	sdelay $0x1  }
0x2ec: {  	[tilespmem:s29+$0x15830] =	vst v4  }
0x2ed: {  	[tilespmem:s13+$0x174B0] =	vst v61  }
0x2ee: {  	v4 =	vld [tilespmem:s28+$0xF440];
	_ =	sdelay $0x1  }
0x2ef: {  	v3 =	vbroadcast v3, $0xF;
	_ =	sdelay $0x1  }
0x2f0: {  	v63 =	vpack.i.f32.bf16 v3, v3  }
0x2f1: {  	v4 =	vmul.bf16 v4, v63;
	_ =	sdelay $0x1  }
0x2f2: {  	[tilespmem:s29+$0x15840] =	vst v4  }
0x2f3: {  	v4 =	vld [tilespmem:s28+$0xF450];
	_ =	sdelay $0x4  }
0x2f4: {  	s26 =	sadd.s32 $0x1, s26;
	v4 =	vmul.bf16 v4, v63  }
0x2f5: {  	p1 =	sne.s32 s26, $0xFA  }
.Ltmp2:
0x2f6: {  	[tilespmem:s29+$0x15850] =	vst v4;
	(pc) =	sbr.rel @p1 .LBB2_4-.Ltmp2, $4  }
0x2f7: {  	s0 =	sadd.s32 $0x14E60, s29;
	[tilespmem:s13+$0x174C0] =	vst v3  }
0x2f8: {  	[spmem:s21] =	stream.indirect.scatter.add.bf16 [tilespmem:s0], [sflag:$0x2], $0x20, s4, s18, $0xb8;
	[tilespmem:$0x1F400] =	vst v63  }
0x2f9: {  	s0 =	simm.s32 @!p0 $0x50  }
0x2fa: {  	[spmem:s22] =	stream.indirect.scatter.add.f32 @!p0 [tilespmem:s14], [sflag:$0x3], $0x10, s4, s0, $0xb8;
	[tilespmem:$0x1F400] =	vst v63  }
0x2fb: {  	_ =	swait.ge [sflag:s24], $0xA00  }
0x2fc: {  	[sflag:s24] =	ssyncset.done $0x0  }
0x2fd: {  	[sflag:s24] =	ssyncadd.s32 $0xFFFFF600  }
0x2fe: {  	_ =	swait.ge [sflag:s24], $0xA00  }
0x2ff: {  	[sflag:s24] =	ssyncset.done $0x0  }
0x300: {  	s0 =	simm.s32 @!p0 $0x3;
	[sflag:s24] =	ssyncadd.s32 $0xFFFFF600  }
0x301: {  	_ =	swait.ge @!p0 [sflag:s0], $0x500  }
0x302: {  	[sflag:s0] =	ssyncset.done @!p0 $0x0  }
0x303: {  	[sflag:s0] =	ssyncadd.s32 @!p0 $0xFFFFFB00  }
0x304: {  	_ =	swait.ge @!p0 [sflag:s0], $0x500  }
0x305: {  	[sflag:s0] =	ssyncset.done @!p0 $0x0  }
0x306: {  	s20 =	stileid.u32;
	[sflag:s0] =	ssyncadd.s32 @!p0 $0xFFFFFB00  }
0x307: {  	s0 =	sshll.u32 s20, $0x6;
	[bflag:$0x0] =	sbarrier.arrive $0xFFFF  }
0x308: {  	s26 =	sshrl.u32 s3, $0x3;
	s4 =	sor.u32 $0x1C04, s0;
	s2 =	rddreg [dreg:$0x9]  }
0x309: {  	[hbm:s2], [sflag:s4] =	dma.local [spmem:s26], $0x140  }
0x30a: {  	_ =	swait.ge [sflag:s15], $0x140  }
0x30b: {  	s20 =	smov.u32 s3;
	[sflag:s15] =	ssyncset.done $0x0  }
0x30c: {  	s2 =	sshrl.u32 s5, $0x3;
	s3 =	rddreg [dreg:$0xa];
	[sflag:s15] =	ssyncadd.s32 $0xFFFFFEC0  }
0x30d: {  	[hbm:s3], [sflag:s4] =	dma.local [spmem:s2], $0x140  }
0x30e: {  	_ =	swait.ge [sflag:s15], $0x140  }
0x30f: {  	s28 =	smov.u32 s6;
	s26 =	smov.u32 s5;
	[sflag:s15] =	ssyncset.done $0x0  }
0x310: {  	s5 =	sshrl.u32 s6, $0x3;
	s6 =	rddreg [dreg:$0xb];
	[sflag:s15] =	ssyncadd.s32 $0xFFFFFEC0  }
0x311: {  	[hbm:s6], [sflag:s4] =	dma.local [spmem:s5], $0x140  }
0x312: {  	_ =	swait.ge [sflag:s15], $0x140  }
0x313: {  	[sflag:s15] =	ssyncset.done $0x0  }
0x314: {  	s13 =	sshrl.u32 s7, $0x3;
	s14 =	rddreg [dreg:$0xc];
	[sflag:s15] =	ssyncadd.s32 $0xFFFFFEC0  }
0x315: {  	[hbm:s14], [sflag:s4] =	dma.local [spmem:s13], $0x140  }
0x316: {  	_ =	swait.ge [sflag:s15], $0x140  }
0x317: {  	[sflag:s15] =	ssyncset.done $0x0  }
0x318: {  	s2 =	sshrl.u32 s8, $0x3;
	s3 =	rddreg [dreg:$0xd];
	[sflag:s15] =	ssyncadd.s32 $0xFFFFFEC0  }
0x319: {  	[hbm:s3], [sflag:s4] =	dma.local [spmem:s2], $0x140  }
0x31a: {  	_ =	swait.ge [sflag:s15], $0x140  }
0x31b: {  	[sflag:s15] =	ssyncset.done $0x0  }
0x31c: {  	s5 =	sshrl.u32 s9, $0x3;
	s6 =	rddreg [dreg:$0xe];
	[sflag:s15] =	ssyncadd.s32 $0xFFFFFEC0  }
0x31d: {  	[hbm:s6], [sflag:s4] =	dma.local [spmem:s5], $0x140  }
0x31e: {  	s29 =	smov.u32 s7;
	_ =	swait.ge [sflag:s15], $0x140  }
0x31f: {  	s30 =	smov.u32 s8;
	[sflag:s15] =	ssyncset.done $0x0;
	s7 =	rddreg [dreg:$0x1b]  }
0x320: {  	s8 =	rddreg [dreg:$0xf];
	[sflag:s15] =	ssyncadd.s32 $0xFFFFFEC0;
	s0 =	sshrl.u32 s7, $0x3  }
0x321: {  	[hbm:s8], [sflag:s4] =	dma.local [spmem:s0], $0x140  }
0x322: {  	_ =	swait.ge [sflag:s15], $0x140  }
0x323: {  	s31 =	smov.u32 s9;
	[sflag:s15] =	ssyncset.done $0x0;
	s9 =	rddreg [dreg:$0x1c]  }
0x324: {  	s13 =	rddreg [dreg:$0x10];
	[sflag:s15] =	ssyncadd.s32 $0xFFFFFEC0;
	s0 =	sshrl.u32 s9, $0x3  }
0x325: {  	[hbm:s13], [sflag:s4] =	dma.local [spmem:s0], $0x104  }
0x326: {  	_ =	swait.ge [sflag:s15], $0x104  }
0x327: {  	s2 =	sld [smem:$0x7FD]  }
0x328: {  	[sflag:s15] =	ssyncset.done $0x0  }
0x329: {  	s0 =	rddreg [dreg:$0x11];
	[sflag:s15] =	ssyncadd.s32 $0xFFFFFEFC  }
0x32a: {  	[hbm:s0], [sflag:s4] =	dma.local @!p0 [spmem:s2], $0xA0  }
0x32b: {  	s0 =	simm.s32 @!p0 $0x4  }
0x32c: {  	_ =	swait.ge @!p0 [sflag:s0], $0xA0  }
0x32d: {  	[sflag:s0] =	ssyncset.done @!p0 $0x0;
	s2 =	rddreg [dreg:$0x1e]  }
0x32e: {  	s13 =	rddreg [dreg:$0x12];
	[sflag:s0] =	ssyncadd.s32 @!p0 $0xFFFFFF60;
	s2 =	sshrl.u32 @!p0 s2, $0x3  }
0x32f: {  	[hbm:s13], [sflag:s4] =	dma.local @!p0 [spmem:s2], $0xA0  }
0x330: {  	_ =	swait.ge @!p0 [sflag:s0], $0xA0  }
0x331: {  	[sflag:s0] =	ssyncset.done @!p0 $0x0;
	s2 =	rddreg [dreg:$0x1f]  }
0x332: {  	s13 =	rddreg [dreg:$0x13];
	[sflag:s0] =	ssyncadd.s32 @!p0 $0xFFFFFF60;
	s2 =	sshrl.u32 @!p0 s2, $0x3  }
0x333: {  	[hbm:s13], [sflag:s4] =	dma.local @!p0 [spmem:s2], $0xA0  }
0x334: {  	_ =	swait.ge @!p0 [sflag:s0], $0xA0  }
0x335: {  	s2 =	sld [smem:$0x7F9];
	_ =	sdelay $0x1  }
0x336: {  	[sflag:s0] =	ssyncset.done @!p0 $0x0  }
0x337: {  	s13 =	rddreg [dreg:$0x14];
	[sflag:s0] =	ssyncadd.s32 @!p0 $0xFFFFFF60;
	s2 =	sshrl.u32 @!p0 s2, $0x3  }
0x338: {  	[hbm:s13], [sflag:s4] =	dma.local @!p0 [spmem:s2], $0xA0  }
0x339: {  	_ =	swait.ge @!p0 [sflag:s0], $0xA0  }
0x33a: {  	s2 =	sld [smem:$0x7FA];
	_ =	sdelay $0x1  }
0x33b: {  	[sflag:s0] =	ssyncset.done @!p0 $0x0  }
0x33c: {  	s13 =	rddreg [dreg:$0x15];
	[sflag:s0] =	ssyncadd.s32 @!p0 $0xFFFFFF60;
	s2 =	sshrl.u32 @!p0 s2, $0x3  }
0x33d: {  	[hbm:s13], [sflag:s4] =	dma.local @!p0 [spmem:s2], $0xA0  }
0x33e: {  	_ =	swait.ge @!p0 [sflag:s0], $0xA0  }
0x33f: {  	s2 =	sld [smem:$0x7FB];
	_ =	sdelay $0x1  }
0x340: {  	[sflag:s0] =	ssyncset.done @!p0 $0x0  }
0x341: {  	s13 =	rddreg [dreg:$0x16];
	[sflag:s0] =	ssyncadd.s32 @!p0 $0xFFFFFF60;
	s2 =	sshrl.u32 @!p0 s2, $0x3  }
0x342: {  	[hbm:s13], [sflag:s4] =	dma.local @!p0 [spmem:s2], $0xA0  }
0x343: {  	_ =	swait.ge @!p0 [sflag:s0], $0xA0  }
0x344: {  	[sflag:s0] =	ssyncset.done @!p0 $0x0  }
0x345: {  	s2 =	sshrl.u32 @!p0 s10, $0x3;
	s13 =	rddreg [dreg:$0x17];
	[sflag:s0] =	ssyncadd.s32 @!p0 $0xFFFFFF60  }
0x346: {  	[hbm:s13], [sflag:s4] =	dma.local @!p0 [spmem:s2], $0xA0  }
0x347: {  	_ =	swait.ge @!p0 [sflag:s0], $0xA0  }
0x348: {  	[sflag:s0] =	ssyncset.done @!p0 $0x0  }
0x349: {  	s2 =	sshrl.u32 @!p0 s12, $0x3;
	s13 =	rddreg [dreg:$0x18];
	[sflag:s0] =	ssyncadd.s32 @!p0 $0xFFFFFF60  }
0x34a: {  	[hbm:s13], [sflag:s4] =	dma.local @!p0 [spmem:s2], $0x82  }
0x34b: {  	_ =	swait.ge @!p0 [sflag:s0], $0x82  }
0x34c: {  	s14 =	sld [smem:$0x7FC];
	_ =	sdelay $0x1  }
0x34d: {  	s25 =	sadd.s32 $0x1, s25  }
0x34e: {  	p1 =	sne.s32 s25, s14  }
.Ltmp3:
0x34f: {  	_ = 	snop;
	(pc) =	sbr.rel @p1 .LBB2_1-.Ltmp3, $3  }
0x350: {  	_ =	sdelay $0x1  }
0x351: {  	[sflag:s0] =	ssyncset.done @!p0 $0x0  }
0x352: {  	[sflag:s0] =	ssyncadd.s32 @!p0 $0xFFFFFF7E  }
0x353: {  	_ =	sfence.sel $0x180000  }
0x354: {  	[bflag:$0x0] =	sbarrier.arrive $0xFFFF  }
0x355: {  	_ =	strace $0x90000047  }
0x356: {  	s0 =	stileid.u32;
	[bflag:$0x2] =	sbarrier.arrive $0xFFFF  }
0x357: {  	p0 =	sne.s32 s0, $0x0;
	s0 =	rddreg [dreg:$0x6]  }
0x358: {  	s0 =	sadd.s32 @!p0 $0x100000, s0  }
0x359: {  	[sflag:s0] =	ssyncadd.tile.s32 @!p0 $0x1;
	_ =	shalt  }
.Lfunc_end2:
_tile_overlayer_lowered:
.L_overlay_start_2:
0x35a: {  	(tag) =	ssettag $0x2  }
0x35b: {  	s0 =	rddreg [dreg:$0x0];
	s2 =	stileid.u32  }
0x35c: {  	s1 =	rddreg [dreg:$0x1];
	p0 =	sne.s32 s2, $0x0  }
0x35d: {  	s3 =	rddreg [dreg:$0x2];
	[bflag:$0x3] =	sbarrier.arrive $0xFFFF;
	s2 =	simm.s32 @!p0 $0x1C04  }
0x35e: {  	[timem:s3], [sflag:s2] =	dma.local @!p0 [hbm:s0], s1  }
0x35f: {  	s0 =	simm.s32 @!p0 $0x4  }
0x360: {  	_ =	swait.ge @!p0 [sflag:s0], s1  }
0x361: {  	s1 =	ssub.s32 @!p0 $0x0, s1;
	[sflag:s0] =	ssyncset.done @!p0 $0x0  }
0x362: {  	[sflag:s0] =	ssyncadd.s32 @!p0 s1  }
0x363: {  	[bflag:$0x3] =	sbarrier.arrive $0xFFFF  }
0x364: {  	_ =	shalt  }

</sc_bundles>
